<compile_context>
chip_gen: v7x
topology: tpu7x:2x2x1
jax: 0.10.2.dev20260603
libtpu: 0.0.44.dev20260713+nightly
codegen_flags: <defaults>
</compile_context>

<pallas_src>
import dataclasses
import functools

import jax
import jax.numpy as jnp
from jax import lax
from jax.experimental import pallas as pl
from jax.experimental.pallas import tpu as pltpu
from jax.experimental.pallas import tpu_sc as plsc

_GENE_BLOCK = 200
_WORKERS_PER_CORE = 4
_NUM_WORKERS = 2 * _WORKERS_PER_CORE
_LANES = 16


def _sc_gather(ctab, idx, dim, n_rows):
    n_idx = idx.shape[0]
    chunk = n_idx // _NUM_WORKERS
    mesh = plsc.VectorSubcoreMesh(core_axis_name="c", subcore_axis_name="s")
    cp = pltpu.CompilerParams()
    if "needs_layout_passes" in pltpu.CompilerParams.__dataclass_fields__:
        cp = dataclasses.replace(cp, needs_layout_passes=False)

    ncols = dim + 1

    @pl.kernel(
        compiler_params=cp,
        out_type=jax.ShapeDtypeStruct((n_idx * ncols,), jnp.float32),
        mesh=mesh,
        scratch_types=[
            pltpu.VMEM((n_rows * ncols,), jnp.float32),
            pltpu.VMEM((chunk,), jnp.int32),
            pltpu.VMEM((chunk * ncols,), jnp.float32),
        ],
    )
    def gather_kernel(t_hbm, i_hbm, out_hbm, tab, idxb, outb):
        s = lax.axis_index("s")
        wid = lax.axis_index("c") * _WORKERS_PER_CORE + s
        base = wid * chunk

        @pl.when(s < _WORKERS_PER_CORE)
        def _():
            pltpu.sync_copy(t_hbm, tab)
            pltpu.sync_copy(i_hbm.at[pl.ds(base, chunk)], idxb)
            for k in range(chunk // _LANES):
                idxv = idxb[pl.ds(k * _LANES, _LANES)]
                pos = (lax.iota(jnp.int32, _LANES) + (k * _LANES)) * ncols
                for d in range(ncols):
                    vals = plsc.load_gather(tab, [idxv + (d * n_rows)])
                    plsc.store_scatter(outb, [pos + d], vals)
            pltpu.sync_copy(outb, out_hbm.at[pl.ds(base * ncols, chunk * ncols)])

    return gather_kernel(ctab, idx).reshape(n_idx, ncols)


def _tc_body(x_ref, w_ref, o_ref, *, dim: int):
    w = w_ref[...]
    acc = w[:, dim:dim + 1] + x_ref[0] * w[:, 0:1]
    for d in range(1, dim):
        acc = acc + x_ref[d] * w[:, d:d + 1]
    o_ref[...] = acc


def _expression_tc(xt, w6):
    dim, genes, cells = xt.shape
    body = functools.partial(_tc_body, dim=dim)
    out_t = pl.pallas_call(
        body,
        grid=(genes // _GENE_BLOCK,),
        in_specs=[
            pl.BlockSpec((dim, _GENE_BLOCK, cells), lambda j: (0, j, 0)),
            pl.BlockSpec((_GENE_BLOCK, dim + 1), lambda j: (j, 0)),
        ],
        out_specs=pl.BlockSpec((_GENE_BLOCK, cells), lambda j: (j, 0)),
        out_shape=jax.ShapeDtypeStruct((genes, cells), jnp.float32),
    )(xt, w6)
    return out_t


def kernel(cell_gene_embedding, gene_ix, weight1, bias1):
    genes = gene_ix.shape[0]
    pad_to = _NUM_WORKERS * _LANES
    padded = ((genes + pad_to - 1) // pad_to) * pad_to
    idx = jnp.pad(gene_ix, (0, padded - genes))
    n_rows, dim = weight1.shape
    ctab = jnp.concatenate([weight1.T.reshape(-1), bias1.reshape(-1)])
    w6 = _sc_gather(ctab, idx, dim, n_rows)
    xt = jnp.transpose(cell_gene_embedding, (2, 1, 0))
    out_t = _expression_tc(xt, w6)
    return out_t.T

# --- scband reference (transcript-rebuilt; emitter-appended) ---
"""Pipeline reference for scband-embedding-to-expression-77841987272824 (READ-ONLY COPY).

The authoritative reference and input builder live on the scoring server;
editing this copy changes nothing except your own understanding.
"""

import jax, jax.numpy as jnp
import numpy as np

N_GENES = 20000
D = 5
CELLS = 1024
G = 5000


def setup_inputs(seed: int = 0) -> dict:
    key = jax.random.key(seed)
    k1, k2, k3 = jax.random.split(key, 3)
    cell_gene_embedding = jax.random.normal(k1, (CELLS, G, D), dtype=jnp.float32)
    gene_ix = jax.random.randint(k2, (G,), 0, N_GENES, dtype=jnp.int32)
    # weight1: EmbeddingTensor(n_genes, (D,)) with initialization='ones'
    weight1 = jnp.ones((N_GENES, D), dtype=jnp.float32)
    # bias1: EmbeddingTensor(n_genes, (1,)) holding mean_gene_expression (frozen)
    bias1 = jax.random.normal(k3, (N_GENES, 1), dtype=jnp.float32)
    return {
        "cell_gene_embedding": cell_gene_embedding,
        "gene_ix": gene_ix,
        "weight1": weight1,
        "bias1": bias1,
    }


def reference(cell_gene_embedding, gene_ix, weight1, bias1):
    # EmbeddingTensor lookup: table[gene_ix] reshaped to (*gene_ix.shape, *dims)
    w = jnp.take(weight1, gene_ix, axis=0)            # [G, D]
    b = jnp.take(bias1, gene_ix, axis=0)[..., 0]      # [G]  (trailing (1,) dim squeezed)
    out = (cell_gene_embedding * w).sum(-1) + b       # [CELLS, G]
    return out

if __name__ == "__main__":
    import jax
    _d = setup_inputs()
    print(jax.jit(kernel)(*tuple(_d.values())))

</pallas_src>

<mosaic_0001>
#map = affine_map<(d0, d1) -> (0)>
module attributes {stable_mosaic.version = 14 : i64} {
  func.func @gather_kernel(%arg0: i32, %arg1: i32, %arg2: memref<120000xf32, #tpu.memory_space<hbm>>, %arg3: memref<5120xi32, #tpu.memory_space<hbm>>, %arg4: memref<30720xf32, #tpu.memory_space<hbm>>, %arg5: memref<120000xf32, #tpu.memory_space<vmem>>, %arg6: memref<640xi32, #tpu.memory_space<vmem>>, %arg7: memref<3840xf32, #tpu.memory_space<vmem>>) attributes {dimension_semantics = [#tpu.dimension_semantics<core_parallel>, #tpu.dimension_semantics<subcore_parallel>], iteration_bounds = array<i64: 2, 16>, scalar_prefetch = 0 : i64, scratch_operands = 3 : i64, tpu.core_type = #tpu.core_type<sc_vector_subcore>, window_params = [{transform_indices = #map}, {transform_indices = #map}, {transform_indices = #map}]} {
    %mul3A = arith.constant 4 : i32
    %mul3A_0 = arith.muli %arg0, %mul3A : i32
    %add3A = arith.addi %mul3A_0, %arg1 : i32
    %mul3A_1 = arith.constant 640 : i32
    %mul3A_2 = arith.muli %add3A, %mul3A_1 : i32
    %lt3A = arith.constant 4 : i32
    %lt3A_3 = arith.cmpi slt, %arg1, %lt3A : i32
    %convert_element_type3A = arith.extui %lt3A_3 : i1 to i32
    %cond3A = arith.constant 0 : i32
    %cond3A_4 = arith.cmpi ne, %convert_element_type3A, %cond3A : i32
    scf.if %cond3A_4 {
      "tpu.region"() ({
        %run_scoped3A = tpu.sem_alloc : memref<!tpu.dma_semaphore, #tpu.memory_space<semaphore_mem>>
        tpu.enqueue_dma source(%arg2 : memref<120000xf32, #tpu.memory_space<hbm>>) target(%arg5 : memref<120000xf32, #tpu.memory_space<vmem>>) target_semaphore(%run_scoped3A : memref<!tpu.dma_semaphore, #tpu.memory_space<semaphore_mem>>)
        tpu.wait_dma2 semaphore(%run_scoped3A : memref<!tpu.dma_semaphore, #tpu.memory_space<semaphore_mem>>) src(%arg2 : memref<120000xf32, #tpu.memory_space<hbm>>) dst(%arg5 : memref<120000xf32, #tpu.memory_space<vmem>>)
        tpu.yield
      }) : () -> ()
      "tpu.region"() ({
        %run_scoped3A = tpu.sem_alloc : memref<!tpu.dma_semaphore, #tpu.memory_space<semaphore_mem>>
        %dma_start3A = tpu.memref_slice %arg3[%mul3A_2] : memref<5120xi32, #tpu.memory_space<hbm>> -> memref<640xi32, #tpu.memory_space<hbm>>
        %dma_start3A_2044 = tpu.memref_slice %arg3[%mul3A_2] : memref<5120xi32, #tpu.memory_space<hbm>> -> memref<640xi32, #tpu.memory_space<hbm>>
        tpu.enqueue_dma source(%dma_start3A_2044 : memref<640xi32, #tpu.memory_space<hbm>>) target(%arg6 : memref<640xi32, #tpu.memory_space<vmem>>) target_semaphore(%run_scoped3A : memref<!tpu.dma_semaphore, #tpu.memory_space<semaphore_mem>>)
        %dma_wait3A = tpu.memref_slice %arg3[%mul3A_2] : memref<5120xi32, #tpu.memory_space<hbm>> -> memref<640xi32, #tpu.memory_space<hbm>>
        %dma_wait3A_2045 = tpu.memref_slice %arg3[%mul3A_2] : memref<5120xi32, #tpu.memory_space<hbm>> -> memref<640xi32, #tpu.memory_space<hbm>>
        tpu.wait_dma2 semaphore(%run_scoped3A : memref<!tpu.dma_semaphore, #tpu.memory_space<semaphore_mem>>) src(%dma_wait3A_2045 : memref<640xi32, #tpu.memory_space<hbm>>) dst(%arg6 : memref<640xi32, #tpu.memory_space<vmem>>)
        tpu.yield
      }) : () -> ()
      %get3A = arith.constant 0 : index
      %get3A_5 = tpu.vector_load %arg6[%get3A] {strides = array<i32>} : memref<640xi32, #tpu.memory_space<vmem>>, vector<16xi32>,
      %iota3A = tpu.iota {dimensions = array<i32: 0>} : vector<16xi32>
      %add3A_6 = arith.constant 0 : i32
      %add3A_7 = vector.broadcast %add3A_6 : i32 to vector<16xi32>
      %add3A_8 = arith.addi %iota3A, %add3A_7 : vector<16xi32>
      %mul3A_9 = arith.constant 6 : i32
      %mul3A_10 = vector.broadcast %mul3A_9 : i32 to vector<16xi32>
      %mul3A_11 = arith.muli %add3A_8, %mul3A_10 : vector<16xi32>
      %add3A_12 = arith.constant 0 : i32
      %add3A_13 = vector.broadcast %add3A_12 : i32 to vector<16xi32>
      %add3A_14 = arith.addi %get3A_5, %add3A_13 : vector<16xi32>
      %gather3A = tpu.vector_load_idx %arg5[%add3A_14] : memref<120000xf32, #tpu.memory_space<vmem>>[vector<16xi32>], vector<16xf32>,
      %add3A_15 = arith.constant 0 : i32
      %add3A_16 = vector.broadcast %add3A_15 : i32 to vector<16xi32>
      %add3A_17 = arith.addi %mul3A_11, %add3A_16 : vector<16xi32>
      tpu.vector_store_idx %arg7[%add3A_17], %gather3A : memref<3840xf32, #tpu.memory_space<vmem>>[vector<16xi32>], vector<16xf32>,
      %add3A_18 = arith.constant 20000 : i32
      %add3A_19 = vector.broadcast %add3A_18 : i32 to vector<16xi32>
      %add3A_20 = arith.addi %get3A_5, %add3A_19 : vector<16xi32>
      %gather3A_21 = tpu.vector_load_idx %arg5[%add3A_20] : memref<120000xf32, #tpu.memory_space<vmem>>[vector<16xi32>], vector<16xf32>,
      %add3A_22 = arith.constant 1 : i32
      %add3A_23 = vector.broadcast %add3A_22 : i32 to vector<16xi32>
      %add3A_24 = arith.addi %mul3A_11, %add3A_23 : vector<16xi32>
      tpu.vector_store_idx %arg7[%add3A_24], %gather3A_21 : memref<3840xf32, #tpu.memory_space<vmem>>[vector<16xi32>], vector<16xf32>,
      %add3A_25 = arith.constant 40000 : i32
      %add3A_26 = vector.broadcast %add3A_25 : i32 to vector<16xi32>
      %add3A_27 = arith.addi %get3A_5, %add3A_26 : vector<16xi32>
      %gather3A_28 = tpu.vector_load_idx %arg5[%add3A_27] : memref<120000xf32, #tpu.memory_space<vmem>>[vector<16xi32>], vector<16xf32>,
      %add3A_29 = arith.constant 2 : i32
      %add3A_30 = vector.broadcast %add3A_29 : i32 to vector<16xi32>
      %add3A_31 = arith.addi %mul3A_11, %add3A_30 : vector<16xi32>
      tpu.vector_store_idx %arg7[%add3A_31], %gather3A_28 : memref<3840xf32, #tpu.memory_space<vmem>>[vector<16xi32>], vector<16xf32>,
      %add3A_32 = arith.constant 60000 : i32
      %add3A_33 = vector.broadcast %add3A_32 : i32 to vector<16xi32>
      %add3A_34 = arith.addi %get3A_5, %add3A_33 : vector<16xi32>
      %gather3A_35 = tpu.vector_load_idx %arg5[%add3A_34] : memref<120000xf32, #tpu.memory_space<vmem>>[vector<16xi32>], vector<16xf32>,
      %add3A_36 = arith.constant 3 : i32
      %add3A_37 = vector.broadcast %add3A_36 : i32 to vector<16xi32>
      %add3A_38 = arith.addi %mul3A_11, %add3A_37 : vector<16xi32>
      tpu.vector_store_idx %arg7[%add3A_38], %gather3A_35 : memref<3840xf32, #tpu.memory_space<vmem>>[vector<16xi32>], vector<16xf32>,
      %add3A_39 = arith.constant 80000 : i32
      %add3A_40 = vector.broadcast %add3A_39 : i32 to vector<16xi32>
      %add3A_41 = arith.addi %get3A_5, %add3A_40 : vector<16xi32>
      %gather3A_42 = tpu.vector_load_idx %arg5[%add3A_41] : memref<120000xf32, #tpu.memory_space<vmem>>[vector<16xi32>], vector<16xf32>,
      %add3A_43 = arith.constant 4 : i32
      %add3A_44 = vector.broadcast %add3A_43 : i32 to vector<16xi32>
      %add3A_45 = arith.addi %mul3A_11, %add3A_44 : vector<16xi32>
      tpu.vector_store_idx %arg7[%add3A_45], %gather3A_42 : memref<3840xf32, #tpu.memory_space<vmem>>[vector<16xi32>], vector<16xf32>,
      %add3A_46 = arith.constant 100000 : i32
      %add3A_47 = vector.broadcast %add3A_46 : i32 to vector<16xi32>
      %add3A_48 = arith.addi %get3A_5, %add3A_47 : vector<16xi32>
      %gather3A_49 = tpu.vector_load_idx %arg5[%add3A_48] : memref<120000xf32, #tpu.memory_space<vmem>>[vector<16xi32>], vector<16xf32>,
      %add3A_50 = arith.constant 5 : i32
      %add3A_51 = vector.broadcast %add3A_50 : i32 to vector<16xi32>
      %add3A_52 = arith.addi %mul3A_11, %add3A_51 : vector<16xi32>
      tpu.vector_store_idx %arg7[%add3A_52], %gather3A_49 : memref<3840xf32, #tpu.memory_space<vmem>>[vector<16xi32>], vector<16xf32>,
      %get3A_53 = arith.constant 16 : index
      %get3A_54 = tpu.vector_load %arg6[%get3A_53] {strides = array<i32>} : memref<640xi32, #tpu.memory_space<vmem>>, vector<16xi32>,
      %iota3A_55 = tpu.iota {dimensions = array<i32: 0>} : vector<16xi32>
      %add3A_56 = arith.constant 16 : i32
      %add3A_57 = vector.broadcast %add3A_56 : i32 to vector<16xi32>
      %add3A_58 = arith.addi %iota3A_55, %add3A_57 : vector<16xi32>
      %mul3A_59 = arith.constant 6 : i32
      %mul3A_60 = vector.broadcast %mul3A_59 : i32 to vector<16xi32>
      %mul3A_61 = arith.muli %add3A_58, %mul3A_60 : vector<16xi32>
      %add3A_62 = arith.constant 0 : i32
      %add3A_63 = vector.broadcast %add3A_62 : i32 to vector<16xi32>
      %add3A_64 = arith.addi %get3A_54, %add3A_63 : vector<16xi32>
      %gather3A_65 = tpu.vector_load_idx %arg5[%add3A_64] : memref<120000xf32, #tpu.memory_space<vmem>>[vector<16xi32>], vector<16xf32>,
      %add3A_66 = arith.constant 0 : i32
      %add3A_67 = vector.broadcast %add3A_66 : i32 to vector<16xi32>
      %add3A_68 = arith.addi %mul3A_61, %add3A_67 : vector<16xi32>
      tpu.vector_store_idx %arg7[%add3A_68], %gather3A_65 : memref<3840xf32, #tpu.memory_space<vmem>>[vector<16xi32>], vector<16xf32>,
      %add3A_69 = arith.constant 20000 : i32
      %add3A_70 = vector.broadcast %add3A_69 : i32 to vector<16xi32>
      %add3A_71 = arith.addi %get3A_54, %add3A_70 : vector<16xi32>
      %gather3A_72 = tpu.vector_load_idx %arg5[%add3A_71] : memref<120000xf32, #tpu.memory_space<vmem>>[vector<16xi32>], vector<16xf32>,
      %add3A_73 = arith.constant 1 : i32
      %add3A_74 = vector.broadcast %add3A_73 : i32 to vector<16xi32>
      %add3A_75 = arith.addi %mul3A_61, %add3A_74 : vector<16xi32>
      tpu.vector_store_idx %arg7[%add3A_75], %gather3A_72 : memref<3840xf32, #tpu.memory_space<vmem>>[vector<16xi32>], vector<16xf32>,
      %add3A_76 = arith.constant 40000 : i32
      %add3A_77 = vector.broadcast %add3A_76 : i32 to vector<16xi32>
      %add3A_78 = arith.addi %get3A_54, %add3A_77 : vector<16xi32>
      %gather3A_79 = tpu.vector_load_idx %arg5[%add3A_78] : memref<120000xf32, #tpu.memory_space<vmem>>[vector<16xi32>], vector<16xf32>,
      %add3A_80 = arith.constant 2 : i32
      %add3A_81 = vector.broadcast %add3A_80 : i32 to vector<16xi32>
      %add3A_82 = arith.addi %mul3A_61, %add3A_81 : vector<16xi32>
      tpu.vector_store_idx %arg7[%add3A_82], %gather3A_79 : memref<3840xf32, #tpu.memory_space<vmem>>[vector<16xi32>], vector<16xf32>,
      %add3A_83 = arith.constant 60000 : i32
      %add3A_84 = vector.broadcast %add3A_83 : i32 to vector<16xi32>
      %add3A_85 = arith.addi %get3A_54, %add3A_84 : vector<16xi32>
      %gather3A_86 = tpu.vector_load_idx %arg5[%add3A_85] : memref<120000xf32, #tpu.memory_space<vmem>>[vector<16xi32>], vector<16xf32>,
      %add3A_87 = arith.constant 3 : i32
      %add3A_88 = vector.broadcast %add3A_87 : i32 to vector<16xi32>
      %add3A_89 = arith.addi %mul3A_61, %add3A_88 : vector<16xi32>
      tpu.vector_store_idx %arg7[%add3A_89], %gather3A_86 : memref<3840xf32, #tpu.memory_space<vmem>>[vector<16xi32>], vector<16xf32>,
      %add3A_90 = arith.constant 80000 : i32
      %add3A_91 = vector.broadcast %add3A_90 : i32 to vector<16xi32>
      %add3A_92 = arith.addi %get3A_54, %add3A_91 : vector<16xi32>
      %gather3A_93 = tpu.vector_load_idx %arg5[%add3A_92] : memref<120000xf32, #tpu.memory_space<vmem>>[vector<16xi32>], vector<16xf32>,
      %add3A_94 = arith.constant 4 : i32
      %add3A_95 = vector.broadcast %add3A_94 : i32 to vector<16xi32>
      %add3A_96 = arith.addi %mul3A_61, %add3A_95 : vector<16xi32>
      tpu.vector_store_idx %arg7[%add3A_96], %gather3A_93 : memref<3840xf32, #tpu.memory_space<vmem>>[vector<16xi32>], vector<16xf32>,
      %add3A_97 = arith.constant 100000 : i32
      %add3A_98 = vector.broadcast %add3A_97 : i32 to vector<16xi32>
      %add3A_99 = arith.addi %get3A_54, %add3A_98 : vector<16xi32>
      %gather3A_100 = tpu.vector_load_idx %arg5[%add3A_99] : memref<120000xf32, #tpu.memory_space<vmem>>[vector<16xi32>], vector<16xf32>,
      %add3A_101 = arith.constant 5 : i32
      %add3A_102 = vector.broadcast %add3A_101 : i32 to vector<16xi32>
      %add3A_103 = arith.addi %mul3A_61, %add3A_102 : vector<16xi32>
      tpu.vector_store_idx %arg7[%add3A_103], %gather3A_100 : memref<3840xf32, #tpu.memory_space<vmem>>[vector<16xi32>], vector<16xf32>,
      %get3A_104 = arith.constant 32 : index
      %get3A_105 = tpu.vector_load %arg6[%get3A_104] {strides = array<i32>} : memref<640xi32, #tpu.memory_space<vmem>>, vector<16xi32>,
      %iota3A_106 = tpu.iota {dimensions = array<i32: 0>} : vector<16xi32>
      %add3A_107 = arith.constant 32 : i32
      %add3A_108 = vector.broadcast %add3A_107 : i32 to vector<16xi32>
      %add3A_109 = arith.addi %iota3A_106, %add3A_108 : vector<16xi32>
      %mul3A_110 = arith.constant 6 : i32
      %mul3A_111 = vector.broadcast %mul3A_110 : i32 to vector<16xi32>
      %mul3A_112 = arith.muli %add3A_109, %mul3A_111 : vector<16xi32>
      %add3A_113 = arith.constant 0 : i32
      %add3A_114 = vector.broadcast %add3A_113 : i32 to vector<16xi32>
      %add3A_115 = arith.addi %get3A_105, %add3A_114 : vector<16xi32>
      %gather3A_116 = tpu.vector_load_idx %arg5[%add3A_115] : memref<120000xf32, #tpu.memory_space<vmem>>[vector<16xi32>], vector<16xf32>,
      %add3A_117 = arith.constant 0 : i32
      %add3A_118 = vector.broadcast %add3A_117 : i32 to vector<16xi32>
      %add3A_119 = arith.addi %mul3A_112, %add3A_118 : vector<16xi32>
      tpu.vector_store_idx %arg7[%add3A_119], %gather3A_116 : memref<3840xf32, #tpu.memory_space<vmem>>[vector<16xi32>], vector<16xf32>,
      %add3A_120 = arith.constant 20000 : i32
      %add3A_121 = vector.broadcast %add3A_120 : i32 to vector<16xi32>
      %add3A_122 = arith.addi %get3A_105, %add3A_121 : vector<16xi32>
      %gather3A_123 = tpu.vector_load_idx %arg5[%add3A_122] : memref<120000xf32, #tpu.memory_space<vmem>>[vector<16xi32>], vector<16xf32>,
      %add3A_124 = arith.constant 1 : i32
      %add3A_125 = vector.broadcast %add3A_124 : i32 to vector<16xi32>
      %add3A_126 = arith.addi %mul3A_112, %add3A_125 : vector<16xi32>
      tpu.vector_store_idx %arg7[%add3A_126], %gather3A_123 : memref<3840xf32, #tpu.memory_space<vmem>>[vector<16xi32>], vector<16xf32>,
      %add3A_127 = arith.constant 40000 : i32
      %add3A_128 = vector.broadcast %add3A_127 : i32 to vector<16xi32>
      %add3A_129 = arith.addi %get3A_105, %add3A_128 : vector<16xi32>
      %gather3A_130 = tpu.vector_load_idx %arg5[%add3A_129] : memref<120000xf32, #tpu.memory_space<vmem>>[vector<16xi32>], vector<16xf32>,
      %add3A_131 = arith.constant 2 : i32
      %add3A_132 = vector.broadcast %add3A_131 : i32 to vector<16xi32>
      %add3A_133 = arith.addi %mul3A_112, %add3A_132 : vector<16xi32>
      tpu.vector_store_idx %arg7[%add3A_133], %gather3A_130 : memref<3840xf32, #tpu.memory_space<vmem>>[vector<16xi32>], vector<16xf32>,
      %add3A_134 = arith.constant 60000 : i32
      %add3A_135 = vector.broadcast %add3A_134 : i32 to vector<16xi32>
      %add3A_136 = arith.addi %get3A_105, %add3A_135 : vector<16xi32>
      %gather3A_137 = tpu.vector_load_idx %arg5[%add3A_136] : memref<120000xf32, #tpu.memory_space<vmem>>[vector<16xi32>], vector<16xf32>,
      %add3A_138 = arith.constant 3 : i32
      %add3A_139 = vector.broadcast %add3A_138 : i32 to vector<16xi32>
      %add3A_140 = arith.addi %mul3A_112, %add3A_139 : vector<16xi32>
      tpu.vector_store_idx %arg7[%add3A_140], %gather3A_137 : memref<3840xf32, #tpu.memory_space<vmem>>[vector<16xi32>], vector<16xf32>,
      %add3A_141 = arith.constant 80000 : i32
      %add3A_142 = vector.broadcast %add3A_141 : i32 to vector<16xi32>
      %add3A_143 = arith.addi %get3A_105, %add3A_142 : vector<16xi32>
      %gather3A_144 = tpu.vector_load_idx %arg5[%add3A_143] : memref<120000xf32, #tpu.memory_space<vmem>>[vector<16xi32>], vector<16xf32>,
      %add3A_145 = arith.constant 4 : i32
      %add3A_146 = vector.broadcast %add3A_145 : i32 to vector<16xi32>
      %add3A_147 = arith.addi %mul3A_112, %add3A_146 : vector<16xi32>
      tpu.vector_store_idx %arg7[%add3A_147], %gather3A_144 : memref<3840xf32, #tpu.memory_space<vmem>>[vector<16xi32>], vector<16xf32>,
      %add3A_148 = arith.constant 100000 : i32
      %add3A_149 = vector.broadcast %add3A_148 : i32 to vector<16xi32>
      %add3A_150 = arith.addi %get3A_105, %add3A_149 : vector<16xi32>
      %gather3A_151 = tpu.vector_load_idx %arg5[%add3A_150] : memref<120000xf32, #tpu.memory_space<vmem>>[vector<16xi32>], vector<16xf32>,
      %add3A_152 = arith.constant 5 : i32
      %add3A_153 = vector.broadcast %add3A_152 : i32 to vector<16xi32>
      %add3A_154 = arith.addi %mul3A_112, %add3A_153 : vector<16xi32>
      tpu.vector_store_idx %arg7[%add3A_154], %gather3A_151 : memref<3840xf32, #tpu.memory_space<vmem>>[vector<16xi32>], vector<16xf32>,
      %get3A_155 = arith.constant 48 : index
      %get3A_156 = tpu.vector_load %arg6[%get3A_155] {strides = array<i32>} : memref<640xi32, #tpu.memory_space<vmem>>, vector<16xi32>,
      %iota3A_157 = tpu.iota {dimensions = array<i32: 0>} : vector<16xi32>
      %add3A_158 = arith.constant 48 : i32
      %add3A_159 = vector.broadcast %add3A_158 : i32 to vector<16xi32>
      %add3A_160 = arith.addi %iota3A_157, %add3A_159 : vector<16xi32>
      %mul3A_161 = arith.constant 6 : i32
      %mul3A_162 = vector.broadcast %mul3A_161 : i32 to vector<16xi32>
      %mul3A_163 = arith.muli %add3A_160, %mul3A_162 : vector<16xi32>
      %add3A_164 = arith.constant 0 : i32
      %add3A_165 = vector.broadcast %add3A_164 : i32 to vector<16xi32>
      %add3A_166 = arith.addi %get3A_156, %add3A_165 : vector<16xi32>
      %gather3A_167 = tpu.vector_load_idx %arg5[%add3A_166] : memref<120000xf32, #tpu.memory_space<vmem>>[vector<16xi32>], vector<16xf32>,
      %add3A_168 = arith.constant 0 : i32
      %add3A_169 = vector.broadcast %add3A_168 : i32 to vector<16xi32>
      %add3A_170 = arith.addi %mul3A_163, %add3A_169 : vector<16xi32>
      tpu.vector_store_idx %arg7[%add3A_170], %gather3A_167 : memref<3840xf32, #tpu.memory_space<vmem>>[vector<16xi32>], vector<16xf32>,
      %add3A_171 = arith.constant 20000 : i32
      %add3A_172 = vector.broadcast %add3A_171 : i32 to vector<16xi32>
      %add3A_173 = arith.addi %get3A_156, %add3A_172 : vector<16xi32>
      %gather3A_174 = tpu.vector_load_idx %arg5[%add3A_173] : memref<120000xf32, #tpu.memory_space<vmem>>[vector<16xi32>], vector<16xf32>,
      %add3A_175 = arith.constant 1 : i32
      %add3A_176 = vector.broadcast %add3A_175 : i32 to vector<16xi32>
      %add3A_177 = arith.addi %mul3A_163, %add3A_176 : vector<16xi32>
      tpu.vector_store_idx %arg7[%add3A_177], %gather3A_174 : memref<3840xf32, #tpu.memory_space<vmem>>[vector<16xi32>], vector<16xf32>,
      %add3A_178 = arith.constant 40000 : i32
      %add3A_179 = vector.broadcast %add3A_178 : i32 to vector<16xi32>
      %add3A_180 = arith.addi %get3A_156, %add3A_179 : vector<16xi32>
      %gather3A_181 = tpu.vector_load_idx %arg5[%add3A_180] : memref<120000xf32, #tpu.memory_space<vmem>>[vector<16xi32>], vector<16xf32>,
      %add3A_182 = arith.constant 2 : i32
      %add3A_183 = vector.broadcast %add3A_182 : i32 to vector<16xi32>
      %add3A_184 = arith.addi %mul3A_163, %add3A_183 : vector<16xi32>
      tpu.vector_store_idx %arg7[%add3A_184], %gather3A_181 : memref<3840xf32, #tpu.memory_space<vmem>>[vector<16xi32>], vector<16xf32>,
      %add3A_185 = arith.constant 60000 : i32
      %add3A_186 = vector.broadcast %add3A_185 : i32 to vector<16xi32>
      %add3A_187 = arith.addi %get3A_156, %add3A_186 : vector<16xi32>
      %gather3A_188 = tpu.vector_load_idx %arg5[%add3A_187] : memref<120000xf32, #tpu.memory_space<vmem>>[vector<16xi32>], vector<16xf32>,
      %add3A_189 = arith.constant 3 : i32
      %add3A_190 = vector.broadcast %add3A_189 : i32 to vector<16xi32>
      %add3A_191 = arith.addi %mul3A_163, %add3A_190 : vector<16xi32>
      tpu.vector_store_idx %arg7[%add3A_191], %gather3A_188 : memref<3840xf32, #tpu.memory_space<vmem>>[vector<16xi32>], vector<16xf32>,
      %add3A_192 = arith.constant 80000 : i32
      %add3A_193 = vector.broadcast %add3A_192 : i32 to vector<16xi32>
      %add3A_194 = arith.addi %get3A_156, %add3A_193 : vector<16xi32>
      %gather3A_195 = tpu.vector_load_idx %arg5[%add3A_194] : memref<120000xf32, #tpu.memory_space<vmem>>[vector<16xi32>], vector<16xf32>,
      %add3A_196 = arith.constant 4 : i32
      %add3A_197 = vector.broadcast %add3A_196 : i32 to vector<16xi32>
      %add3A_198 = arith.addi %mul3A_163, %add3A_197 : vector<16xi32>
      tpu.vector_store_idx %arg7[%add3A_198], %gather3A_195 : memref<3840xf32, #tpu.memory_space<vmem>>[vector<16xi32>], vector<16xf32>,
      %add3A_199 = arith.constant 100000 : i32
      %add3A_200 = vector.broadcast %add3A_199 : i32 to vector<16xi32>
      %add3A_201 = arith.addi %get3A_156, %add3A_200 : vector<16xi32>
      %gather3A_202 = tpu.vector_load_idx %arg5[%add3A_201] : memref<120000xf32, #tpu.memory_space<vmem>>[vector<16xi32>], vector<16xf32>,
      %add3A_203 = arith.constant 5 : i32
      %add3A_204 = vector.broadcast %add3A_203 : i32 to vector<16xi32>
      %add3A_205 = arith.addi %mul3A_163, %add3A_204 : vector<16xi32>
      tpu.vector_store_idx %arg7[%add3A_205], %gather3A_202 : memref<3840xf32, #tpu.memory_space<vmem>>[vector<16xi32>], vector<16xf32>,
      %get3A_206 = arith.constant 64 : index
      %get3A_207 = tpu.vector_load %arg6[%get3A_206] {strides = array<i32>} : memref<640xi32, #tpu.memory_space<vmem>>, vector<16xi32>,
      %iota3A_208 = tpu.iota {dimensions = array<i32: 0>} : vector<16xi32>
      %add3A_209 = arith.constant 64 : i32
      %add3A_210 = vector.broadcast %add3A_209 : i32 to vector<16xi32>
      %add3A_211 = arith.addi %iota3A_208, %add3A_210 : vector<16xi32>
      %mul3A_212 = arith.constant 6 : i32
      %mul3A_213 = vector.broadcast %mul3A_212 : i32 to vector<16xi32>
      %mul3A_214 = arith.muli %add3A_211, %mul3A_213 : vector<16xi32>
      %add3A_215 = arith.constant 0 : i32
      %add3A_216 = vector.broadcast %add3A_215 : i32 to vector<16xi32>
      %add3A_217 = arith.addi %get3A_207, %add3A_216 : vector<16xi32>
      %gather3A_218 = tpu.vector_load_idx %arg5[%add3A_217] : memref<120000xf32, #tpu.memory_space<vmem>>[vector<16xi32>], vector<16xf32>,
      %add3A_219 = arith.constant 0 : i32
      %add3A_220 = vector.broadcast %add3A_219 : i32 to vector<16xi32>
      %add3A_221 = arith.addi %mul3A_214, %add3A_220 : vector<16xi32>
      tpu.vector_store_idx %arg7[%add3A_221], %gather3A_218 : memref<3840xf32, #tpu.memory_space<vmem>>[vector<16xi32>], vector<16xf32>,
      %add3A_222 = arith.constant 20000 : i32
      %add3A_223 = vector.broadcast %add3A_222 : i32 to vector<16xi32>
      %add3A_224 = arith.addi %get3A_207, %add3A_223 : vector<16xi32>
      %gather3A_225 = tpu.vector_load_idx %arg5[%add3A_224] : memref<120000xf32, #tpu.memory_space<vmem>>[vector<16xi32>], vector<16xf32>,
      %add3A_226 = arith.constant 1 : i32
      %add3A_227 = vector.broadcast %add3A_226 : i32 to vector<16xi32>
      %add3A_228 = arith.addi %mul3A_214, %add3A_227 : vector<16xi32>
      tpu.vector_store_idx %arg7[%add3A_228], %gather3A_225 : memref<3840xf32, #tpu.memory_space<vmem>>[vector<16xi32>], vector<16xf32>,
      %add3A_229 = arith.constant 40000 : i32
      %add3A_230 = vector.broadcast %add3A_229 : i32 to vector<16xi32>
      %add3A_231 = arith.addi %get3A_207, %add3A_230 : vector<16xi32>
      %gather3A_232 = tpu.vector_load_idx %arg5[%add3A_231] : memref<120000xf32, #tpu.memory_space<vmem>>[vector<16xi32>], vector<16xf32>,
      %add3A_233 = arith.constant 2 : i32
      %add3A_234 = vector.broadcast %add3A_233 : i32 to vector<16xi32>
      %add3A_235 = arith.addi %mul3A_214, %add3A_234 : vector<16xi32>
      tpu.vector_store_idx %arg7[%add3A_235], %gather3A_232 : memref<3840xf32, #tpu.memory_space<vmem>>[vector<16xi32>], vector<16xf32>,
      %add3A_236 = arith.constant 60000 : i32
      %add3A_237 = vector.broadcast %add3A_236 : i32 to vector<16xi32>
      %add3A_238 = arith.addi %get3A_207, %add3A_237 : vector<16xi32>
      %gather3A_239 = tpu.vector_load_idx %arg5[%add3A_238] : memref<120000xf32, #tpu.memory_space<vmem>>[vector<16xi32>], vector<16xf32>,
      %add3A_240 = arith.constant 3 : i32
      %add3A_241 = vector.broadcast %add3A_240 : i32 to vector<16xi32>
      %add3A_242 = arith.addi %mul3A_214, %add3A_241 : vector<16xi32>
      tpu.vector_store_idx %arg7[%add3A_242], %gather3A_239 : memref<3840xf32, #tpu.memory_space<vmem>>[vector<16xi32>], vector<16xf32>,
      %add3A_243 = arith.constant 80000 : i32
      %add3A_244 = vector.broadcast %add3A_243 : i32 to vector<16xi32>
      %add3A_245 = arith.addi %get3A_207, %add3A_244 : vector<16xi32>
      %gather3A_246 = tpu.vector_load_idx %arg5[%add3A_245] : memref<120000xf32, #tpu.memory_space<vmem>>[vector<16xi32>], vector<16xf32>,
      %add3A_247 = arith.constant 4 : i32
      %add3A_248 = vector.broadcast %add3A_247 : i32 to vector<16xi32>
      %add3A_249 = arith.addi %mul3A_214, %add3A_248 : vector<16xi32>
      tpu.vector_store_idx %arg7[%add3A_249], %gather3A_246 : memref<3840xf32, #tpu.memory_space<vmem>>[vector<16xi32>], vector<16xf32>,
      %add3A_250 = arith.constant 100000 : i32
      %add3A_251 = vector.broadcast %add3A_250 : i32 to vector<16xi32>
      %add3A_252 = arith.addi %get3A_207, %add3A_251 : vector<16xi32>
      %gather3A_253 = tpu.vector_load_idx %arg5[%add3A_252] : memref<120000xf32, #tpu.memory_space<vmem>>[vector<16xi32>], vector<16xf32>,
      %add3A_254 = arith.constant 5 : i32
      %add3A_255 = vector.broadcast %add3A_254 : i32 to vector<16xi32>
      %add3A_256 = arith.addi %mul3A_214, %add3A_255 : vector<16xi32>
      tpu.vector_store_idx %arg7[%add3A_256], %gather3A_253 : memref<3840xf32, #tpu.memory_space<vmem>>[vector<16xi32>], vector<16xf32>,
      %get3A_257 = arith.constant 80 : index
      %get3A_258 = tpu.vector_load %arg6[%get3A_257] {strides = array<i32>} : memref<640xi32, #tpu.memory_space<vmem>>, vector<16xi32>,
      %iota3A_259 = tpu.iota {dimensions = array<i32: 0>} : vector<16xi32>
      %add3A_260 = arith.constant 80 : i32
      %add3A_261 = vector.broadcast %add3A_260 : i32 to vector<16xi32>
      %add3A_262 = arith.addi %iota3A_259, %add3A_261 : vector<16xi32>
      %mul3A_263 = arith.constant 6 : i32
      %mul3A_264 = vector.broadcast %mul3A_263 : i32 to vector<16xi32>
      %mul3A_265 = arith.muli %add3A_262, %mul3A_264 : vector<16xi32>
      %add3A_266 = arith.constant 0 : i32
      %add3A_267 = vector.broadcast %add3A_266 : i32 to vector<16xi32>
      %add3A_268 = arith.addi %get3A_258, %add3A_267 : vector<16xi32>
      %gather3A_269 = tpu.vector_load_idx %arg5[%add3A_268] : memref<120000xf32, #tpu.memory_space<vmem>>[vector<16xi32>], vector<16xf32>,
      %add3A_270 = arith.constant 0 : i32
      %add3A_271 = vector.broadcast %add3A_270 : i32 to vector<16xi32>
      %add3A_272 = arith.addi %mul3A_265, %add3A_271 : vector<16xi32>
      tpu.vector_store_idx %arg7[%add3A_272], %gather3A_269 : memref<3840xf32, #tpu.memory_space<vmem>>[vector<16xi32>], vector<16xf32>,
      %add3A_273 = arith.constant 20000 : i32
      %add3A_274 = vector.broadcast %add3A_273 : i32 to vector<16xi32>
      %add3A_275 = arith.addi %get3A_258, %add3A_274 : vector<16xi32>
      %gather3A_276 = tpu.vector_load_idx %arg5[%add3A_275] : memref<120000xf32, #tpu.memory_space<vmem>>[vector<16xi32>], vector<16xf32>,
      %add3A_277 = arith.constant 1 : i32
      %add3A_278 = vector.broadcast %add3A_277 : i32 to vector<16xi32>
      %add3A_279 = arith.addi %mul3A_265, %add3A_278 : vector<16xi32>
      tpu.vector_store_idx %arg7[%add3A_279], %gather3A_276 : memref<3840xf32, #tpu.memory_space<vmem>>[vector<16xi32>], vector<16xf32>,
      %add3A_280 = arith.constant 40000 : i32
      %add3A_281 = vector.broadcast %add3A_280 : i32 to vector<16xi32>
      %add3A_282 = arith.addi %get3A_258, %add3A_281 : vector<16xi32>
      %gather3A_283 = tpu.vector_load_idx %arg5[%add3A_282] : memref<120000xf32, #tpu.memory_space<vmem>>[vector<16xi32>], vector<16xf32>,
      %add3A_284 = arith.constant 2 : i32
      %add3A_285 = vector.broadcast %add3A_284 : i32 to vector<16xi32>
      %add3A_286 = arith.addi %mul3A_265, %add3A_285 : vector<16xi32>
      tpu.vector_store_idx %arg7[%add3A_286], %gather3A_283 : memref<3840xf32, #tpu.memory_space<vmem>>[vector<16xi32>], vector<16xf32>,
      %add3A_287 = arith.constant 60000 : i32
      %add3A_288 = vector.broadcast %add3A_287 : i32 to vector<16xi32>
      %add3A_289 = arith.addi %get3A_258, %add3A_288 : vector<16xi32>
      %gather3A_290 = tpu.vector_load_idx %arg5[%add3A_289] : memref<120000xf32, #tpu.memory_space<vmem>>[vector<16xi32>], vector<16xf32>,
      %add3A_291 = arith.constant 3 : i32
      %add3A_292 = vector.broadcast %add3A_291 : i32 to vector<16xi32>
      %add3A_293 = arith.addi %mul3A_265, %add3A_292 : vector<16xi32>
      tpu.vector_store_idx %arg7[%add3A_293], %gather3A_290 : memref<3840xf32, #tpu.memory_space<vmem>>[vector<16xi32>], vector<16xf32>,
      %add3A_294 = arith.constant 80000 : i32
      %add3A_295 = vector.broadcast %add3A_294 : i32 to vector<16xi32>
      %add3A_296 = arith.addi %get3A_258, %add3A_295 : vector<16xi32>
      %gather3A_297 = tpu.vector_load_idx %arg5[%add3A_296] : memref<120000xf32, #tpu.memory_space<vmem>>[vector<16xi32>], vector<16xf32>,
      %add3A_298 = arith.constant 4 : i32
      %add3A_299 = vector.broadcast %add3A_298 : i32 to vector<16xi32>
      %add3A_300 = arith.addi %mul3A_265, %add3A_299 : vector<16xi32>
      tpu.vector_store_idx %arg7[%add3A_300], %gather3A_297 : memref<3840xf32, #tpu.memory_space<vmem>>[vector<16xi32>], vector<16xf32>,
      %add3A_301 = arith.constant 100000 : i32
      %add3A_302 = vector.broadcast %add3A_301 : i32 to vector<16xi32>
      %add3A_303 = arith.addi %get3A_258, %add3A_302 : vector<16xi32>
      %gather3A_304 = tpu.vector_load_idx %arg5[%add3A_303] : memref<120000xf32, #tpu.memory_space<vmem>>[vector<16xi32>], vector<16xf32>,
      %add3A_305 = arith.constant 5 : i32
      %add3A_306 = vector.broadcast %add3A_305 : i32 to vector<16xi32>
      %add3A_307 = arith.addi %mul3A_265, %add3A_306 : vector<16xi32>
      tpu.vector_store_idx %arg7[%add3A_307], %gather3A_304 : memref<3840xf32, #tpu.memory_space<vmem>>[vector<16xi32>], vector<16xf32>,
      %get3A_308 = arith.constant 96 : index
      %get3A_309 = tpu.vector_load %arg6[%get3A_308] {strides = array<i32>} : memref<640xi32, #tpu.memory_space<vmem>>, vector<16xi32>,
      %iota3A_310 = tpu.iota {dimensions = array<i32: 0>} : vector<16xi32>
      %add3A_311 = arith.constant 96 : i32
      %add3A_312 = vector.broadcast %add3A_311 : i32 to vector<16xi32>
      %add3A_313 = arith.addi %iota3A_310, %add3A_312 : vector<16xi32>
      %mul3A_314 = arith.constant 6 : i32
      %mul3A_315 = vector.broadcast %mul3A_314 : i32 to vector<16xi32>
      %mul3A_316 = arith.muli %add3A_313, %mul3A_315 : vector<16xi32>
      %add3A_317 = arith.constant 0 : i32
      %add3A_318 = vector.broadcast %add3A_317 : i32 to vector<16xi32>
      %add3A_319 = arith.addi %get3A_309, %add3A_318 : vector<16xi32>
      %gather3A_320 = tpu.vector_load_idx %arg5[%add3A_319] : memref<120000xf32, #tpu.memory_space<vmem>>[vector<16xi32>], vector<16xf32>,
      %add3A_321 = arith.constant 0 : i32
      %add3A_322 = vector.broadcast %add3A_321 : i32 to vector<16xi32>
      %add3A_323 = arith.addi %mul3A_316, %add3A_322 : vector<16xi32>
      tpu.vector_store_idx %arg7[%add3A_323], %gather3A_320 : memref<3840xf32, #tpu.memory_space<vmem>>[vector<16xi32>], vector<16xf32>,
      %add3A_324 = arith.constant 20000 : i32
      %add3A_325 = vector.broadcast %add3A_324 : i32 to vector<16xi32>
      %add3A_326 = arith.addi %get3A_309, %add3A_325 : vector<16xi32>
      %gather3A_327 = tpu.vector_load_idx %arg5[%add3A_326] : memref<120000xf32, #tpu.memory_space<vmem>>[vector<16xi32>], vector<16xf32>,
      %add3A_328 = arith.constant 1 : i32
      %add3A_329 = vector.broadcast %add3A_328 : i32 to vector<16xi32>
      %add3A_330 = arith.addi %mul3A_316, %add3A_329 : vector<16xi32>
      tpu.vector_store_idx %arg7[%add3A_330], %gather3A_327 : memref<3840xf32, #tpu.memory_space<vmem>>[vector<16xi32>], vector<16xf32>,
      %add3A_331 = arith.constant 40000 : i32
      %add3A_332 = vector.broadcast %add3A_331 : i32 to vector<16xi32>
      %add3A_333 = arith.addi %get3A_309, %add3A_332 : vector<16xi32>
      %gather3A_334 = tpu.vector_load_idx %arg5[%add3A_333] : memref<120000xf32, #tpu.memory_space<vmem>>[vector<16xi32>], vector<16xf32>,
      %add3A_335 = arith.constant 2 : i32
      %add3A_336 = vector.broadcast %add3A_335 : i32 to vector<16xi32>
      %add3A_337 = arith.addi %mul3A_316, %add3A_336 : vector<16xi32>
      tpu.vector_store_idx %arg7[%add3A_337], %gather3A_334 : memref<3840xf32, #tpu.memory_space<vmem>>[vector<16xi32>], vector<16xf32>,
      %add3A_338 = arith.constant 60000 : i32
      %add3A_339 = vector.broadcast %add3A_338 : i32 to vector<16xi32>
      %add3A_340 = arith.addi %get3A_309, %add3A_339 : vector<16xi32>
      %gather3A_341 = tpu.vector_load_idx %arg5[%add3A_340] : memref<120000xf32, #tpu.memory_space<vmem>>[vector<16xi32>], vector<16xf32>,
      %add3A_342 = arith.constant 3 : i32
      %add3A_343 = vector.broadcast %add3A_342 : i32 to vector<16xi32>
      %add3A_344 = arith.addi %mul3A_316, %add3A_343 : vector<16xi32>
      tpu.vector_store_idx %arg7[%add3A_344], %gather3A_341 : memref<3840xf32, #tpu.memory_space<vmem>>[vector<16xi32>], vector<16xf32>,
      %add3A_345 = arith.constant 80000 : i32
      %add3A_346 = vector.broadcast %add3A_345 : i32 to vector<16xi32>
      %add3A_347 = arith.addi %get3A_309, %add3A_346 : vector<16xi32>
      %gather3A_348 = tpu.vector_load_idx %arg5[%add3A_347] : memref<120000xf32, #tpu.memory_space<vmem>>[vector<16xi32>], vector<16xf32>,
      %add3A_349 = arith.constant 4 : i32
      %add3A_350 = vector.broadcast %add3A_349 : i32 to vector<16xi32>
      %add3A_351 = arith.addi %mul3A_316, %add3A_350 : vector<16xi32>
      tpu.vector_store_idx %arg7[%add3A_351], %gather3A_348 : memref<3840xf32, #tpu.memory_space<vmem>>[vector<16xi32>], vector<16xf32>,
      %add3A_352 = arith.constant 100000 : i32
      %add3A_353 = vector.broadcast %add3A_352 : i32 to vector<16xi32>
      %add3A_354 = arith.addi %get3A_309, %add3A_353 : vector<16xi32>
      %gather3A_355 = tpu.vector_load_idx %arg5[%add3A_354] : memref<120000xf32, #tpu.memory_space<vmem>>[vector<16xi32>], vector<16xf32>,
      %add3A_356 = arith.constant 5 : i32
      %add3A_357 = vector.broadcast %add3A_356 : i32 to vector<16xi32>
      %add3A_358 = arith.addi %mul3A_316, %add3A_357 : vector<16xi32>
      tpu.vector_store_idx %arg7[%add3A_358], %gather3A_355 : memref<3840xf32, #tpu.memory_space<vmem>>[vector<16xi32>], vector<16xf32>,
      %get3A_359 = arith.constant 112 : index
      %get3A_360 = tpu.vector_load %arg6[%get3A_359] {strides = array<i32>} : memref<640xi32, #tpu.memory_space<vmem>>, vector<16xi32>,
      %iota3A_361 = tpu.iota {dimensions = array<i32: 0>} : vector<16xi32>
      %add3A_362 = arith.constant 112 : i32
      %add3A_363 = vector.broadcast %add3A_362 : i32 to vector<16xi32>
      %add3A_364 = arith.addi %iota3A_361, %add3A_363 : vector<16xi32>
      %mul3A_365 = arith.constant 6 : i32
      %mul3A_366 = vector.broadcast %mul3A_365 : i32 to vector<16xi32>
      %mul3A_367 = arith.muli %add3A_364, %mul3A_366 : vector<16xi32>
      %add3A_368 = arith.constant 0 : i32
      %add3A_369 = vector.broadcast %add3A_368 : i32 to vector<16xi32>
      %add3A_370 = arith.addi %get3A_360, %add3A_369 : vector<16xi32>
      %gather3A_371 = tpu.vector_load_idx %arg5[%add3A_370] : memref<120000xf32, #tpu.memory_space<vmem>>[vector<16xi32>], vector<16xf32>,
      %add3A_372 = arith.constant 0 : i32
      %add3A_373 = vector.broadcast %add3A_372 : i32 to vector<16xi32>
      %add3A_374 = arith.addi %mul3A_367, %add3A_373 : vector<16xi32>
      tpu.vector_store_idx %arg7[%add3A_374], %gather3A_371 : memref<3840xf32, #tpu.memory_space<vmem>>[vector<16xi32>], vector<16xf32>,
      %add3A_375 = arith.constant 20000 : i32
      %add3A_376 = vector.broadcast %add3A_375 : i32 to vector<16xi32>
      %add3A_377 = arith.addi %get3A_360, %add3A_376 : vector<16xi32>
      %gather3A_378 = tpu.vector_load_idx %arg5[%add3A_377] : memref<120000xf32, #tpu.memory_space<vmem>>[vector<16xi32>], vector<16xf32>,
      %add3A_379 = arith.constant 1 : i32
      %add3A_380 = vector.broadcast %add3A_379 : i32 to vector<16xi32>
      %add3A_381 = arith.addi %mul3A_367, %add3A_380 : vector<16xi32>
      tpu.vector_store_idx %arg7[%add3A_381], %gather3A_378 : memref<3840xf32, #tpu.memory_space<vmem>>[vector<16xi32>], vector<16xf32>,
      %add3A_382 = arith.constant 40000 : i32
      %add3A_383 = vector.broadcast %add3A_382 : i32 to vector<16xi32>
      %add3A_384 = arith.addi %get3A_360, %add3A_383 : vector<16xi32>
      %gather3A_385 = tpu.vector_load_idx %arg5[%add3A_384] : memref<120000xf32, #tpu.memory_space<vmem>>[vector<16xi32>], vector<16xf32>,
      %add3A_386 = arith.constant 2 : i32
      %add3A_387 = vector.broadcast %add3A_386 : i32 to vector<16xi32>
      %add3A_388 = arith.addi %mul3A_367, %add3A_387 : vector<16xi32>
      tpu.vector_store_idx %arg7[%add3A_388], %gather3A_385 : memref<3840xf32, #tpu.memory_space<vmem>>[vector<16xi32>], vector<16xf32>,
      %add3A_389 = arith.constant 60000 : i32
      %add3A_390 = vector.broadcast %add3A_389 : i32 to vector<16xi32>
      %add3A_391 = arith.addi %get3A_360, %add3A_390 : vector<16xi32>
      %gather3A_392 = tpu.vector_load_idx %arg5[%add3A_391] : memref<120000xf32, #tpu.memory_space<vmem>>[vector<16xi32>], vector<16xf32>,
      %add3A_393 = arith.constant 3 : i32
      %add3A_394 = vector.broadcast %add3A_393 : i32 to vector<16xi32>
      %add3A_395 = arith.addi %mul3A_367, %add3A_394 : vector<16xi32>
      tpu.vector_store_idx %arg7[%add3A_395], %gather3A_392 : memref<3840xf32, #tpu.memory_space<vmem>>[vector<16xi32>], vector<16xf32>,
      %add3A_396 = arith.constant 80000 : i32
      %add3A_397 = vector.broadcast %add3A_396 : i32 to vector<16xi32>
      %add3A_398 = arith.addi %get3A_360, %add3A_397 : vector<16xi32>
      %gather3A_399 = tpu.vector_load_idx %arg5[%add3A_398] : memref<120000xf32, #tpu.memory_space<vmem>>[vector<16xi32>], vector<16xf32>,
      %add3A_400 = arith.constant 4 : i32
      %add3A_401 = vector.broadcast %add3A_400 : i32 to vector<16xi32>
      %add3A_402 = arith.addi %mul3A_367, %add3A_401 : vector<16xi32>
      tpu.vector_store_idx %arg7[%add3A_402], %gather3A_399 : memref<3840xf32, #tpu.memory_space<vmem>>[vector<16xi32>], vector<16xf32>,
      %add3A_403 = arith.constant 100000 : i32
      %add3A_404 = vector.broadcast %add3A_403 : i32 to vector<16xi32>
      %add3A_405 = arith.addi %get3A_360, %add3A_404 : vector<16xi32>
      %gather3A_406 = tpu.vector_load_idx %arg5[%add3A_405] : memref<120000xf32, #tpu.memory_space<vmem>>[vector<16xi32>], vector<16xf32>,
      %add3A_407 = arith.constant 5 : i32
      %add3A_408 = vector.broadcast %add3A_407 : i32 to vector<16xi32>
      %add3A_409 = arith.addi %mul3A_367, %add3A_408 : vector<16xi32>
      tpu.vector_store_idx %arg7[%add3A_409], %gather3A_406 : memref<3840xf32, #tpu.memory_space<vmem>>[vector<16xi32>], vector<16xf32>,
      %get3A_410 = arith.constant 128 : index
      %get3A_411 = tpu.vector_load %arg6[%get3A_410] {strides = array<i32>} : memref<640xi32, #tpu.memory_space<vmem>>, vector<16xi32>,
      %iota3A_412 = tpu.iota {dimensions = array<i32: 0>} : vector<16xi32>
      %add3A_413 = arith.constant 128 : i32
      %add3A_414 = vector.broadcast %add3A_413 : i32 to vector<16xi32>
      %add3A_415 = arith.addi %iota3A_412, %add3A_414 : vector<16xi32>
      %mul3A_416 = arith.constant 6 : i32
      %mul3A_417 = vector.broadcast %mul3A_416 : i32 to vector<16xi32>
      %mul3A_418 = arith.muli %add3A_415, %mul3A_417 : vector<16xi32>
      %add3A_419 = arith.constant 0 : i32
      %add3A_420 = vector.broadcast %add3A_419 : i32 to vector<16xi32>
      %add3A_421 = arith.addi %get3A_411, %add3A_420 : vector<16xi32>
      %gather3A_422 = tpu.vector_load_idx %arg5[%add3A_421] : memref<120000xf32, #tpu.memory_space<vmem>>[vector<16xi32>], vector<16xf32>,
      %add3A_423 = arith.constant 0 : i32
      %add3A_424 = vector.broadcast %add3A_423 : i32 to vector<16xi32>
      %add3A_425 = arith.addi %mul3A_418, %add3A_424 : vector<16xi32>
      tpu.vector_store_idx %arg7[%add3A_425], %gather3A_422 : memref<3840xf32, #tpu.memory_space<vmem>>[vector<16xi32>], vector<16xf32>,
      %add3A_426 = arith.constant 20000 : i32
      %add3A_427 = vector.broadcast %add3A_426 : i32 to vector<16xi32>
      %add3A_428 = arith.addi %get3A_411, %add3A_427 : vector<16xi32>
      %gather3A_429 = tpu.vector_load_idx %arg5[%add3A_428] : memref<120000xf32, #tpu.memory_space<vmem>>[vector<16xi32>], vector<16xf32>,
      %add3A_430 = arith.constant 1 : i32
      %add3A_431 = vector.broadcast %add3A_430 : i32 to vector<16xi32>
      %add3A_432 = arith.addi %mul3A_418, %add3A_431 : vector<16xi32>
      tpu.vector_store_idx %arg7[%add3A_432], %gather3A_429 : memref<3840xf32, #tpu.memory_space<vmem>>[vector<16xi32>], vector<16xf32>,
      %add3A_433 = arith.constant 40000 : i32
      %add3A_434 = vector.broadcast %add3A_433 : i32 to vector<16xi32>
      %add3A_435 = arith.addi %get3A_411, %add3A_434 : vector<16xi32>
      %gather3A_436 = tpu.vector_load_idx %arg5[%add3A_435] : memref<120000xf32, #tpu.memory_space<vmem>>[vector<16xi32>], vector<16xf32>,
      %add3A_437 = arith.constant 2 : i32
      %add3A_438 = vector.broadcast %add3A_437 : i32 to vector<16xi32>
      %add3A_439 = arith.addi %mul3A_418, %add3A_438 : vector<16xi32>
      tpu.vector_store_idx %arg7[%add3A_439], %gather3A_436 : memref<3840xf32, #tpu.memory_space<vmem>>[vector<16xi32>], vector<16xf32>,
      %add3A_440 = arith.constant 60000 : i32
      %add3A_441 = vector.broadcast %add3A_440 : i32 to vector<16xi32>
      %add3A_442 = arith.addi %get3A_411, %add3A_441 : vector<16xi32>
      %gather3A_443 = tpu.vector_load_idx %arg5[%add3A_442] : memref<120000xf32, #tpu.memory_space<vmem>>[vector<16xi32>], vector<16xf32>,
      %add3A_444 = arith.constant 3 : i32
      %add3A_445 = vector.broadcast %add3A_444 : i32 to vector<16xi32>
      %add3A_446 = arith.addi %mul3A_418, %add3A_445 : vector<16xi32>
      tpu.vector_store_idx %arg7[%add3A_446], %gather3A_443 : memref<3840xf32, #tpu.memory_space<vmem>>[vector<16xi32>], vector<16xf32>,
      %add3A_447 = arith.constant 80000 : i32
      %add3A_448 = vector.broadcast %add3A_447 : i32 to vector<16xi32>
      %add3A_449 = arith.addi %get3A_411, %add3A_448 : vector<16xi32>
      %gather3A_450 = tpu.vector_load_idx %arg5[%add3A_449] : memref<120000xf32, #tpu.memory_space<vmem>>[vector<16xi32>], vector<16xf32>,
      %add3A_451 = arith.constant 4 : i32
      %add3A_452 = vector.broadcast %add3A_451 : i32 to vector<16xi32>
      %add3A_453 = arith.addi %mul3A_418, %add3A_452 : vector<16xi32>
      tpu.vector_store_idx %arg7[%add3A_453], %gather3A_450 : memref<3840xf32, #tpu.memory_space<vmem>>[vector<16xi32>], vector<16xf32>,
      %add3A_454 = arith.constant 100000 : i32
      %add3A_455 = vector.broadcast %add3A_454 : i32 to vector<16xi32>
      %add3A_456 = arith.addi %get3A_411, %add3A_455 : vector<16xi32>
      %gather3A_457 = tpu.vector_load_idx %arg5[%add3A_456] : memref<120000xf32, #tpu.memory_space<vmem>>[vector<16xi32>], vector<16xf32>,
      %add3A_458 = arith.constant 5 : i32
      %add3A_459 = vector.broadcast %add3A_458 : i32 to vector<16xi32>
      %add3A_460 = arith.addi %mul3A_418, %add3A_459 : vector<16xi32>
      tpu.vector_store_idx %arg7[%add3A_460], %gather3A_457 : memref<3840xf32, #tpu.memory_space<vmem>>[vector<16xi32>], vector<16xf32>,
      %get3A_461 = arith.constant 144 : index
      %get3A_462 = tpu.vector_load %arg6[%get3A_461] {strides = array<i32>} : memref<640xi32, #tpu.memory_space<vmem>>, vector<16xi32>,
      %iota3A_463 = tpu.iota {dimensions = array<i32: 0>} : vector<16xi32>
      %add3A_464 = arith.constant 144 : i32
      %add3A_465 = vector.broadcast %add3A_464 : i32 to vector<16xi32>
      %add3A_466 = arith.addi %iota3A_463, %add3A_465 : vector<16xi32>
      %mul3A_467 = arith.constant 6 : i32
      %mul3A_468 = vector.broadcast %mul3A_467 : i32 to vector<16xi32>
      %mul3A_469 = arith.muli %add3A_466, %mul3A_468 : vector<16xi32>
      %add3A_470 = arith.constant 0 : i32
      %add3A_471 = vector.broadcast %add3A_470 : i32 to vector<16xi32>
      %add3A_472 = arith.addi %get3A_462, %add3A_471 : vector<16xi32>
      %gather3A_473 = tpu.vector_load_idx %arg5[%add3A_472] : memref<120000xf32, #tpu.memory_space<vmem>>[vector<16xi32>], vector<16xf32>,
      %add3A_474 = arith.constant 0 : i32
      %add3A_475 = vector.broadcast %add3A_474 : i32 to vector<16xi32>
      %add3A_476 = arith.addi %mul3A_469, %add3A_475 : vector<16xi32>
      tpu.vector_store_idx %arg7[%add3A_476], %gather3A_473 : memref<3840xf32, #tpu.memory_space<vmem>>[vector<16xi32>], vector<16xf32>,
      %add3A_477 = arith.constant 20000 : i32
      %add3A_478 = vector.broadcast %add3A_477 : i32 to vector<16xi32>
      %add3A_479 = arith.addi %get3A_462, %add3A_478 : vector<16xi32>
      %gather3A_480 = tpu.vector_load_idx %arg5[%add3A_479] : memref<120000xf32, #tpu.memory_space<vmem>>[vector<16xi32>], vector<16xf32>,
      %add3A_481 = arith.constant 1 : i32
      %add3A_482 = vector.broadcast %add3A_481 : i32 to vector<16xi32>
      %add3A_483 = arith.addi %mul3A_469, %add3A_482 : vector<16xi32>
      tpu.vector_store_idx %arg7[%add3A_483], %gather3A_480 : memref<3840xf32, #tpu.memory_space<vmem>>[vector<16xi32>], vector<16xf32>,
      %add3A_484 = arith.constant 40000 : i32
      %add3A_485 = vector.broadcast %add3A_484 : i32 to vector<16xi32>
      %add3A_486 = arith.addi %get3A_462, %add3A_485 : vector<16xi32>
      %gather3A_487 = tpu.vector_load_idx %arg5[%add3A_486] : memref<120000xf32, #tpu.memory_space<vmem>>[vector<16xi32>], vector<16xf32>,
      %add3A_488 = arith.constant 2 : i32
      %add3A_489 = vector.broadcast %add3A_488 : i32 to vector<16xi32>
      %add3A_490 = arith.addi %mul3A_469, %add3A_489 : vector<16xi32>
      tpu.vector_store_idx %arg7[%add3A_490], %gather3A_487 : memref<3840xf32, #tpu.memory_space<vmem>>[vector<16xi32>], vector<16xf32>,
      %add3A_491 = arith.constant 60000 : i32
      %add3A_492 = vector.broadcast %add3A_491 : i32 to vector<16xi32>
      %add3A_493 = arith.addi %get3A_462, %add3A_492 : vector<16xi32>
      %gather3A_494 = tpu.vector_load_idx %arg5[%add3A_493] : memref<120000xf32, #tpu.memory_space<vmem>>[vector<16xi32>], vector<16xf32>,
      %add3A_495 = arith.constant 3 : i32
      %add3A_496 = vector.broadcast %add3A_495 : i32 to vector<16xi32>
      %add3A_497 = arith.addi %mul3A_469, %add3A_496 : vector<16xi32>
      tpu.vector_store_idx %arg7[%add3A_497], %gather3A_494 : memref<3840xf32, #tpu.memory_space<vmem>>[vector<16xi32>], vector<16xf32>,
      %add3A_498 = arith.constant 80000 : i32
      %add3A_499 = vector.broadcast %add3A_498 : i32 to vector<16xi32>
      %add3A_500 = arith.addi %get3A_462, %add3A_499 : vector<16xi32>
      %gather3A_501 = tpu.vector_load_idx %arg5[%add3A_500] : memref<120000xf32, #tpu.memory_space<vmem>>[vector<16xi32>], vector<16xf32>,
      %add3A_502 = arith.constant 4 : i32
      %add3A_503 = vector.broadcast %add3A_502 : i32 to vector<16xi32>
      %add3A_504 = arith.addi %mul3A_469, %add3A_503 : vector<16xi32>
      tpu.vector_store_idx %arg7[%add3A_504], %gather3A_501 : memref<3840xf32, #tpu.memory_space<vmem>>[vector<16xi32>], vector<16xf32>,
      %add3A_505 = arith.constant 100000 : i32
      %add3A_506 = vector.broadcast %add3A_505 : i32 to vector<16xi32>
      %add3A_507 = arith.addi %get3A_462, %add3A_506 : vector<16xi32>
      %gather3A_508 = tpu.vector_load_idx %arg5[%add3A_507] : memref<120000xf32, #tpu.memory_space<vmem>>[vector<16xi32>], vector<16xf32>,
      %add3A_509 = arith.constant 5 : i32
      %add3A_510 = vector.broadcast %add3A_509 : i32 to vector<16xi32>
      %add3A_511 = arith.addi %mul3A_469, %add3A_510 : vector<16xi32>
      tpu.vector_store_idx %arg7[%add3A_511], %gather3A_508 : memref<3840xf32, #tpu.memory_space<vmem>>[vector<16xi32>], vector<16xf32>,
      %get3A_512 = arith.constant 160 : index
      %get3A_513 = tpu.vector_load %arg6[%get3A_512] {strides = array<i32>} : memref<640xi32, #tpu.memory_space<vmem>>, vector<16xi32>,
      %iota3A_514 = tpu.iota {dimensions = array<i32: 0>} : vector<16xi32>
      %add3A_515 = arith.constant 160 : i32
      %add3A_516 = vector.broadcast %add3A_515 : i32 to vector<16xi32>
      %add3A_517 = arith.addi %iota3A_514, %add3A_516 : vector<16xi32>
      %mul3A_518 = arith.constant 6 : i32
      %mul3A_519 = vector.broadcast %mul3A_518 : i32 to vector<16xi32>
      %mul3A_520 = arith.muli %add3A_517, %mul3A_519 : vector<16xi32>
      %add3A_521 = arith.constant 0 : i32
      %add3A_522 = vector.broadcast %add3A_521 : i32 to vector<16xi32>
      %add3A_523 = arith.addi %get3A_513, %add3A_522 : vector<16xi32>
      %gather3A_524 = tpu.vector_load_idx %arg5[%add3A_523] : memref<120000xf32, #tpu.memory_space<vmem>>[vector<16xi32>], vector<16xf32>,
      %add3A_525 = arith.constant 0 : i32
      %add3A_526 = vector.broadcast %add3A_525 : i32 to vector<16xi32>
      %add3A_527 = arith.addi %mul3A_520, %add3A_526 : vector<16xi32>
      tpu.vector_store_idx %arg7[%add3A_527], %gather3A_524 : memref<3840xf32, #tpu.memory_space<vmem>>[vector<16xi32>], vector<16xf32>,
      %add3A_528 = arith.constant 20000 : i32
      %add3A_529 = vector.broadcast %add3A_528 : i32 to vector<16xi32>
      %add3A_530 = arith.addi %get3A_513, %add3A_529 : vector<16xi32>
      %gather3A_531 = tpu.vector_load_idx %arg5[%add3A_530] : memref<120000xf32, #tpu.memory_space<vmem>>[vector<16xi32>], vector<16xf32>,
      %add3A_532 = arith.constant 1 : i32
      %add3A_533 = vector.broadcast %add3A_532 : i32 to vector<16xi32>
      %add3A_534 = arith.addi %mul3A_520, %add3A_533 : vector<16xi32>
      tpu.vector_store_idx %arg7[%add3A_534], %gather3A_531 : memref<3840xf32, #tpu.memory_space<vmem>>[vector<16xi32>], vector<16xf32>,
      %add3A_535 = arith.constant 40000 : i32
      %add3A_536 = vector.broadcast %add3A_535 : i32 to vector<16xi32>
      %add3A_537 = arith.addi %get3A_513, %add3A_536 : vector<16xi32>
      %gather3A_538 = tpu.vector_load_idx %arg5[%add3A_537] : memref<120000xf32, #tpu.memory_space<vmem>>[vector<16xi32>], vector<16xf32>,
      %add3A_539 = arith.constant 2 : i32
      %add3A_540 = vector.broadcast %add3A_539 : i32 to vector<16xi32>
      %add3A_541 = arith.addi %mul3A_520, %add3A_540 : vector<16xi32>
      tpu.vector_store_idx %arg7[%add3A_541], %gather3A_538 : memref<3840xf32, #tpu.memory_space<vmem>>[vector<16xi32>], vector<16xf32>,
      %add3A_542 = arith.constant 60000 : i32
      %add3A_543 = vector.broadcast %add3A_542 : i32 to vector<16xi32>
      %add3A_544 = arith.addi %get3A_513, %add3A_543 : vector<16xi32>
      %gather3A_545 = tpu.vector_load_idx %arg5[%add3A_544] : memref<120000xf32, #tpu.memory_space<vmem>>[vector<16xi32>], vector<16xf32>,
      %add3A_546 = arith.constant 3 : i32
      %add3A_547 = vector.broadcast %add3A_546 : i32 to vector<16xi32>
      %add3A_548 = arith.addi %mul3A_520, %add3A_547 : vector<16xi32>
      tpu.vector_store_idx %arg7[%add3A_548], %gather3A_545 : memref<3840xf32, #tpu.memory_space<vmem>>[vector<16xi32>], vector<16xf32>,
      %add3A_549 = arith.constant 80000 : i32
      %add3A_550 = vector.broadcast %add3A_549 : i32 to vector<16xi32>
      %add3A_551 = arith.addi %get3A_513, %add3A_550 : vector<16xi32>
      %gather3A_552 = tpu.vector_load_idx %arg5[%add3A_551] : memref<120000xf32, #tpu.memory_space<vmem>>[vector<16xi32>], vector<16xf32>,
      %add3A_553 = arith.constant 4 : i32
      %add3A_554 = vector.broadcast %add3A_553 : i32 to vector<16xi32>
      %add3A_555 = arith.addi %mul3A_520, %add3A_554 : vector<16xi32>
      tpu.vector_store_idx %arg7[%add3A_555], %gather3A_552 : memref<3840xf32, #tpu.memory_space<vmem>>[vector<16xi32>], vector<16xf32>,
      %add3A_556 = arith.constant 100000 : i32
      %add3A_557 = vector.broadcast %add3A_556 : i32 to vector<16xi32>
      %add3A_558 = arith.addi %get3A_513, %add3A_557 : vector<16xi32>
      %gather3A_559 = tpu.vector_load_idx %arg5[%add3A_558] : memref<120000xf32, #tpu.memory_space<vmem>>[vector<16xi32>], vector<16xf32>,
      %add3A_560 = arith.constant 5 : i32
      %add3A_561 = vector.broadcast %add3A_560 : i32 to vector<16xi32>
      %add3A_562 = arith.addi %mul3A_520, %add3A_561 : vector<16xi32>
      tpu.vector_store_idx %arg7[%add3A_562], %gather3A_559 : memref<3840xf32, #tpu.memory_space<vmem>>[vector<16xi32>], vector<16xf32>,
      %get3A_563 = arith.constant 176 : index
      %get3A_564 = tpu.vector_load %arg6[%get3A_563] {strides = array<i32>} : memref<640xi32, #tpu.memory_space<vmem>>, vector<16xi32>,
      %iota3A_565 = tpu.iota {dimensions = array<i32: 0>} : vector<16xi32>
      %add3A_566 = arith.constant 176 : i32
      %add3A_567 = vector.broadcast %add3A_566 : i32 to vector<16xi32>
      %add3A_568 = arith.addi %iota3A_565, %add3A_567 : vector<16xi32>
      %mul3A_569 = arith.constant 6 : i32
      %mul3A_570 = vector.broadcast %mul3A_569 : i32 to vector<16xi32>
      %mul3A_571 = arith.muli %add3A_568, %mul3A_570 : vector<16xi32>
      %add3A_572 = arith.constant 0 : i32
      %add3A_573 = vector.broadcast %add3A_572 : i32 to vector<16xi32>
      %add3A_574 = arith.addi %get3A_564, %add3A_573 : vector<16xi32>
      %gather3A_575 = tpu.vector_load_idx %arg5[%add3A_574] : memref<120000xf32, #tpu.memory_space<vmem>>[vector<16xi32>], vector<16xf32>,
      %add3A_576 = arith.constant 0 : i32
      %add3A_577 = vector.broadcast %add3A_576 : i32 to vector<16xi32>
      %add3A_578 = arith.addi %mul3A_571, %add3A_577 : vector<16xi32>
      tpu.vector_store_idx %arg7[%add3A_578], %gather3A_575 : memref<3840xf32, #tpu.memory_space<vmem>>[vector<16xi32>], vector<16xf32>,
      %add3A_579 = arith.constant 20000 : i32
      %add3A_580 = vector.broadcast %add3A_579 : i32 to vector<16xi32>
      %add3A_581 = arith.addi %get3A_564, %add3A_580 : vector<16xi32>
      %gather3A_582 = tpu.vector_load_idx %arg5[%add3A_581] : memref<120000xf32, #tpu.memory_space<vmem>>[vector<16xi32>], vector<16xf32>,
      %add3A_583 = arith.constant 1 : i32
      %add3A_584 = vector.broadcast %add3A_583 : i32 to vector<16xi32>
      %add3A_585 = arith.addi %mul3A_571, %add3A_584 : vector<16xi32>
      tpu.vector_store_idx %arg7[%add3A_585], %gather3A_582 : memref<3840xf32, #tpu.memory_space<vmem>>[vector<16xi32>], vector<16xf32>,
      %add3A_586 = arith.constant 40000 : i32
      %add3A_587 = vector.broadcast %add3A_586 : i32 to vector<16xi32>
      %add3A_588 = arith.addi %get3A_564, %add3A_587 : vector<16xi32>
      %gather3A_589 = tpu.vector_load_idx %arg5[%add3A_588] : memref<120000xf32, #tpu.memory_space<vmem>>[vector<16xi32>], vector<16xf32>,
      %add3A_590 = arith.constant 2 : i32
      %add3A_591 = vector.broadcast %add3A_590 : i32 to vector<16xi32>
      %add3A_592 = arith.addi %mul3A_571, %add3A_591 : vector<16xi32>
      tpu.vector_store_idx %arg7[%add3A_592], %gather3A_589 : memref<3840xf32, #tpu.memory_space<vmem>>[vector<16xi32>], vector<16xf32>,
      %add3A_593 = arith.constant 60000 : i32
      %add3A_594 = vector.broadcast %add3A_593 : i32 to vector<16xi32>
      %add3A_595 = arith.addi %get3A_564, %add3A_594 : vector<16xi32>
      %gather3A_596 = tpu.vector_load_idx %arg5[%add3A_595] : memref<120000xf32, #tpu.memory_space<vmem>>[vector<16xi32>], vector<16xf32>,
      %add3A_597 = arith.constant 3 : i32
      %add3A_598 = vector.broadcast %add3A_597 : i32 to vector<16xi32>
      %add3A_599 = arith.addi %mul3A_571, %add3A_598 : vector<16xi32>
      tpu.vector_store_idx %arg7[%add3A_599], %gather3A_596 : memref<3840xf32, #tpu.memory_space<vmem>>[vector<16xi32>], vector<16xf32>,
      %add3A_600 = arith.constant 80000 : i32
      %add3A_601 = vector.broadcast %add3A_600 : i32 to vector<16xi32>
      %add3A_602 = arith.addi %get3A_564, %add3A_601 : vector<16xi32>
      %gather3A_603 = tpu.vector_load_idx %arg5[%add3A_602] : memref<120000xf32, #tpu.memory_space<vmem>>[vector<16xi32>], vector<16xf32>,
      %add3A_604 = arith.constant 4 : i32
      %add3A_605 = vector.broadcast %add3A_604 : i32 to vector<16xi32>
      %add3A_606 = arith.addi %mul3A_571, %add3A_605 : vector<16xi32>
      tpu.vector_store_idx %arg7[%add3A_606], %gather3A_603 : memref<3840xf32, #tpu.memory_space<vmem>>[vector<16xi32>], vector<16xf32>,
      %add3A_607 = arith.constant 100000 : i32
      %add3A_608 = vector.broadcast %add3A_607 : i32 to vector<16xi32>
      %add3A_609 = arith.addi %get3A_564, %add3A_608 : vector<16xi32>
      %gather3A_610 = tpu.vector_load_idx %arg5[%add3A_609] : memref<120000xf32, #tpu.memory_space<vmem>>[vector<16xi32>], vector<16xf32>,
      %add3A_611 = arith.constant 5 : i32
      %add3A_612 = vector.broadcast %add3A_611 : i32 to vector<16xi32>
      %add3A_613 = arith.addi %mul3A_571, %add3A_612 : vector<16xi32>
      tpu.vector_store_idx %arg7[%add3A_613], %gather3A_610 : memref<3840xf32, #tpu.memory_space<vmem>>[vector<16xi32>], vector<16xf32>,
      %get3A_614 = arith.constant 192 : index
      %get3A_615 = tpu.vector_load %arg6[%get3A_614] {strides = array<i32>} : memref<640xi32, #tpu.memory_space<vmem>>, vector<16xi32>,
      %iota3A_616 = tpu.iota {dimensions = array<i32: 0>} : vector<16xi32>
      %add3A_617 = arith.constant 192 : i32
      %add3A_618 = vector.broadcast %add3A_617 : i32 to vector<16xi32>
      %add3A_619 = arith.addi %iota3A_616, %add3A_618 : vector<16xi32>
      %mul3A_620 = arith.constant 6 : i32
      %mul3A_621 = vector.broadcast %mul3A_620 : i32 to vector<16xi32>
      %mul3A_622 = arith.muli %add3A_619, %mul3A_621 : vector<16xi32>
      %add3A_623 = arith.constant 0 : i32
      %add3A_624 = vector.broadcast %add3A_623 : i32 to vector<16xi32>
      %add3A_625 = arith.addi %get3A_615, %add3A_624 : vector<16xi32>
      %gather3A_626 = tpu.vector_load_idx %arg5[%add3A_625] : memref<120000xf32, #tpu.memory_space<vmem>>[vector<16xi32>], vector<16xf32>,
      %add3A_627 = arith.constant 0 : i32
      %add3A_628 = vector.broadcast %add3A_627 : i32 to vector<16xi32>
      %add3A_629 = arith.addi %mul3A_622, %add3A_628 : vector<16xi32>
      tpu.vector_store_idx %arg7[%add3A_629], %gather3A_626 : memref<3840xf32, #tpu.memory_space<vmem>>[vector<16xi32>], vector<16xf32>,
      %add3A_630 = arith.constant 20000 : i32
      %add3A_631 = vector.broadcast %add3A_630 : i32 to vector<16xi32>
      %add3A_632 = arith.addi %get3A_615, %add3A_631 : vector<16xi32>
      %gather3A_633 = tpu.vector_load_idx %arg5[%add3A_632] : memref<120000xf32, #tpu.memory_space<vmem>>[vector<16xi32>], vector<16xf32>,
      %add3A_634 = arith.constant 1 : i32
      %add3A_635 = vector.broadcast %add3A_634 : i32 to vector<16xi32>
      %add3A_636 = arith.addi %mul3A_622, %add3A_635 : vector<16xi32>
      tpu.vector_store_idx %arg7[%add3A_636], %gather3A_633 : memref<3840xf32, #tpu.memory_space<vmem>>[vector<16xi32>], vector<16xf32>,
      %add3A_637 = arith.constant 40000 : i32
      %add3A_638 = vector.broadcast %add3A_637 : i32 to vector<16xi32>
      %add3A_639 = arith.addi %get3A_615, %add3A_638 : vector<16xi32>
      %gather3A_640 = tpu.vector_load_idx %arg5[%add3A_639] : memref<120000xf32, #tpu.memory_space<vmem>>[vector<16xi32>], vector<16xf32>,
      %add3A_641 = arith.constant 2 : i32
      %add3A_642 = vector.broadcast %add3A_641 : i32 to vector<16xi32>
      %add3A_643 = arith.addi %mul3A_622, %add3A_642 : vector<16xi32>
      tpu.vector_store_idx %arg7[%add3A_643], %gather3A_640 : memref<3840xf32, #tpu.memory_space<vmem>>[vector<16xi32>], vector<16xf32>,
      %add3A_644 = arith.constant 60000 : i32
      %add3A_645 = vector.broadcast %add3A_644 : i32 to vector<16xi32>
      %add3A_646 = arith.addi %get3A_615, %add3A_645 : vector<16xi32>
      %gather3A_647 = tpu.vector_load_idx %arg5[%add3A_646] : memref<120000xf32, #tpu.memory_space<vmem>>[vector<16xi32>], vector<16xf32>,
      %add3A_648 = arith.constant 3 : i32
      %add3A_649 = vector.broadcast %add3A_648 : i32 to vector<16xi32>
      %add3A_650 = arith.addi %mul3A_622, %add3A_649 : vector<16xi32>
      tpu.vector_store_idx %arg7[%add3A_650], %gather3A_647 : memref<3840xf32, #tpu.memory_space<vmem>>[vector<16xi32>], vector<16xf32>,
      %add3A_651 = arith.constant 80000 : i32
      %add3A_652 = vector.broadcast %add3A_651 : i32 to vector<16xi32>
      %add3A_653 = arith.addi %get3A_615, %add3A_652 : vector<16xi32>
      %gather3A_654 = tpu.vector_load_idx %arg5[%add3A_653] : memref<120000xf32, #tpu.memory_space<vmem>>[vector<16xi32>], vector<16xf32>,
      %add3A_655 = arith.constant 4 : i32
      %add3A_656 = vector.broadcast %add3A_655 : i32 to vector<16xi32>
      %add3A_657 = arith.addi %mul3A_622, %add3A_656 : vector<16xi32>
      tpu.vector_store_idx %arg7[%add3A_657], %gather3A_654 : memref<3840xf32, #tpu.memory_space<vmem>>[vector<16xi32>], vector<16xf32>,
      %add3A_658 = arith.constant 100000 : i32
      %add3A_659 = vector.broadcast %add3A_658 : i32 to vector<16xi32>
      %add3A_660 = arith.addi %get3A_615, %add3A_659 : vector<16xi32>
      %gather3A_661 = tpu.vector_load_idx %arg5[%add3A_660] : memref<120000xf32, #tpu.memory_space<vmem>>[vector<16xi32>], vector<16xf32>,
      %add3A_662 = arith.constant 5 : i32
      %add3A_663 = vector.broadcast %add3A_662 : i32 to vector<16xi32>
      %add3A_664 = arith.addi %mul3A_622, %add3A_663 : vector<16xi32>
      tpu.vector_store_idx %arg7[%add3A_664], %gather3A_661 : memref<3840xf32, #tpu.memory_space<vmem>>[vector<16xi32>], vector<16xf32>,
      %get3A_665 = arith.constant 208 : index
      %get3A_666 = tpu.vector_load %arg6[%get3A_665] {strides = array<i32>} : memref<640xi32, #tpu.memory_space<vmem>>, vector<16xi32>,
      %iota3A_667 = tpu.iota {dimensions = array<i32: 0>} : vector<16xi32>
      %add3A_668 = arith.constant 208 : i32
      %add3A_669 = vector.broadcast %add3A_668 : i32 to vector<16xi32>
      %add3A_670 = arith.addi %iota3A_667, %add3A_669 : vector<16xi32>
      %mul3A_671 = arith.constant 6 : i32
      %mul3A_672 = vector.broadcast %mul3A_671 : i32 to vector<16xi32>
      %mul3A_673 = arith.muli %add3A_670, %mul3A_672 : vector<16xi32>
      %add3A_674 = arith.constant 0 : i32
      %add3A_675 = vector.broadcast %add3A_674 : i32 to vector<16xi32>
      %add3A_676 = arith.addi %get3A_666, %add3A_675 : vector<16xi32>
      %gather3A_677 = tpu.vector_load_idx %arg5[%add3A_676] : memref<120000xf32, #tpu.memory_space<vmem>>[vector<16xi32>], vector<16xf32>,
      %add3A_678 = arith.constant 0 : i32
      %add3A_679 = vector.broadcast %add3A_678 : i32 to vector<16xi32>
      %add3A_680 = arith.addi %mul3A_673, %add3A_679 : vector<16xi32>
      tpu.vector_store_idx %arg7[%add3A_680], %gather3A_677 : memref<3840xf32, #tpu.memory_space<vmem>>[vector<16xi32>], vector<16xf32>,
      %add3A_681 = arith.constant 20000 : i32
      %add3A_682 = vector.broadcast %add3A_681 : i32 to vector<16xi32>
      %add3A_683 = arith.addi %get3A_666, %add3A_682 : vector<16xi32>
      %gather3A_684 = tpu.vector_load_idx %arg5[%add3A_683] : memref<120000xf32, #tpu.memory_space<vmem>>[vector<16xi32>], vector<16xf32>,
      %add3A_685 = arith.constant 1 : i32
      %add3A_686 = vector.broadcast %add3A_685 : i32 to vector<16xi32>
      %add3A_687 = arith.addi %mul3A_673, %add3A_686 : vector<16xi32>
      tpu.vector_store_idx %arg7[%add3A_687], %gather3A_684 : memref<3840xf32, #tpu.memory_space<vmem>>[vector<16xi32>], vector<16xf32>,
      %add3A_688 = arith.constant 40000 : i32
      %add3A_689 = vector.broadcast %add3A_688 : i32 to vector<16xi32>
      %add3A_690 = arith.addi %get3A_666, %add3A_689 : vector<16xi32>
      %gather3A_691 = tpu.vector_load_idx %arg5[%add3A_690] : memref<120000xf32, #tpu.memory_space<vmem>>[vector<16xi32>], vector<16xf32>,
      %add3A_692 = arith.constant 2 : i32
      %add3A_693 = vector.broadcast %add3A_692 : i32 to vector<16xi32>
      %add3A_694 = arith.addi %mul3A_673, %add3A_693 : vector<16xi32>
      tpu.vector_store_idx %arg7[%add3A_694], %gather3A_691 : memref<3840xf32, #tpu.memory_space<vmem>>[vector<16xi32>], vector<16xf32>,
      %add3A_695 = arith.constant 60000 : i32
      %add3A_696 = vector.broadcast %add3A_695 : i32 to vector<16xi32>
      %add3A_697 = arith.addi %get3A_666, %add3A_696 : vector<16xi32>
      %gather3A_698 = tpu.vector_load_idx %arg5[%add3A_697] : memref<120000xf32, #tpu.memory_space<vmem>>[vector<16xi32>], vector<16xf32>,
      %add3A_699 = arith.constant 3 : i32
      %add3A_700 = vector.broadcast %add3A_699 : i32 to vector<16xi32>
      %add3A_701 = arith.addi %mul3A_673, %add3A_700 : vector<16xi32>
      tpu.vector_store_idx %arg7[%add3A_701], %gather3A_698 : memref<3840xf32, #tpu.memory_space<vmem>>[vector<16xi32>], vector<16xf32>,
      %add3A_702 = arith.constant 80000 : i32
      %add3A_703 = vector.broadcast %add3A_702 : i32 to vector<16xi32>
      %add3A_704 = arith.addi %get3A_666, %add3A_703 : vector<16xi32>
      %gather3A_705 = tpu.vector_load_idx %arg5[%add3A_704] : memref<120000xf32, #tpu.memory_space<vmem>>[vector<16xi32>], vector<16xf32>,
      %add3A_706 = arith.constant 4 : i32
      %add3A_707 = vector.broadcast %add3A_706 : i32 to vector<16xi32>
      %add3A_708 = arith.addi %mul3A_673, %add3A_707 : vector<16xi32>
      tpu.vector_store_idx %arg7[%add3A_708], %gather3A_705 : memref<3840xf32, #tpu.memory_space<vmem>>[vector<16xi32>], vector<16xf32>,
      %add3A_709 = arith.constant 100000 : i32
      %add3A_710 = vector.broadcast %add3A_709 : i32 to vector<16xi32>
      %add3A_711 = arith.addi %get3A_666, %add3A_710 : vector<16xi32>
      %gather3A_712 = tpu.vector_load_idx %arg5[%add3A_711] : memref<120000xf32, #tpu.memory_space<vmem>>[vector<16xi32>], vector<16xf32>,
      %add3A_713 = arith.constant 5 : i32
      %add3A_714 = vector.broadcast %add3A_713 : i32 to vector<16xi32>
      %add3A_715 = arith.addi %mul3A_673, %add3A_714 : vector<16xi32>
      tpu.vector_store_idx %arg7[%add3A_715], %gather3A_712 : memref<3840xf32, #tpu.memory_space<vmem>>[vector<16xi32>], vector<16xf32>,
      %get3A_716 = arith.constant 224 : index
      %get3A_717 = tpu.vector_load %arg6[%get3A_716] {strides = array<i32>} : memref<640xi32, #tpu.memory_space<vmem>>, vector<16xi32>,
      %iota3A_718 = tpu.iota {dimensions = array<i32: 0>} : vector<16xi32>
      %add3A_719 = arith.constant 224 : i32
      %add3A_720 = vector.broadcast %add3A_719 : i32 to vector<16xi32>
      %add3A_721 = arith.addi %iota3A_718, %add3A_720 : vector<16xi32>
      %mul3A_722 = arith.constant 6 : i32
      %mul3A_723 = vector.broadcast %mul3A_722 : i32 to vector<16xi32>
      %mul3A_724 = arith.muli %add3A_721, %mul3A_723 : vector<16xi32>
      %add3A_725 = arith.constant 0 : i32
      %add3A_726 = vector.broadcast %add3A_725 : i32 to vector<16xi32>
      %add3A_727 = arith.addi %get3A_717, %add3A_726 : vector<16xi32>
      %gather3A_728 = tpu.vector_load_idx %arg5[%add3A_727] : memref<120000xf32, #tpu.memory_space<vmem>>[vector<16xi32>], vector<16xf32>,
      %add3A_729 = arith.constant 0 : i32
      %add3A_730 = vector.broadcast %add3A_729 : i32 to vector<16xi32>
      %add3A_731 = arith.addi %mul3A_724, %add3A_730 : vector<16xi32>
      tpu.vector_store_idx %arg7[%add3A_731], %gather3A_728 : memref<3840xf32, #tpu.memory_space<vmem>>[vector<16xi32>], vector<16xf32>,
      %add3A_732 = arith.constant 20000 : i32
      %add3A_733 = vector.broadcast %add3A_732 : i32 to vector<16xi32>
      %add3A_734 = arith.addi %get3A_717, %add3A_733 : vector<16xi32>
      %gather3A_735 = tpu.vector_load_idx %arg5[%add3A_734] : memref<120000xf32, #tpu.memory_space<vmem>>[vector<16xi32>], vector<16xf32>,
      %add3A_736 = arith.constant 1 : i32
      %add3A_737 = vector.broadcast %add3A_736 : i32 to vector<16xi32>
      %add3A_738 = arith.addi %mul3A_724, %add3A_737 : vector<16xi32>
      tpu.vector_store_idx %arg7[%add3A_738], %gather3A_735 : memref<3840xf32, #tpu.memory_space<vmem>>[vector<16xi32>], vector<16xf32>,
      %add3A_739 = arith.constant 40000 : i32
      %add3A_740 = vector.broadcast %add3A_739 : i32 to vector<16xi32>
      %add3A_741 = arith.addi %get3A_717, %add3A_740 : vector<16xi32>
      %gather3A_742 = tpu.vector_load_idx %arg5[%add3A_741] : memref<120000xf32, #tpu.memory_space<vmem>>[vector<16xi32>], vector<16xf32>,
      %add3A_743 = arith.constant 2 : i32
      %add3A_744 = vector.broadcast %add3A_743 : i32 to vector<16xi32>
      %add3A_745 = arith.addi %mul3A_724, %add3A_744 : vector<16xi32>
      tpu.vector_store_idx %arg7[%add3A_745], %gather3A_742 : memref<3840xf32, #tpu.memory_space<vmem>>[vector<16xi32>], vector<16xf32>,
      %add3A_746 = arith.constant 60000 : i32
      %add3A_747 = vector.broadcast %add3A_746 : i32 to vector<16xi32>
      %add3A_748 = arith.addi %get3A_717, %add3A_747 : vector<16xi32>
      %gather3A_749 = tpu.vector_load_idx %arg5[%add3A_748] : memref<120000xf32, #tpu.memory_space<vmem>>[vector<16xi32>], vector<16xf32>,
      %add3A_750 = arith.constant 3 : i32
      %add3A_751 = vector.broadcast %add3A_750 : i32 to vector<16xi32>
      %add3A_752 = arith.addi %mul3A_724, %add3A_751 : vector<16xi32>
      tpu.vector_store_idx %arg7[%add3A_752], %gather3A_749 : memref<3840xf32, #tpu.memory_space<vmem>>[vector<16xi32>], vector<16xf32>,
      %add3A_753 = arith.constant 80000 : i32
      %add3A_754 = vector.broadcast %add3A_753 : i32 to vector<16xi32>
      %add3A_755 = arith.addi %get3A_717, %add3A_754 : vector<16xi32>
      %gather3A_756 = tpu.vector_load_idx %arg5[%add3A_755] : memref<120000xf32, #tpu.memory_space<vmem>>[vector<16xi32>], vector<16xf32>,
      %add3A_757 = arith.constant 4 : i32
      %add3A_758 = vector.broadcast %add3A_757 : i32 to vector<16xi32>
      %add3A_759 = arith.addi %mul3A_724, %add3A_758 : vector<16xi32>
      tpu.vector_store_idx %arg7[%add3A_759], %gather3A_756 : memref<3840xf32, #tpu.memory_space<vmem>>[vector<16xi32>], vector<16xf32>,
      %add3A_760 = arith.constant 100000 : i32
      %add3A_761 = vector.broadcast %add3A_760 : i32 to vector<16xi32>
      %add3A_762 = arith.addi %get3A_717, %add3A_761 : vector<16xi32>
      %gather3A_763 = tpu.vector_load_idx %arg5[%add3A_762] : memref<120000xf32, #tpu.memory_space<vmem>>[vector<16xi32>], vector<16xf32>,
      %add3A_764 = arith.constant 5 : i32
      %add3A_765 = vector.broadcast %add3A_764 : i32 to vector<16xi32>
      %add3A_766 = arith.addi %mul3A_724, %add3A_765 : vector<16xi32>
      tpu.vector_store_idx %arg7[%add3A_766], %gather3A_763 : memref<3840xf32, #tpu.memory_space<vmem>>[vector<16xi32>], vector<16xf32>,
      %get3A_767 = arith.constant 240 : index
      %get3A_768 = tpu.vector_load %arg6[%get3A_767] {strides = array<i32>} : memref<640xi32, #tpu.memory_space<vmem>>, vector<16xi32>,
      %iota3A_769 = tpu.iota {dimensions = array<i32: 0>} : vector<16xi32>
      %add3A_770 = arith.constant 240 : i32
      %add3A_771 = vector.broadcast %add3A_770 : i32 to vector<16xi32>
      %add3A_772 = arith.addi %iota3A_769, %add3A_771 : vector<16xi32>
      %mul3A_773 = arith.constant 6 : i32
      %mul3A_774 = vector.broadcast %mul3A_773 : i32 to vector<16xi32>
      %mul3A_775 = arith.muli %add3A_772, %mul3A_774 : vector<16xi32>
      %add3A_776 = arith.constant 0 : i32
      %add3A_777 = vector.broadcast %add3A_776 : i32 to vector<16xi32>
      %add3A_778 = arith.addi %get3A_768, %add3A_777 : vector<16xi32>
      %gather3A_779 = tpu.vector_load_idx %arg5[%add3A_778] : memref<120000xf32, #tpu.memory_space<vmem>>[vector<16xi32>], vector<16xf32>,
      %add3A_780 = arith.constant 0 : i32
      %add3A_781 = vector.broadcast %add3A_780 : i32 to vector<16xi32>
      %add3A_782 = arith.addi %mul3A_775, %add3A_781 : vector<16xi32>
      tpu.vector_store_idx %arg7[%add3A_782], %gather3A_779 : memref<3840xf32, #tpu.memory_space<vmem>>[vector<16xi32>], vector<16xf32>,
      %add3A_783 = arith.constant 20000 : i32
      %add3A_784 = vector.broadcast %add3A_783 : i32 to vector<16xi32>
      %add3A_785 = arith.addi %get3A_768, %add3A_784 : vector<16xi32>
      %gather3A_786 = tpu.vector_load_idx %arg5[%add3A_785] : memref<120000xf32, #tpu.memory_space<vmem>>[vector<16xi32>], vector<16xf32>,
      %add3A_787 = arith.constant 1 : i32
      %add3A_788 = vector.broadcast %add3A_787 : i32 to vector<16xi32>
      %add3A_789 = arith.addi %mul3A_775, %add3A_788 : vector<16xi32>
      tpu.vector_store_idx %arg7[%add3A_789], %gather3A_786 : memref<3840xf32, #tpu.memory_space<vmem>>[vector<16xi32>], vector<16xf32>,
      %add3A_790 = arith.constant 40000 : i32
      %add3A_791 = vector.broadcast %add3A_790 : i32 to vector<16xi32>
      %add3A_792 = arith.addi %get3A_768, %add3A_791 : vector<16xi32>
      %gather3A_793 = tpu.vector_load_idx %arg5[%add3A_792] : memref<120000xf32, #tpu.memory_space<vmem>>[vector<16xi32>], vector<16xf32>,
      %add3A_794 = arith.constant 2 : i32
      %add3A_795 = vector.broadcast %add3A_794 : i32 to vector<16xi32>
      %add3A_796 = arith.addi %mul3A_775, %add3A_795 : vector<16xi32>
      tpu.vector_store_idx %arg7[%add3A_796], %gather3A_793 : memref<3840xf32, #tpu.memory_space<vmem>>[vector<16xi32>], vector<16xf32>,
      %add3A_797 = arith.constant 60000 : i32
      %add3A_798 = vector.broadcast %add3A_797 : i32 to vector<16xi32>
      %add3A_799 = arith.addi %get3A_768, %add3A_798 : vector<16xi32>
      %gather3A_800 = tpu.vector_load_idx %arg5[%add3A_799] : memref<120000xf32, #tpu.memory_space<vmem>>[vector<16xi32>], vector<16xf32>,
      %add3A_801 = arith.constant 3 : i32
      %add3A_802 = vector.broadcast %add3A_801 : i32 to vector<16xi32>
      %add3A_803 = arith.addi %mul3A_775, %add3A_802 : vector<16xi32>
      tpu.vector_store_idx %arg7[%add3A_803], %gather3A_800 : memref<3840xf32, #tpu.memory_space<vmem>>[vector<16xi32>], vector<16xf32>,
      %add3A_804 = arith.constant 80000 : i32
      %add3A_805 = vector.broadcast %add3A_804 : i32 to vector<16xi32>
      %add3A_806 = arith.addi %get3A_768, %add3A_805 : vector<16xi32>
      %gather3A_807 = tpu.vector_load_idx %arg5[%add3A_806] : memref<120000xf32, #tpu.memory_space<vmem>>[vector<16xi32>], vector<16xf32>,
      %add3A_808 = arith.constant 4 : i32
      %add3A_809 = vector.broadcast %add3A_808 : i32 to vector<16xi32>
      %add3A_810 = arith.addi %mul3A_775, %add3A_809 : vector<16xi32>
      tpu.vector_store_idx %arg7[%add3A_810], %gather3A_807 : memref<3840xf32, #tpu.memory_space<vmem>>[vector<16xi32>], vector<16xf32>,
      %add3A_811 = arith.constant 100000 : i32
      %add3A_812 = vector.broadcast %add3A_811 : i32 to vector<16xi32>
      %add3A_813 = arith.addi %get3A_768, %add3A_812 : vector<16xi32>
      %gather3A_814 = tpu.vector_load_idx %arg5[%add3A_813] : memref<120000xf32, #tpu.memory_space<vmem>>[vector<16xi32>], vector<16xf32>,
      %add3A_815 = arith.constant 5 : i32
      %add3A_816 = vector.broadcast %add3A_815 : i32 to vector<16xi32>
      %add3A_817 = arith.addi %mul3A_775, %add3A_816 : vector<16xi32>
      tpu.vector_store_idx %arg7[%add3A_817], %gather3A_814 : memref<3840xf32, #tpu.memory_space<vmem>>[vector<16xi32>], vector<16xf32>,
      %get3A_818 = arith.constant 256 : index
      %get3A_819 = tpu.vector_load %arg6[%get3A_818] {strides = array<i32>} : memref<640xi32, #tpu.memory_space<vmem>>, vector<16xi32>,
      %iota3A_820 = tpu.iota {dimensions = array<i32: 0>} : vector<16xi32>
      %add3A_821 = arith.constant 256 : i32
      %add3A_822 = vector.broadcast %add3A_821 : i32 to vector<16xi32>
      %add3A_823 = arith.addi %iota3A_820, %add3A_822 : vector<16xi32>
      %mul3A_824 = arith.constant 6 : i32
      %mul3A_825 = vector.broadcast %mul3A_824 : i32 to vector<16xi32>
      %mul3A_826 = arith.muli %add3A_823, %mul3A_825 : vector<16xi32>
      %add3A_827 = arith.constant 0 : i32
      %add3A_828 = vector.broadcast %add3A_827 : i32 to vector<16xi32>
      %add3A_829 = arith.addi %get3A_819, %add3A_828 : vector<16xi32>
      %gather3A_830 = tpu.vector_load_idx %arg5[%add3A_829] : memref<120000xf32, #tpu.memory_space<vmem>>[vector<16xi32>], vector<16xf32>,
      %add3A_831 = arith.constant 0 : i32
      %add3A_832 = vector.broadcast %add3A_831 : i32 to vector<16xi32>
      %add3A_833 = arith.addi %mul3A_826, %add3A_832 : vector<16xi32>
      tpu.vector_store_idx %arg7[%add3A_833], %gather3A_830 : memref<3840xf32, #tpu.memory_space<vmem>>[vector<16xi32>], vector<16xf32>,
      %add3A_834 = arith.constant 20000 : i32
      %add3A_835 = vector.broadcast %add3A_834 : i32 to vector<16xi32>
      %add3A_836 = arith.addi %get3A_819, %add3A_835 : vector<16xi32>
      %gather3A_837 = tpu.vector_load_idx %arg5[%add3A_836] : memref<120000xf32, #tpu.memory_space<vmem>>[vector<16xi32>], vector<16xf32>,
      %add3A_838 = arith.constant 1 : i32
      %add3A_839 = vector.broadcast %add3A_838 : i32 to vector<16xi32>
      %add3A_840 = arith.addi %mul3A_826, %add3A_839 : vector<16xi32>
      tpu.vector_store_idx %arg7[%add3A_840], %gather3A_837 : memref<3840xf32, #tpu.memory_space<vmem>>[vector<16xi32>], vector<16xf32>,
      %add3A_841 = arith.constant 40000 : i32
      %add3A_842 = vector.broadcast %add3A_841 : i32 to vector<16xi32>
      %add3A_843 = arith.addi %get3A_819, %add3A_842 : vector<16xi32>
      %gather3A_844 = tpu.vector_load_idx %arg5[%add3A_843] : memref<120000xf32, #tpu.memory_space<vmem>>[vector<16xi32>], vector<16xf32>,
      %add3A_845 = arith.constant 2 : i32
      %add3A_846 = vector.broadcast %add3A_845 : i32 to vector<16xi32>
      %add3A_847 = arith.addi %mul3A_826, %add3A_846 : vector<16xi32>
      tpu.vector_store_idx %arg7[%add3A_847], %gather3A_844 : memref<3840xf32, #tpu.memory_space<vmem>>[vector<16xi32>], vector<16xf32>,
      %add3A_848 = arith.constant 60000 : i32
      %add3A_849 = vector.broadcast %add3A_848 : i32 to vector<16xi32>
      %add3A_850 = arith.addi %get3A_819, %add3A_849 : vector<16xi32>
      %gather3A_851 = tpu.vector_load_idx %arg5[%add3A_850] : memref<120000xf32, #tpu.memory_space<vmem>>[vector<16xi32>], vector<16xf32>,
      %add3A_852 = arith.constant 3 : i32
      %add3A_853 = vector.broadcast %add3A_852 : i32 to vector<16xi32>
      %add3A_854 = arith.addi %mul3A_826, %add3A_853 : vector<16xi32>
      tpu.vector_store_idx %arg7[%add3A_854], %gather3A_851 : memref<3840xf32, #tpu.memory_space<vmem>>[vector<16xi32>], vector<16xf32>,
      %add3A_855 = arith.constant 80000 : i32
      %add3A_856 = vector.broadcast %add3A_855 : i32 to vector<16xi32>
      %add3A_857 = arith.addi %get3A_819, %add3A_856 : vector<16xi32>
      %gather3A_858 = tpu.vector_load_idx %arg5[%add3A_857] : memref<120000xf32, #tpu.memory_space<vmem>>[vector<16xi32>], vector<16xf32>,
      %add3A_859 = arith.constant 4 : i32
      %add3A_860 = vector.broadcast %add3A_859 : i32 to vector<16xi32>
      %add3A_861 = arith.addi %mul3A_826, %add3A_860 : vector<16xi32>
      tpu.vector_store_idx %arg7[%add3A_861], %gather3A_858 : memref<3840xf32, #tpu.memory_space<vmem>>[vector<16xi32>], vector<16xf32>,
      %add3A_862 = arith.constant 100000 : i32
      %add3A_863 = vector.broadcast %add3A_862 : i32 to vector<16xi32>
      %add3A_864 = arith.addi %get3A_819, %add3A_863 : vector<16xi32>
      %gather3A_865 = tpu.vector_load_idx %arg5[%add3A_864] : memref<120000xf32, #tpu.memory_space<vmem>>[vector<16xi32>], vector<16xf32>,
      %add3A_866 = arith.constant 5 : i32
      %add3A_867 = vector.broadcast %add3A_866 : i32 to vector<16xi32>
      %add3A_868 = arith.addi %mul3A_826, %add3A_867 : vector<16xi32>
      tpu.vector_store_idx %arg7[%add3A_868], %gather3A_865 : memref<3840xf32, #tpu.memory_space<vmem>>[vector<16xi32>], vector<16xf32>,
      %get3A_869 = arith.constant 272 : index
      %get3A_870 = tpu.vector_load %arg6[%get3A_869] {strides = array<i32>} : memref<640xi32, #tpu.memory_space<vmem>>, vector<16xi32>,
      %iota3A_871 = tpu.iota {dimensions = array<i32: 0>} : vector<16xi32>
      %add3A_872 = arith.constant 272 : i32
      %add3A_873 = vector.broadcast %add3A_872 : i32 to vector<16xi32>
      %add3A_874 = arith.addi %iota3A_871, %add3A_873 : vector<16xi32>
      %mul3A_875 = arith.constant 6 : i32
      %mul3A_876 = vector.broadcast %mul3A_875 : i32 to vector<16xi32>
      %mul3A_877 = arith.muli %add3A_874, %mul3A_876 : vector<16xi32>
      %add3A_878 = arith.constant 0 : i32
      %add3A_879 = vector.broadcast %add3A_878 : i32 to vector<16xi32>
      %add3A_880 = arith.addi %get3A_870, %add3A_879 : vector<16xi32>
      %gather3A_881 = tpu.vector_load_idx %arg5[%add3A_880] : memref<120000xf32, #tpu.memory_space<vmem>>[vector<16xi32>], vector<16xf32>,
      %add3A_882 = arith.constant 0 : i32
      %add3A_883 = vector.broadcast %add3A_882 : i32 to vector<16xi32>
      %add3A_884 = arith.addi %mul3A_877, %add3A_883 : vector<16xi32>
      tpu.vector_store_idx %arg7[%add3A_884], %gather3A_881 : memref<3840xf32, #tpu.memory_space<vmem>>[vector<16xi32>], vector<16xf32>,
      %add3A_885 = arith.constant 20000 : i32
      %add3A_886 = vector.broadcast %add3A_885 : i32 to vector<16xi32>
      %add3A_887 = arith.addi %get3A_870, %add3A_886 : vector<16xi32>
      %gather3A_888 = tpu.vector_load_idx %arg5[%add3A_887] : memref<120000xf32, #tpu.memory_space<vmem>>[vector<16xi32>], vector<16xf32>,
      %add3A_889 = arith.constant 1 : i32
      %add3A_890 = vector.broadcast %add3A_889 : i32 to vector<16xi32>
      %add3A_891 = arith.addi %mul3A_877, %add3A_890 : vector<16xi32>
      tpu.vector_store_idx %arg7[%add3A_891], %gather3A_888 : memref<3840xf32, #tpu.memory_space<vmem>>[vector<16xi32>], vector<16xf32>,
      %add3A_892 = arith.constant 40000 : i32
      %add3A_893 = vector.broadcast %add3A_892 : i32 to vector<16xi32>
      %add3A_894 = arith.addi %get3A_870, %add3A_893 : vector<16xi32>
      %gather3A_895 = tpu.vector_load_idx %arg5[%add3A_894] : memref<120000xf32, #tpu.memory_space<vmem>>[vector<16xi32>], vector<16xf32>,
      %add3A_896 = arith.constant 2 : i32
      %add3A_897 = vector.broadcast %add3A_896 : i32 to vector<16xi32>
      %add3A_898 = arith.addi %mul3A_877, %add3A_897 : vector<16xi32>
      tpu.vector_store_idx %arg7[%add3A_898], %gather3A_895 : memref<3840xf32, #tpu.memory_space<vmem>>[vector<16xi32>], vector<16xf32>,
      %add3A_899 = arith.constant 60000 : i32
      %add3A_900 = vector.broadcast %add3A_899 : i32 to vector<16xi32>
      %add3A_901 = arith.addi %get3A_870, %add3A_900 : vector<16xi32>
      %gather3A_902 = tpu.vector_load_idx %arg5[%add3A_901] : memref<120000xf32, #tpu.memory_space<vmem>>[vector<16xi32>], vector<16xf32>,
      %add3A_903 = arith.constant 3 : i32
      %add3A_904 = vector.broadcast %add3A_903 : i32 to vector<16xi32>
      %add3A_905 = arith.addi %mul3A_877, %add3A_904 : vector<16xi32>
      tpu.vector_store_idx %arg7[%add3A_905], %gather3A_902 : memref<3840xf32, #tpu.memory_space<vmem>>[vector<16xi32>], vector<16xf32>,
      %add3A_906 = arith.constant 80000 : i32
      %add3A_907 = vector.broadcast %add3A_906 : i32 to vector<16xi32>
      %add3A_908 = arith.addi %get3A_870, %add3A_907 : vector<16xi32>
      %gather3A_909 = tpu.vector_load_idx %arg5[%add3A_908] : memref<120000xf32, #tpu.memory_space<vmem>>[vector<16xi32>], vector<16xf32>,
      %add3A_910 = arith.constant 4 : i32
      %add3A_911 = vector.broadcast %add3A_910 : i32 to vector<16xi32>
      %add3A_912 = arith.addi %mul3A_877, %add3A_911 : vector<16xi32>
      tpu.vector_store_idx %arg7[%add3A_912], %gather3A_909 : memref<3840xf32, #tpu.memory_space<vmem>>[vector<16xi32>], vector<16xf32>,
      %add3A_913 = arith.constant 100000 : i32
      %add3A_914 = vector.broadcast %add3A_913 : i32 to vector<16xi32>
      %add3A_915 = arith.addi %get3A_870, %add3A_914 : vector<16xi32>
      %gather3A_916 = tpu.vector_load_idx %arg5[%add3A_915] : memref<120000xf32, #tpu.memory_space<vmem>>[vector<16xi32>], vector<16xf32>,
      %add3A_917 = arith.constant 5 : i32
      %add3A_918 = vector.broadcast %add3A_917 : i32 to vector<16xi32>
      %add3A_919 = arith.addi %mul3A_877, %add3A_918 : vector<16xi32>
      tpu.vector_store_idx %arg7[%add3A_919], %gather3A_916 : memref<3840xf32, #tpu.memory_space<vmem>>[vector<16xi32>], vector<16xf32>,
      %get3A_920 = arith.constant 288 : index
      %get3A_921 = tpu.vector_load %arg6[%get3A_920] {strides = array<i32>} : memref<640xi32, #tpu.memory_space<vmem>>, vector<16xi32>,
      %iota3A_922 = tpu.iota {dimensions = array<i32: 0>} : vector<16xi32>
      %add3A_923 = arith.constant 288 : i32
      %add3A_924 = vector.broadcast %add3A_923 : i32 to vector<16xi32>
      %add3A_925 = arith.addi %iota3A_922, %add3A_924 : vector<16xi32>
      %mul3A_926 = arith.constant 6 : i32
      %mul3A_927 = vector.broadcast %mul3A_926 : i32 to vector<16xi32>
      %mul3A_928 = arith.muli %add3A_925, %mul3A_927 : vector<16xi32>
      %add3A_929 = arith.constant 0 : i32
      %add3A_930 = vector.broadcast %add3A_929 : i32 to vector<16xi32>
      %add3A_931 = arith.addi %get3A_921, %add3A_930 : vector<16xi32>
      %gather3A_932 = tpu.vector_load_idx %arg5[%add3A_931] : memref<120000xf32, #tpu.memory_space<vmem>>[vector<16xi32>], vector<16xf32>,
      %add3A_933 = arith.constant 0 : i32
      %add3A_934 = vector.broadcast %add3A_933 : i32 to vector<16xi32>
      %add3A_935 = arith.addi %mul3A_928, %add3A_934 : vector<16xi32>
      tpu.vector_store_idx %arg7[%add3A_935], %gather3A_932 : memref<3840xf32, #tpu.memory_space<vmem>>[vector<16xi32>], vector<16xf32>,
      %add3A_936 = arith.constant 20000 : i32
      %add3A_937 = vector.broadcast %add3A_936 : i32 to vector<16xi32>
      %add3A_938 = arith.addi %get3A_921, %add3A_937 : vector<16xi32>
      %gather3A_939 = tpu.vector_load_idx %arg5[%add3A_938] : memref<120000xf32, #tpu.memory_space<vmem>>[vector<16xi32>], vector<16xf32>,
      %add3A_940 = arith.constant 1 : i32
      %add3A_941 = vector.broadcast %add3A_940 : i32 to vector<16xi32>
      %add3A_942 = arith.addi %mul3A_928, %add3A_941 : vector<16xi32>
      tpu.vector_store_idx %arg7[%add3A_942], %gather3A_939 : memref<3840xf32, #tpu.memory_space<vmem>>[vector<16xi32>], vector<16xf32>,
      %add3A_943 = arith.constant 40000 : i32
      %add3A_944 = vector.broadcast %add3A_943 : i32 to vector<16xi32>
      %add3A_945 = arith.addi %get3A_921, %add3A_944 : vector<16xi32>
      %gather3A_946 = tpu.vector_load_idx %arg5[%add3A_945] : memref<120000xf32, #tpu.memory_space<vmem>>[vector<16xi32>], vector<16xf32>,
      %add3A_947 = arith.constant 2 : i32
      %add3A_948 = vector.broadcast %add3A_947 : i32 to vector<16xi32>
      %add3A_949 = arith.addi %mul3A_928, %add3A_948 : vector<16xi32>
      tpu.vector_store_idx %arg7[%add3A_949], %gather3A_946 : memref<3840xf32, #tpu.memory_space<vmem>>[vector<16xi32>], vector<16xf32>,
      %add3A_950 = arith.constant 60000 : i32
      %add3A_951 = vector.broadcast %add3A_950 : i32 to vector<16xi32>
      %add3A_952 = arith.addi %get3A_921, %add3A_951 : vector<16xi32>
      %gather3A_953 = tpu.vector_load_idx %arg5[%add3A_952] : memref<120000xf32, #tpu.memory_space<vmem>>[vector<16xi32>], vector<16xf32>,
      %add3A_954 = arith.constant 3 : i32
      %add3A_955 = vector.broadcast %add3A_954 : i32 to vector<16xi32>
      %add3A_956 = arith.addi %mul3A_928, %add3A_955 : vector<16xi32>
      tpu.vector_store_idx %arg7[%add3A_956], %gather3A_953 : memref<3840xf32, #tpu.memory_space<vmem>>[vector<16xi32>], vector<16xf32>,
      %add3A_957 = arith.constant 80000 : i32
      %add3A_958 = vector.broadcast %add3A_957 : i32 to vector<16xi32>
      %add3A_959 = arith.addi %get3A_921, %add3A_958 : vector<16xi32>
      %gather3A_960 = tpu.vector_load_idx %arg5[%add3A_959] : memref<120000xf32, #tpu.memory_space<vmem>>[vector<16xi32>], vector<16xf32>,
      %add3A_961 = arith.constant 4 : i32
      %add3A_962 = vector.broadcast %add3A_961 : i32 to vector<16xi32>
      %add3A_963 = arith.addi %mul3A_928, %add3A_962 : vector<16xi32>
      tpu.vector_store_idx %arg7[%add3A_963], %gather3A_960 : memref<3840xf32, #tpu.memory_space<vmem>>[vector<16xi32>], vector<16xf32>,
      %add3A_964 = arith.constant 100000 : i32
      %add3A_965 = vector.broadcast %add3A_964 : i32 to vector<16xi32>
      %add3A_966 = arith.addi %get3A_921, %add3A_965 : vector<16xi32>
      %gather3A_967 = tpu.vector_load_idx %arg5[%add3A_966] : memref<120000xf32, #tpu.memory_space<vmem>>[vector<16xi32>], vector<16xf32>,
      %add3A_968 = arith.constant 5 : i32
      %add3A_969 = vector.broadcast %add3A_968 : i32 to vector<16xi32>
      %add3A_970 = arith.addi %mul3A_928, %add3A_969 : vector<16xi32>
      tpu.vector_store_idx %arg7[%add3A_970], %gather3A_967 : memref<3840xf32, #tpu.memory_space<vmem>>[vector<16xi32>], vector<16xf32>,
      %get3A_971 = arith.constant 304 : index
      %get3A_972 = tpu.vector_load %arg6[%get3A_971] {strides = array<i32>} : memref<640xi32, #tpu.memory_space<vmem>>, vector<16xi32>,
      %iota3A_973 = tpu.iota {dimensions = array<i32: 0>} : vector<16xi32>
      %add3A_974 = arith.constant 304 : i32
      %add3A_975 = vector.broadcast %add3A_974 : i32 to vector<16xi32>
      %add3A_976 = arith.addi %iota3A_973, %add3A_975 : vector<16xi32>
      %mul3A_977 = arith.constant 6 : i32
      %mul3A_978 = vector.broadcast %mul3A_977 : i32 to vector<16xi32>
      %mul3A_979 = arith.muli %add3A_976, %mul3A_978 : vector<16xi32>
      %add3A_980 = arith.constant 0 : i32
      %add3A_981 = vector.broadcast %add3A_980 : i32 to vector<16xi32>
      %add3A_982 = arith.addi %get3A_972, %add3A_981 : vector<16xi32>
      %gather3A_983 = tpu.vector_load_idx %arg5[%add3A_982] : memref<120000xf32, #tpu.memory_space<vmem>>[vector<16xi32>], vector<16xf32>,
      %add3A_984 = arith.constant 0 : i32
      %add3A_985 = vector.broadcast %add3A_984 : i32 to vector<16xi32>
      %add3A_986 = arith.addi %mul3A_979, %add3A_985 : vector<16xi32>
      tpu.vector_store_idx %arg7[%add3A_986], %gather3A_983 : memref<3840xf32, #tpu.memory_space<vmem>>[vector<16xi32>], vector<16xf32>,
      %add3A_987 = arith.constant 20000 : i32
      %add3A_988 = vector.broadcast %add3A_987 : i32 to vector<16xi32>
      %add3A_989 = arith.addi %get3A_972, %add3A_988 : vector<16xi32>
      %gather3A_990 = tpu.vector_load_idx %arg5[%add3A_989] : memref<120000xf32, #tpu.memory_space<vmem>>[vector<16xi32>], vector<16xf32>,
      %add3A_991 = arith.constant 1 : i32
      %add3A_992 = vector.broadcast %add3A_991 : i32 to vector<16xi32>
      %add3A_993 = arith.addi %mul3A_979, %add3A_992 : vector<16xi32>
      tpu.vector_store_idx %arg7[%add3A_993], %gather3A_990 : memref<3840xf32, #tpu.memory_space<vmem>>[vector<16xi32>], vector<16xf32>,
      %add3A_994 = arith.constant 40000 : i32
      %add3A_995 = vector.broadcast %add3A_994 : i32 to vector<16xi32>
      %add3A_996 = arith.addi %get3A_972, %add3A_995 : vector<16xi32>
      %gather3A_997 = tpu.vector_load_idx %arg5[%add3A_996] : memref<120000xf32, #tpu.memory_space<vmem>>[vector<16xi32>], vector<16xf32>,
      %add3A_998 = arith.constant 2 : i32
      %add3A_999 = vector.broadcast %add3A_998 : i32 to vector<16xi32>
      %add3A_1000 = arith.addi %mul3A_979, %add3A_999 : vector<16xi32>
      tpu.vector_store_idx %arg7[%add3A_1000], %gather3A_997 : memref<3840xf32, #tpu.memory_space<vmem>>[vector<16xi32>], vector<16xf32>,
      %add3A_1001 = arith.constant 60000 : i32
      %add3A_1002 = vector.broadcast %add3A_1001 : i32 to vector<16xi32>
      %add3A_1003 = arith.addi %get3A_972, %add3A_1002 : vector<16xi32>
      %gather3A_1004 = tpu.vector_load_idx %arg5[%add3A_1003] : memref<120000xf32, #tpu.memory_space<vmem>>[vector<16xi32>], vector<16xf32>,
      %add3A_1005 = arith.constant 3 : i32
      %add3A_1006 = vector.broadcast %add3A_1005 : i32 to vector<16xi32>
      %add3A_1007 = arith.addi %mul3A_979, %add3A_1006 : vector<16xi32>
      tpu.vector_store_idx %arg7[%add3A_1007], %gather3A_1004 : memref<3840xf32, #tpu.memory_space<vmem>>[vector<16xi32>], vector<16xf32>,
      %add3A_1008 = arith.constant 80000 : i32
      %add3A_1009 = vector.broadcast %add3A_1008 : i32 to vector<16xi32>
      %add3A_1010 = arith.addi %get3A_972, %add3A_1009 : vector<16xi32>
      %gather3A_1011 = tpu.vector_load_idx %arg5[%add3A_1010] : memref<120000xf32, #tpu.memory_space<vmem>>[vector<16xi32>], vector<16xf32>,
      %add3A_1012 = arith.constant 4 : i32
      %add3A_1013 = vector.broadcast %add3A_1012 : i32 to vector<16xi32>
      %add3A_1014 = arith.addi %mul3A_979, %add3A_1013 : vector<16xi32>
      tpu.vector_store_idx %arg7[%add3A_1014], %gather3A_1011 : memref<3840xf32, #tpu.memory_space<vmem>>[vector<16xi32>], vector<16xf32>,
      %add3A_1015 = arith.constant 100000 : i32
      %add3A_1016 = vector.broadcast %add3A_1015 : i32 to vector<16xi32>
      %add3A_1017 = arith.addi %get3A_972, %add3A_1016 : vector<16xi32>
      %gather3A_1018 = tpu.vector_load_idx %arg5[%add3A_1017] : memref<120000xf32, #tpu.memory_space<vmem>>[vector<16xi32>], vector<16xf32>,
      %add3A_1019 = arith.constant 5 : i32
      %add3A_1020 = vector.broadcast %add3A_1019 : i32 to vector<16xi32>
      %add3A_1021 = arith.addi %mul3A_979, %add3A_1020 : vector<16xi32>
      tpu.vector_store_idx %arg7[%add3A_1021], %gather3A_1018 : memref<3840xf32, #tpu.memory_space<vmem>>[vector<16xi32>], vector<16xf32>,
      %get3A_1022 = arith.constant 320 : index
      %get3A_1023 = tpu.vector_load %arg6[%get3A_1022] {strides = array<i32>} : memref<640xi32, #tpu.memory_space<vmem>>, vector<16xi32>,
      %iota3A_1024 = tpu.iota {dimensions = array<i32: 0>} : vector<16xi32>
      %add3A_1025 = arith.constant 320 : i32
      %add3A_1026 = vector.broadcast %add3A_1025 : i32 to vector<16xi32>
      %add3A_1027 = arith.addi %iota3A_1024, %add3A_1026 : vector<16xi32>
      %mul3A_1028 = arith.constant 6 : i32
      %mul3A_1029 = vector.broadcast %mul3A_1028 : i32 to vector<16xi32>
      %mul3A_1030 = arith.muli %add3A_1027, %mul3A_1029 : vector<16xi32>
      %add3A_1031 = arith.constant 0 : i32
      %add3A_1032 = vector.broadcast %add3A_1031 : i32 to vector<16xi32>
      %add3A_1033 = arith.addi %get3A_1023, %add3A_1032 : vector<16xi32>
      %gather3A_1034 = tpu.vector_load_idx %arg5[%add3A_1033] : memref<120000xf32, #tpu.memory_space<vmem>>[vector<16xi32>], vector<16xf32>,
      %add3A_1035 = arith.constant 0 : i32
      %add3A_1036 = vector.broadcast %add3A_1035 : i32 to vector<16xi32>
      %add3A_1037 = arith.addi %mul3A_1030, %add3A_1036 : vector<16xi32>
      tpu.vector_store_idx %arg7[%add3A_1037], %gather3A_1034 : memref<3840xf32, #tpu.memory_space<vmem>>[vector<16xi32>], vector<16xf32>,
      %add3A_1038 = arith.constant 20000 : i32
      %add3A_1039 = vector.broadcast %add3A_1038 : i32 to vector<16xi32>
      %add3A_1040 = arith.addi %get3A_1023, %add3A_1039 : vector<16xi32>
      %gather3A_1041 = tpu.vector_load_idx %arg5[%add3A_1040] : memref<120000xf32, #tpu.memory_space<vmem>>[vector<16xi32>], vector<16xf32>,
      %add3A_1042 = arith.constant 1 : i32
      %add3A_1043 = vector.broadcast %add3A_1042 : i32 to vector<16xi32>
      %add3A_1044 = arith.addi %mul3A_1030, %add3A_1043 : vector<16xi32>
      tpu.vector_store_idx %arg7[%add3A_1044], %gather3A_1041 : memref<3840xf32, #tpu.memory_space<vmem>>[vector<16xi32>], vector<16xf32>,
      %add3A_1045 = arith.constant 40000 : i32
      %add3A_1046 = vector.broadcast %add3A_1045 : i32 to vector<16xi32>
      %add3A_1047 = arith.addi %get3A_1023, %add3A_1046 : vector<16xi32>
      %gather3A_1048 = tpu.vector_load_idx %arg5[%add3A_1047] : memref<120000xf32, #tpu.memory_space<vmem>>[vector<16xi32>], vector<16xf32>,
      %add3A_1049 = arith.constant 2 : i32
      %add3A_1050 = vector.broadcast %add3A_1049 : i32 to vector<16xi32>
      %add3A_1051 = arith.addi %mul3A_1030, %add3A_1050 : vector<16xi32>
      tpu.vector_store_idx %arg7[%add3A_1051], %gather3A_1048 : memref<3840xf32, #tpu.memory_space<vmem>>[vector<16xi32>], vector<16xf32>,
      %add3A_1052 = arith.constant 60000 : i32
      %add3A_1053 = vector.broadcast %add3A_1052 : i32 to vector<16xi32>
      %add3A_1054 = arith.addi %get3A_1023, %add3A_1053 : vector<16xi32>
      %gather3A_1055 = tpu.vector_load_idx %arg5[%add3A_1054] : memref<120000xf32, #tpu.memory_space<vmem>>[vector<16xi32>], vector<16xf32>,
      %add3A_1056 = arith.constant 3 : i32
      %add3A_1057 = vector.broadcast %add3A_1056 : i32 to vector<16xi32>
      %add3A_1058 = arith.addi %mul3A_1030, %add3A_1057 : vector<16xi32>
      tpu.vector_store_idx %arg7[%add3A_1058], %gather3A_1055 : memref<3840xf32, #tpu.memory_space<vmem>>[vector<16xi32>], vector<16xf32>,
      %add3A_1059 = arith.constant 80000 : i32
      %add3A_1060 = vector.broadcast %add3A_1059 : i32 to vector<16xi32>
      %add3A_1061 = arith.addi %get3A_1023, %add3A_1060 : vector<16xi32>
      %gather3A_1062 = tpu.vector_load_idx %arg5[%add3A_1061] : memref<120000xf32, #tpu.memory_space<vmem>>[vector<16xi32>], vector<16xf32>,
      %add3A_1063 = arith.constant 4 : i32
      %add3A_1064 = vector.broadcast %add3A_1063 : i32 to vector<16xi32>
      %add3A_1065 = arith.addi %mul3A_1030, %add3A_1064 : vector<16xi32>
      tpu.vector_store_idx %arg7[%add3A_1065], %gather3A_1062 : memref<3840xf32, #tpu.memory_space<vmem>>[vector<16xi32>], vector<16xf32>,
      %add3A_1066 = arith.constant 100000 : i32
      %add3A_1067 = vector.broadcast %add3A_1066 : i32 to vector<16xi32>
      %add3A_1068 = arith.addi %get3A_1023, %add3A_1067 : vector<16xi32>
      %gather3A_1069 = tpu.vector_load_idx %arg5[%add3A_1068] : memref<120000xf32, #tpu.memory_space<vmem>>[vector<16xi32>], vector<16xf32>,
      %add3A_1070 = arith.constant 5 : i32
      %add3A_1071 = vector.broadcast %add3A_1070 : i32 to vector<16xi32>
      %add3A_1072 = arith.addi %mul3A_1030, %add3A_1071 : vector<16xi32>
      tpu.vector_store_idx %arg7[%add3A_1072], %gather3A_1069 : memref<3840xf32, #tpu.memory_space<vmem>>[vector<16xi32>], vector<16xf32>,
      %get3A_1073 = arith.constant 336 : index
      %get3A_1074 = tpu.vector_load %arg6[%get3A_1073] {strides = array<i32>} : memref<640xi32, #tpu.memory_space<vmem>>, vector<16xi32>,
      %iota3A_1075 = tpu.iota {dimensions = array<i32: 0>} : vector<16xi32>
      %add3A_1076 = arith.constant 336 : i32
      %add3A_1077 = vector.broadcast %add3A_1076 : i32 to vector<16xi32>
      %add3A_1078 = arith.addi %iota3A_1075, %add3A_1077 : vector<16xi32>
      %mul3A_1079 = arith.constant 6 : i32
      %mul3A_1080 = vector.broadcast %mul3A_1079 : i32 to vector<16xi32>
      %mul3A_1081 = arith.muli %add3A_1078, %mul3A_1080 : vector<16xi32>
      %add3A_1082 = arith.constant 0 : i32
      %add3A_1083 = vector.broadcast %add3A_1082 : i32 to vector<16xi32>
      %add3A_1084 = arith.addi %get3A_1074, %add3A_1083 : vector<16xi32>
      %gather3A_1085 = tpu.vector_load_idx %arg5[%add3A_1084] : memref<120000xf32, #tpu.memory_space<vmem>>[vector<16xi32>], vector<16xf32>,
      %add3A_1086 = arith.constant 0 : i32
      %add3A_1087 = vector.broadcast %add3A_1086 : i32 to vector<16xi32>
      %add3A_1088 = arith.addi %mul3A_1081, %add3A_1087 : vector<16xi32>
      tpu.vector_store_idx %arg7[%add3A_1088], %gather3A_1085 : memref<3840xf32, #tpu.memory_space<vmem>>[vector<16xi32>], vector<16xf32>,
      %add3A_1089 = arith.constant 20000 : i32
      %add3A_1090 = vector.broadcast %add3A_1089 : i32 to vector<16xi32>
      %add3A_1091 = arith.addi %get3A_1074, %add3A_1090 : vector<16xi32>
      %gather3A_1092 = tpu.vector_load_idx %arg5[%add3A_1091] : memref<120000xf32, #tpu.memory_space<vmem>>[vector<16xi32>], vector<16xf32>,
      %add3A_1093 = arith.constant 1 : i32
      %add3A_1094 = vector.broadcast %add3A_1093 : i32 to vector<16xi32>
      %add3A_1095 = arith.addi %mul3A_1081, %add3A_1094 : vector<16xi32>
      tpu.vector_store_idx %arg7[%add3A_1095], %gather3A_1092 : memref<3840xf32, #tpu.memory_space<vmem>>[vector<16xi32>], vector<16xf32>,
      %add3A_1096 = arith.constant 40000 : i32
      %add3A_1097 = vector.broadcast %add3A_1096 : i32 to vector<16xi32>
      %add3A_1098 = arith.addi %get3A_1074, %add3A_1097 : vector<16xi32>
      %gather3A_1099 = tpu.vector_load_idx %arg5[%add3A_1098] : memref<120000xf32, #tpu.memory_space<vmem>>[vector<16xi32>], vector<16xf32>,
      %add3A_1100 = arith.constant 2 : i32
      %add3A_1101 = vector.broadcast %add3A_1100 : i32 to vector<16xi32>
      %add3A_1102 = arith.addi %mul3A_1081, %add3A_1101 : vector<16xi32>
      tpu.vector_store_idx %arg7[%add3A_1102], %gather3A_1099 : memref<3840xf32, #tpu.memory_space<vmem>>[vector<16xi32>], vector<16xf32>,
      %add3A_1103 = arith.constant 60000 : i32
      %add3A_1104 = vector.broadcast %add3A_1103 : i32 to vector<16xi32>
      %add3A_1105 = arith.addi %get3A_1074, %add3A_1104 : vector<16xi32>
      %gather3A_1106 = tpu.vector_load_idx %arg5[%add3A_1105] : memref<120000xf32, #tpu.memory_space<vmem>>[vector<16xi32>], vector<16xf32>,
      %add3A_1107 = arith.constant 3 : i32
      %add3A_1108 = vector.broadcast %add3A_1107 : i32 to vector<16xi32>
      %add3A_1109 = arith.addi %mul3A_1081, %add3A_1108 : vector<16xi32>
      tpu.vector_store_idx %arg7[%add3A_1109], %gather3A_1106 : memref<3840xf32, #tpu.memory_space<vmem>>[vector<16xi32>], vector<16xf32>,
      %add3A_1110 = arith.constant 80000 : i32
      %add3A_1111 = vector.broadcast %add3A_1110 : i32 to vector<16xi32>
      %add3A_1112 = arith.addi %get3A_1074, %add3A_1111 : vector<16xi32>
      %gather3A_1113 = tpu.vector_load_idx %arg5[%add3A_1112] : memref<120000xf32, #tpu.memory_space<vmem>>[vector<16xi32>], vector<16xf32>,
      %add3A_1114 = arith.constant 4 : i32
      %add3A_1115 = vector.broadcast %add3A_1114 : i32 to vector<16xi32>
      %add3A_1116 = arith.addi %mul3A_1081, %add3A_1115 : vector<16xi32>
      tpu.vector_store_idx %arg7[%add3A_1116], %gather3A_1113 : memref<3840xf32, #tpu.memory_space<vmem>>[vector<16xi32>], vector<16xf32>,
      %add3A_1117 = arith.constant 100000 : i32
      %add3A_1118 = vector.broadcast %add3A_1117 : i32 to vector<16xi32>
      %add3A_1119 = arith.addi %get3A_1074, %add3A_1118 : vector<16xi32>
      %gather3A_1120 = tpu.vector_load_idx %arg5[%add3A_1119] : memref<120000xf32, #tpu.memory_space<vmem>>[vector<16xi32>], vector<16xf32>,
      %add3A_1121 = arith.constant 5 : i32
      %add3A_1122 = vector.broadcast %add3A_1121 : i32 to vector<16xi32>
      %add3A_1123 = arith.addi %mul3A_1081, %add3A_1122 : vector<16xi32>
      tpu.vector_store_idx %arg7[%add3A_1123], %gather3A_1120 : memref<3840xf32, #tpu.memory_space<vmem>>[vector<16xi32>], vector<16xf32>,
      %get3A_1124 = arith.constant 352 : index
      %get3A_1125 = tpu.vector_load %arg6[%get3A_1124] {strides = array<i32>} : memref<640xi32, #tpu.memory_space<vmem>>, vector<16xi32>,
      %iota3A_1126 = tpu.iota {dimensions = array<i32: 0>} : vector<16xi32>
      %add3A_1127 = arith.constant 352 : i32
      %add3A_1128 = vector.broadcast %add3A_1127 : i32 to vector<16xi32>
      %add3A_1129 = arith.addi %iota3A_1126, %add3A_1128 : vector<16xi32>
      %mul3A_1130 = arith.constant 6 : i32
      %mul3A_1131 = vector.broadcast %mul3A_1130 : i32 to vector<16xi32>
      %mul3A_1132 = arith.muli %add3A_1129, %mul3A_1131 : vector<16xi32>
      %add3A_1133 = arith.constant 0 : i32
      %add3A_1134 = vector.broadcast %add3A_1133 : i32 to vector<16xi32>
      %add3A_1135 = arith.addi %get3A_1125, %add3A_1134 : vector<16xi32>
      %gather3A_1136 = tpu.vector_load_idx %arg5[%add3A_1135] : memref<120000xf32, #tpu.memory_space<vmem>>[vector<16xi32>], vector<16xf32>,
      %add3A_1137 = arith.constant 0 : i32
      %add3A_1138 = vector.broadcast %add3A_1137 : i32 to vector<16xi32>
      %add3A_1139 = arith.addi %mul3A_1132, %add3A_1138 : vector<16xi32>
      tpu.vector_store_idx %arg7[%add3A_1139], %gather3A_1136 : memref<3840xf32, #tpu.memory_space<vmem>>[vector<16xi32>], vector<16xf32>,
      %add3A_1140 = arith.constant 20000 : i32
      %add3A_1141 = vector.broadcast %add3A_1140 : i32 to vector<16xi32>
      %add3A_1142 = arith.addi %get3A_1125, %add3A_1141 : vector<16xi32>
      %gather3A_1143 = tpu.vector_load_idx %arg5[%add3A_1142] : memref<120000xf32, #tpu.memory_space<vmem>>[vector<16xi32>], vector<16xf32>,
      %add3A_1144 = arith.constant 1 : i32
      %add3A_1145 = vector.broadcast %add3A_1144 : i32 to vector<16xi32>
      %add3A_1146 = arith.addi %mul3A_1132, %add3A_1145 : vector<16xi32>
      tpu.vector_store_idx %arg7[%add3A_1146], %gather3A_1143 : memref<3840xf32, #tpu.memory_space<vmem>>[vector<16xi32>], vector<16xf32>,
      %add3A_1147 = arith.constant 40000 : i32
      %add3A_1148 = vector.broadcast %add3A_1147 : i32 to vector<16xi32>
      %add3A_1149 = arith.addi %get3A_1125, %add3A_1148 : vector<16xi32>
      %gather3A_1150 = tpu.vector_load_idx %arg5[%add3A_1149] : memref<120000xf32, #tpu.memory_space<vmem>>[vector<16xi32>], vector<16xf32>,
      %add3A_1151 = arith.constant 2 : i32
      %add3A_1152 = vector.broadcast %add3A_1151 : i32 to vector<16xi32>
      %add3A_1153 = arith.addi %mul3A_1132, %add3A_1152 : vector<16xi32>
      tpu.vector_store_idx %arg7[%add3A_1153], %gather3A_1150 : memref<3840xf32, #tpu.memory_space<vmem>>[vector<16xi32>], vector<16xf32>,
      %add3A_1154 = arith.constant 60000 : i32
      %add3A_1155 = vector.broadcast %add3A_1154 : i32 to vector<16xi32>
      %add3A_1156 = arith.addi %get3A_1125, %add3A_1155 : vector<16xi32>
      %gather3A_1157 = tpu.vector_load_idx %arg5[%add3A_1156] : memref<120000xf32, #tpu.memory_space<vmem>>[vector<16xi32>], vector<16xf32>,
      %add3A_1158 = arith.constant 3 : i32
      %add3A_1159 = vector.broadcast %add3A_1158 : i32 to vector<16xi32>
      %add3A_1160 = arith.addi %mul3A_1132, %add3A_1159 : vector<16xi32>
      tpu.vector_store_idx %arg7[%add3A_1160], %gather3A_1157 : memref<3840xf32, #tpu.memory_space<vmem>>[vector<16xi32>], vector<16xf32>,
      %add3A_1161 = arith.constant 80000 : i32
      %add3A_1162 = vector.broadcast %add3A_1161 : i32 to vector<16xi32>
      %add3A_1163 = arith.addi %get3A_1125, %add3A_1162 : vector<16xi32>
      %gather3A_1164 = tpu.vector_load_idx %arg5[%add3A_1163] : memref<120000xf32, #tpu.memory_space<vmem>>[vector<16xi32>], vector<16xf32>,
      %add3A_1165 = arith.constant 4 : i32
      %add3A_1166 = vector.broadcast %add3A_1165 : i32 to vector<16xi32>
      %add3A_1167 = arith.addi %mul3A_1132, %add3A_1166 : vector<16xi32>
      tpu.vector_store_idx %arg7[%add3A_1167], %gather3A_1164 : memref<3840xf32, #tpu.memory_space<vmem>>[vector<16xi32>], vector<16xf32>,
      %add3A_1168 = arith.constant 100000 : i32
      %add3A_1169 = vector.broadcast %add3A_1168 : i32 to vector<16xi32>
      %add3A_1170 = arith.addi %get3A_1125, %add3A_1169 : vector<16xi32>
      %gather3A_1171 = tpu.vector_load_idx %arg5[%add3A_1170] : memref<120000xf32, #tpu.memory_space<vmem>>[vector<16xi32>], vector<16xf32>,
      %add3A_1172 = arith.constant 5 : i32
      %add3A_1173 = vector.broadcast %add3A_1172 : i32 to vector<16xi32>
      %add3A_1174 = arith.addi %mul3A_1132, %add3A_1173 : vector<16xi32>
      tpu.vector_store_idx %arg7[%add3A_1174], %gather3A_1171 : memref<3840xf32, #tpu.memory_space<vmem>>[vector<16xi32>], vector<16xf32>,
      %get3A_1175 = arith.constant 368 : index
      %get3A_1176 = tpu.vector_load %arg6[%get3A_1175] {strides = array<i32>} : memref<640xi32, #tpu.memory_space<vmem>>, vector<16xi32>,
      %iota3A_1177 = tpu.iota {dimensions = array<i32: 0>} : vector<16xi32>
      %add3A_1178 = arith.constant 368 : i32
      %add3A_1179 = vector.broadcast %add3A_1178 : i32 to vector<16xi32>
      %add3A_1180 = arith.addi %iota3A_1177, %add3A_1179 : vector<16xi32>
      %mul3A_1181 = arith.constant 6 : i32
      %mul3A_1182 = vector.broadcast %mul3A_1181 : i32 to vector<16xi32>
      %mul3A_1183 = arith.muli %add3A_1180, %mul3A_1182 : vector<16xi32>
      %add3A_1184 = arith.constant 0 : i32
      %add3A_1185 = vector.broadcast %add3A_1184 : i32 to vector<16xi32>
      %add3A_1186 = arith.addi %get3A_1176, %add3A_1185 : vector<16xi32>
      %gather3A_1187 = tpu.vector_load_idx %arg5[%add3A_1186] : memref<120000xf32, #tpu.memory_space<vmem>>[vector<16xi32>], vector<16xf32>,
      %add3A_1188 = arith.constant 0 : i32
      %add3A_1189 = vector.broadcast %add3A_1188 : i32 to vector<16xi32>
      %add3A_1190 = arith.addi %mul3A_1183, %add3A_1189 : vector<16xi32>
      tpu.vector_store_idx %arg7[%add3A_1190], %gather3A_1187 : memref<3840xf32, #tpu.memory_space<vmem>>[vector<16xi32>], vector<16xf32>,
      %add3A_1191 = arith.constant 20000 : i32
      %add3A_1192 = vector.broadcast %add3A_1191 : i32 to vector<16xi32>
      %add3A_1193 = arith.addi %get3A_1176, %add3A_1192 : vector<16xi32>
      %gather3A_1194 = tpu.vector_load_idx %arg5[%add3A_1193] : memref<120000xf32, #tpu.memory_space<vmem>>[vector<16xi32>], vector<16xf32>,
      %add3A_1195 = arith.constant 1 : i32
      %add3A_1196 = vector.broadcast %add3A_1195 : i32 to vector<16xi32>
      %add3A_1197 = arith.addi %mul3A_1183, %add3A_1196 : vector<16xi32>
      tpu.vector_store_idx %arg7[%add3A_1197], %gather3A_1194 : memref<3840xf32, #tpu.memory_space<vmem>>[vector<16xi32>], vector<16xf32>,
      %add3A_1198 = arith.constant 40000 : i32
      %add3A_1199 = vector.broadcast %add3A_1198 : i32 to vector<16xi32>
      %add3A_1200 = arith.addi %get3A_1176, %add3A_1199 : vector<16xi32>
      %gather3A_1201 = tpu.vector_load_idx %arg5[%add3A_1200] : memref<120000xf32, #tpu.memory_space<vmem>>[vector<16xi32>], vector<16xf32>,
      %add3A_1202 = arith.constant 2 : i32
      %add3A_1203 = vector.broadcast %add3A_1202 : i32 to vector<16xi32>
      %add3A_1204 = arith.addi %mul3A_1183, %add3A_1203 : vector<16xi32>
      tpu.vector_store_idx %arg7[%add3A_1204], %gather3A_1201 : memref<3840xf32, #tpu.memory_space<vmem>>[vector<16xi32>], vector<16xf32>,
      %add3A_1205 = arith.constant 60000 : i32
      %add3A_1206 = vector.broadcast %add3A_1205 : i32 to vector<16xi32>
      %add3A_1207 = arith.addi %get3A_1176, %add3A_1206 : vector<16xi32>
      %gather3A_1208 = tpu.vector_load_idx %arg5[%add3A_1207] : memref<120000xf32, #tpu.memory_space<vmem>>[vector<16xi32>], vector<16xf32>,
      %add3A_1209 = arith.constant 3 : i32
      %add3A_1210 = vector.broadcast %add3A_1209 : i32 to vector<16xi32>
      %add3A_1211 = arith.addi %mul3A_1183, %add3A_1210 : vector<16xi32>
      tpu.vector_store_idx %arg7[%add3A_1211], %gather3A_1208 : memref<3840xf32, #tpu.memory_space<vmem>>[vector<16xi32>], vector<16xf32>,
      %add3A_1212 = arith.constant 80000 : i32
      %add3A_1213 = vector.broadcast %add3A_1212 : i32 to vector<16xi32>
      %add3A_1214 = arith.addi %get3A_1176, %add3A_1213 : vector<16xi32>
      %gather3A_1215 = tpu.vector_load_idx %arg5[%add3A_1214] : memref<120000xf32, #tpu.memory_space<vmem>>[vector<16xi32>], vector<16xf32>,
      %add3A_1216 = arith.constant 4 : i32
      %add3A_1217 = vector.broadcast %add3A_1216 : i32 to vector<16xi32>
      %add3A_1218 = arith.addi %mul3A_1183, %add3A_1217 : vector<16xi32>
      tpu.vector_store_idx %arg7[%add3A_1218], %gather3A_1215 : memref<3840xf32, #tpu.memory_space<vmem>>[vector<16xi32>], vector<16xf32>,
      %add3A_1219 = arith.constant 100000 : i32
      %add3A_1220 = vector.broadcast %add3A_1219 : i32 to vector<16xi32>
      %add3A_1221 = arith.addi %get3A_1176, %add3A_1220 : vector<16xi32>
      %gather3A_1222 = tpu.vector_load_idx %arg5[%add3A_1221] : memref<120000xf32, #tpu.memory_space<vmem>>[vector<16xi32>], vector<16xf32>,
      %add3A_1223 = arith.constant 5 : i32
      %add3A_1224 = vector.broadcast %add3A_1223 : i32 to vector<16xi32>
      %add3A_1225 = arith.addi %mul3A_1183, %add3A_1224 : vector<16xi32>
      tpu.vector_store_idx %arg7[%add3A_1225], %gather3A_1222 : memref<3840xf32, #tpu.memory_space<vmem>>[vector<16xi32>], vector<16xf32>,
      %get3A_1226 = arith.constant 384 : index
      %get3A_1227 = tpu.vector_load %arg6[%get3A_1226] {strides = array<i32>} : memref<640xi32, #tpu.memory_space<vmem>>, vector<16xi32>,
      %iota3A_1228 = tpu.iota {dimensions = array<i32: 0>} : vector<16xi32>
      %add3A_1229 = arith.constant 384 : i32
      %add3A_1230 = vector.broadcast %add3A_1229 : i32 to vector<16xi32>
      %add3A_1231 = arith.addi %iota3A_1228, %add3A_1230 : vector<16xi32>
      %mul3A_1232 = arith.constant 6 : i32
      %mul3A_1233 = vector.broadcast %mul3A_1232 : i32 to vector<16xi32>
      %mul3A_1234 = arith.muli %add3A_1231, %mul3A_1233 : vector<16xi32>
      %add3A_1235 = arith.constant 0 : i32
      %add3A_1236 = vector.broadcast %add3A_1235 : i32 to vector<16xi32>
      %add3A_1237 = arith.addi %get3A_1227, %add3A_1236 : vector<16xi32>
      %gather3A_1238 = tpu.vector_load_idx %arg5[%add3A_1237] : memref<120000xf32, #tpu.memory_space<vmem>>[vector<16xi32>], vector<16xf32>,
      %add3A_1239 = arith.constant 0 : i32
      %add3A_1240 = vector.broadcast %add3A_1239 : i32 to vector<16xi32>
      %add3A_1241 = arith.addi %mul3A_1234, %add3A_1240 : vector<16xi32>
      tpu.vector_store_idx %arg7[%add3A_1241], %gather3A_1238 : memref<3840xf32, #tpu.memory_space<vmem>>[vector<16xi32>], vector<16xf32>,
      %add3A_1242 = arith.constant 20000 : i32
      %add3A_1243 = vector.broadcast %add3A_1242 : i32 to vector<16xi32>
      %add3A_1244 = arith.addi %get3A_1227, %add3A_1243 : vector<16xi32>
      %gather3A_1245 = tpu.vector_load_idx %arg5[%add3A_1244] : memref<120000xf32, #tpu.memory_space<vmem>>[vector<16xi32>], vector<16xf32>,
      %add3A_1246 = arith.constant 1 : i32
      %add3A_1247 = vector.broadcast %add3A_1246 : i32 to vector<16xi32>
      %add3A_1248 = arith.addi %mul3A_1234, %add3A_1247 : vector<16xi32>
      tpu.vector_store_idx %arg7[%add3A_1248], %gather3A_1245 : memref<3840xf32, #tpu.memory_space<vmem>>[vector<16xi32>], vector<16xf32>,
      %add3A_1249 = arith.constant 40000 : i32
      %add3A_1250 = vector.broadcast %add3A_1249 : i32 to vector<16xi32>
      %add3A_1251 = arith.addi %get3A_1227, %add3A_1250 : vector<16xi32>
      %gather3A_1252 = tpu.vector_load_idx %arg5[%add3A_1251] : memref<120000xf32, #tpu.memory_space<vmem>>[vector<16xi32>], vector<16xf32>,
      %add3A_1253 = arith.constant 2 : i32
      %add3A_1254 = vector.broadcast %add3A_1253 : i32 to vector<16xi32>
      %add3A_1255 = arith.addi %mul3A_1234, %add3A_1254 : vector<16xi32>
      tpu.vector_store_idx %arg7[%add3A_1255], %gather3A_1252 : memref<3840xf32, #tpu.memory_space<vmem>>[vector<16xi32>], vector<16xf32>,
      %add3A_1256 = arith.constant 60000 : i32
      %add3A_1257 = vector.broadcast %add3A_1256 : i32 to vector<16xi32>
      %add3A_1258 = arith.addi %get3A_1227, %add3A_1257 : vector<16xi32>
      %gather3A_1259 = tpu.vector_load_idx %arg5[%add3A_1258] : memref<120000xf32, #tpu.memory_space<vmem>>[vector<16xi32>], vector<16xf32>,
      %add3A_1260 = arith.constant 3 : i32
      %add3A_1261 = vector.broadcast %add3A_1260 : i32 to vector<16xi32>
      %add3A_1262 = arith.addi %mul3A_1234, %add3A_1261 : vector<16xi32>
      tpu.vector_store_idx %arg7[%add3A_1262], %gather3A_1259 : memref<3840xf32, #tpu.memory_space<vmem>>[vector<16xi32>], vector<16xf32>,
      %add3A_1263 = arith.constant 80000 : i32
      %add3A_1264 = vector.broadcast %add3A_1263 : i32 to vector<16xi32>
      %add3A_1265 = arith.addi %get3A_1227, %add3A_1264 : vector<16xi32>
      %gather3A_1266 = tpu.vector_load_idx %arg5[%add3A_1265] : memref<120000xf32, #tpu.memory_space<vmem>>[vector<16xi32>], vector<16xf32>,
      %add3A_1267 = arith.constant 4 : i32
      %add3A_1268 = vector.broadcast %add3A_1267 : i32 to vector<16xi32>
      %add3A_1269 = arith.addi %mul3A_1234, %add3A_1268 : vector<16xi32>
      tpu.vector_store_idx %arg7[%add3A_1269], %gather3A_1266 : memref<3840xf32, #tpu.memory_space<vmem>>[vector<16xi32>], vector<16xf32>,
      %add3A_1270 = arith.constant 100000 : i32
      %add3A_1271 = vector.broadcast %add3A_1270 : i32 to vector<16xi32>
      %add3A_1272 = arith.addi %get3A_1227, %add3A_1271 : vector<16xi32>
      %gather3A_1273 = tpu.vector_load_idx %arg5[%add3A_1272] : memref<120000xf32, #tpu.memory_space<vmem>>[vector<16xi32>], vector<16xf32>,
      %add3A_1274 = arith.constant 5 : i32
      %add3A_1275 = vector.broadcast %add3A_1274 : i32 to vector<16xi32>
      %add3A_1276 = arith.addi %mul3A_1234, %add3A_1275 : vector<16xi32>
      tpu.vector_store_idx %arg7[%add3A_1276], %gather3A_1273 : memref<3840xf32, #tpu.memory_space<vmem>>[vector<16xi32>], vector<16xf32>,
      %get3A_1277 = arith.constant 400 : index
      %get3A_1278 = tpu.vector_load %arg6[%get3A_1277] {strides = array<i32>} : memref<640xi32, #tpu.memory_space<vmem>>, vector<16xi32>,
      %iota3A_1279 = tpu.iota {dimensions = array<i32: 0>} : vector<16xi32>
      %add3A_1280 = arith.constant 400 : i32
      %add3A_1281 = vector.broadcast %add3A_1280 : i32 to vector<16xi32>
      %add3A_1282 = arith.addi %iota3A_1279, %add3A_1281 : vector<16xi32>
      %mul3A_1283 = arith.constant 6 : i32
      %mul3A_1284 = vector.broadcast %mul3A_1283 : i32 to vector<16xi32>
      %mul3A_1285 = arith.muli %add3A_1282, %mul3A_1284 : vector<16xi32>
      %add3A_1286 = arith.constant 0 : i32
      %add3A_1287 = vector.broadcast %add3A_1286 : i32 to vector<16xi32>
      %add3A_1288 = arith.addi %get3A_1278, %add3A_1287 : vector<16xi32>
      %gather3A_1289 = tpu.vector_load_idx %arg5[%add3A_1288] : memref<120000xf32, #tpu.memory_space<vmem>>[vector<16xi32>], vector<16xf32>,
      %add3A_1290 = arith.constant 0 : i32
      %add3A_1291 = vector.broadcast %add3A_1290 : i32 to vector<16xi32>
      %add3A_1292 = arith.addi %mul3A_1285, %add3A_1291 : vector<16xi32>
      tpu.vector_store_idx %arg7[%add3A_1292], %gather3A_1289 : memref<3840xf32, #tpu.memory_space<vmem>>[vector<16xi32>], vector<16xf32>,
      %add3A_1293 = arith.constant 20000 : i32
      %add3A_1294 = vector.broadcast %add3A_1293 : i32 to vector<16xi32>
      %add3A_1295 = arith.addi %get3A_1278, %add3A_1294 : vector<16xi32>
      %gather3A_1296 = tpu.vector_load_idx %arg5[%add3A_1295] : memref<120000xf32, #tpu.memory_space<vmem>>[vector<16xi32>], vector<16xf32>,
      %add3A_1297 = arith.constant 1 : i32
      %add3A_1298 = vector.broadcast %add3A_1297 : i32 to vector<16xi32>
      %add3A_1299 = arith.addi %mul3A_1285, %add3A_1298 : vector<16xi32>
      tpu.vector_store_idx %arg7[%add3A_1299], %gather3A_1296 : memref<3840xf32, #tpu.memory_space<vmem>>[vector<16xi32>], vector<16xf32>,
      %add3A_1300 = arith.constant 40000 : i32
      %add3A_1301 = vector.broadcast %add3A_1300 : i32 to vector<16xi32>
      %add3A_1302 = arith.addi %get3A_1278, %add3A_1301 : vector<16xi32>
      %gather3A_1303 = tpu.vector_load_idx %arg5[%add3A_1302] : memref<120000xf32, #tpu.memory_space<vmem>>[vector<16xi32>], vector<16xf32>,
      %add3A_1304 = arith.constant 2 : i32
      %add3A_1305 = vector.broadcast %add3A_1304 : i32 to vector<16xi32>
      %add3A_1306 = arith.addi %mul3A_1285, %add3A_1305 : vector<16xi32>
      tpu.vector_store_idx %arg7[%add3A_1306], %gather3A_1303 : memref<3840xf32, #tpu.memory_space<vmem>>[vector<16xi32>], vector<16xf32>,
      %add3A_1307 = arith.constant 60000 : i32
      %add3A_1308 = vector.broadcast %add3A_1307 : i32 to vector<16xi32>
      %add3A_1309 = arith.addi %get3A_1278, %add3A_1308 : vector<16xi32>
      %gather3A_1310 = tpu.vector_load_idx %arg5[%add3A_1309] : memref<120000xf32, #tpu.memory_space<vmem>>[vector<16xi32>], vector<16xf32>,
      %add3A_1311 = arith.constant 3 : i32
      %add3A_1312 = vector.broadcast %add3A_1311 : i32 to vector<16xi32>
      %add3A_1313 = arith.addi %mul3A_1285, %add3A_1312 : vector<16xi32>
      tpu.vector_store_idx %arg7[%add3A_1313], %gather3A_1310 : memref<3840xf32, #tpu.memory_space<vmem>>[vector<16xi32>], vector<16xf32>,
      %add3A_1314 = arith.constant 80000 : i32
      %add3A_1315 = vector.broadcast %add3A_1314 : i32 to vector<16xi32>
      %add3A_1316 = arith.addi %get3A_1278, %add3A_1315 : vector<16xi32>
      %gather3A_1317 = tpu.vector_load_idx %arg5[%add3A_1316] : memref<120000xf32, #tpu.memory_space<vmem>>[vector<16xi32>], vector<16xf32>,
      %add3A_1318 = arith.constant 4 : i32
      %add3A_1319 = vector.broadcast %add3A_1318 : i32 to vector<16xi32>
      %add3A_1320 = arith.addi %mul3A_1285, %add3A_1319 : vector<16xi32>
      tpu.vector_store_idx %arg7[%add3A_1320], %gather3A_1317 : memref<3840xf32, #tpu.memory_space<vmem>>[vector<16xi32>], vector<16xf32>,
      %add3A_1321 = arith.constant 100000 : i32
      %add3A_1322 = vector.broadcast %add3A_1321 : i32 to vector<16xi32>
      %add3A_1323 = arith.addi %get3A_1278, %add3A_1322 : vector<16xi32>
      %gather3A_1324 = tpu.vector_load_idx %arg5[%add3A_1323] : memref<120000xf32, #tpu.memory_space<vmem>>[vector<16xi32>], vector<16xf32>,
      %add3A_1325 = arith.constant 5 : i32
      %add3A_1326 = vector.broadcast %add3A_1325 : i32 to vector<16xi32>
      %add3A_1327 = arith.addi %mul3A_1285, %add3A_1326 : vector<16xi32>
      tpu.vector_store_idx %arg7[%add3A_1327], %gather3A_1324 : memref<3840xf32, #tpu.memory_space<vmem>>[vector<16xi32>], vector<16xf32>,
      %get3A_1328 = arith.constant 416 : index
      %get3A_1329 = tpu.vector_load %arg6[%get3A_1328] {strides = array<i32>} : memref<640xi32, #tpu.memory_space<vmem>>, vector<16xi32>,
      %iota3A_1330 = tpu.iota {dimensions = array<i32: 0>} : vector<16xi32>
      %add3A_1331 = arith.constant 416 : i32
      %add3A_1332 = vector.broadcast %add3A_1331 : i32 to vector<16xi32>
      %add3A_1333 = arith.addi %iota3A_1330, %add3A_1332 : vector<16xi32>
      %mul3A_1334 = arith.constant 6 : i32
      %mul3A_1335 = vector.broadcast %mul3A_1334 : i32 to vector<16xi32>
      %mul3A_1336 = arith.muli %add3A_1333, %mul3A_1335 : vector<16xi32>
      %add3A_1337 = arith.constant 0 : i32
      %add3A_1338 = vector.broadcast %add3A_1337 : i32 to vector<16xi32>
      %add3A_1339 = arith.addi %get3A_1329, %add3A_1338 : vector<16xi32>
      %gather3A_1340 = tpu.vector_load_idx %arg5[%add3A_1339] : memref<120000xf32, #tpu.memory_space<vmem>>[vector<16xi32>], vector<16xf32>,
      %add3A_1341 = arith.constant 0 : i32
      %add3A_1342 = vector.broadcast %add3A_1341 : i32 to vector<16xi32>
      %add3A_1343 = arith.addi %mul3A_1336, %add3A_1342 : vector<16xi32>
      tpu.vector_store_idx %arg7[%add3A_1343], %gather3A_1340 : memref<3840xf32, #tpu.memory_space<vmem>>[vector<16xi32>], vector<16xf32>,
      %add3A_1344 = arith.constant 20000 : i32
      %add3A_1345 = vector.broadcast %add3A_1344 : i32 to vector<16xi32>
      %add3A_1346 = arith.addi %get3A_1329, %add3A_1345 : vector<16xi32>
      %gather3A_1347 = tpu.vector_load_idx %arg5[%add3A_1346] : memref<120000xf32, #tpu.memory_space<vmem>>[vector<16xi32>], vector<16xf32>,
      %add3A_1348 = arith.constant 1 : i32
      %add3A_1349 = vector.broadcast %add3A_1348 : i32 to vector<16xi32>
      %add3A_1350 = arith.addi %mul3A_1336, %add3A_1349 : vector<16xi32>
      tpu.vector_store_idx %arg7[%add3A_1350], %gather3A_1347 : memref<3840xf32, #tpu.memory_space<vmem>>[vector<16xi32>], vector<16xf32>,
      %add3A_1351 = arith.constant 40000 : i32
      %add3A_1352 = vector.broadcast %add3A_1351 : i32 to vector<16xi32>
      %add3A_1353 = arith.addi %get3A_1329, %add3A_1352 : vector<16xi32>
      %gather3A_1354 = tpu.vector_load_idx %arg5[%add3A_1353] : memref<120000xf32, #tpu.memory_space<vmem>>[vector<16xi32>], vector<16xf32>,
      %add3A_1355 = arith.constant 2 : i32
      %add3A_1356 = vector.broadcast %add3A_1355 : i32 to vector<16xi32>
      %add3A_1357 = arith.addi %mul3A_1336, %add3A_1356 : vector<16xi32>
      tpu.vector_store_idx %arg7[%add3A_1357], %gather3A_1354 : memref<3840xf32, #tpu.memory_space<vmem>>[vector<16xi32>], vector<16xf32>,
      %add3A_1358 = arith.constant 60000 : i32
      %add3A_1359 = vector.broadcast %add3A_1358 : i32 to vector<16xi32>
      %add3A_1360 = arith.addi %get3A_1329, %add3A_1359 : vector<16xi32>
      %gather3A_1361 = tpu.vector_load_idx %arg5[%add3A_1360] : memref<120000xf32, #tpu.memory_space<vmem>>[vector<16xi32>], vector<16xf32>,
      %add3A_1362 = arith.constant 3 : i32
      %add3A_1363 = vector.broadcast %add3A_1362 : i32 to vector<16xi32>
      %add3A_1364 = arith.addi %mul3A_1336, %add3A_1363 : vector<16xi32>
      tpu.vector_store_idx %arg7[%add3A_1364], %gather3A_1361 : memref<3840xf32, #tpu.memory_space<vmem>>[vector<16xi32>], vector<16xf32>,
      %add3A_1365 = arith.constant 80000 : i32
      %add3A_1366 = vector.broadcast %add3A_1365 : i32 to vector<16xi32>
      %add3A_1367 = arith.addi %get3A_1329, %add3A_1366 : vector<16xi32>
      %gather3A_1368 = tpu.vector_load_idx %arg5[%add3A_1367] : memref<120000xf32, #tpu.memory_space<vmem>>[vector<16xi32>], vector<16xf32>,
      %add3A_1369 = arith.constant 4 : i32
      %add3A_1370 = vector.broadcast %add3A_1369 : i32 to vector<16xi32>
      %add3A_1371 = arith.addi %mul3A_1336, %add3A_1370 : vector<16xi32>
      tpu.vector_store_idx %arg7[%add3A_1371], %gather3A_1368 : memref<3840xf32, #tpu.memory_space<vmem>>[vector<16xi32>], vector<16xf32>,
      %add3A_1372 = arith.constant 100000 : i32
      %add3A_1373 = vector.broadcast %add3A_1372 : i32 to vector<16xi32>
      %add3A_1374 = arith.addi %get3A_1329, %add3A_1373 : vector<16xi32>
      %gather3A_1375 = tpu.vector_load_idx %arg5[%add3A_1374] : memref<120000xf32, #tpu.memory_space<vmem>>[vector<16xi32>], vector<16xf32>,
      %add3A_1376 = arith.constant 5 : i32
      %add3A_1377 = vector.broadcast %add3A_1376 : i32 to vector<16xi32>
      %add3A_1378 = arith.addi %mul3A_1336, %add3A_1377 : vector<16xi32>
      tpu.vector_store_idx %arg7[%add3A_1378], %gather3A_1375 : memref<3840xf32, #tpu.memory_space<vmem>>[vector<16xi32>], vector<16xf32>,
      %get3A_1379 = arith.constant 432 : index
      %get3A_1380 = tpu.vector_load %arg6[%get3A_1379] {strides = array<i32>} : memref<640xi32, #tpu.memory_space<vmem>>, vector<16xi32>,
      %iota3A_1381 = tpu.iota {dimensions = array<i32: 0>} : vector<16xi32>
      %add3A_1382 = arith.constant 432 : i32
      %add3A_1383 = vector.broadcast %add3A_1382 : i32 to vector<16xi32>
      %add3A_1384 = arith.addi %iota3A_1381, %add3A_1383 : vector<16xi32>
      %mul3A_1385 = arith.constant 6 : i32
      %mul3A_1386 = vector.broadcast %mul3A_1385 : i32 to vector<16xi32>
      %mul3A_1387 = arith.muli %add3A_1384, %mul3A_1386 : vector<16xi32>
      %add3A_1388 = arith.constant 0 : i32
      %add3A_1389 = vector.broadcast %add3A_1388 : i32 to vector<16xi32>
      %add3A_1390 = arith.addi %get3A_1380, %add3A_1389 : vector<16xi32>
      %gather3A_1391 = tpu.vector_load_idx %arg5[%add3A_1390] : memref<120000xf32, #tpu.memory_space<vmem>>[vector<16xi32>], vector<16xf32>,
      %add3A_1392 = arith.constant 0 : i32
      %add3A_1393 = vector.broadcast %add3A_1392 : i32 to vector<16xi32>
      %add3A_1394 = arith.addi %mul3A_1387, %add3A_1393 : vector<16xi32>
      tpu.vector_store_idx %arg7[%add3A_1394], %gather3A_1391 : memref<3840xf32, #tpu.memory_space<vmem>>[vector<16xi32>], vector<16xf32>,
      %add3A_1395 = arith.constant 20000 : i32
      %add3A_1396 = vector.broadcast %add3A_1395 : i32 to vector<16xi32>
      %add3A_1397 = arith.addi %get3A_1380, %add3A_1396 : vector<16xi32>
      %gather3A_1398 = tpu.vector_load_idx %arg5[%add3A_1397] : memref<120000xf32, #tpu.memory_space<vmem>>[vector<16xi32>], vector<16xf32>,
      %add3A_1399 = arith.constant 1 : i32
      %add3A_1400 = vector.broadcast %add3A_1399 : i32 to vector<16xi32>
      %add3A_1401 = arith.addi %mul3A_1387, %add3A_1400 : vector<16xi32>
      tpu.vector_store_idx %arg7[%add3A_1401], %gather3A_1398 : memref<3840xf32, #tpu.memory_space<vmem>>[vector<16xi32>], vector<16xf32>,
      %add3A_1402 = arith.constant 40000 : i32
      %add3A_1403 = vector.broadcast %add3A_1402 : i32 to vector<16xi32>
      %add3A_1404 = arith.addi %get3A_1380, %add3A_1403 : vector<16xi32>
      %gather3A_1405 = tpu.vector_load_idx %arg5[%add3A_1404] : memref<120000xf32, #tpu.memory_space<vmem>>[vector<16xi32>], vector<16xf32>,
      %add3A_1406 = arith.constant 2 : i32
      %add3A_1407 = vector.broadcast %add3A_1406 : i32 to vector<16xi32>
      %add3A_1408 = arith.addi %mul3A_1387, %add3A_1407 : vector<16xi32>
      tpu.vector_store_idx %arg7[%add3A_1408], %gather3A_1405 : memref<3840xf32, #tpu.memory_space<vmem>>[vector<16xi32>], vector<16xf32>,
      %add3A_1409 = arith.constant 60000 : i32
      %add3A_1410 = vector.broadcast %add3A_1409 : i32 to vector<16xi32>
      %add3A_1411 = arith.addi %get3A_1380, %add3A_1410 : vector<16xi32>
      %gather3A_1412 = tpu.vector_load_idx %arg5[%add3A_1411] : memref<120000xf32, #tpu.memory_space<vmem>>[vector<16xi32>], vector<16xf32>,
      %add3A_1413 = arith.constant 3 : i32
      %add3A_1414 = vector.broadcast %add3A_1413 : i32 to vector<16xi32>
      %add3A_1415 = arith.addi %mul3A_1387, %add3A_1414 : vector<16xi32>
      tpu.vector_store_idx %arg7[%add3A_1415], %gather3A_1412 : memref<3840xf32, #tpu.memory_space<vmem>>[vector<16xi32>], vector<16xf32>,
      %add3A_1416 = arith.constant 80000 : i32
      %add3A_1417 = vector.broadcast %add3A_1416 : i32 to vector<16xi32>
      %add3A_1418 = arith.addi %get3A_1380, %add3A_1417 : vector<16xi32>
      %gather3A_1419 = tpu.vector_load_idx %arg5[%add3A_1418] : memref<120000xf32, #tpu.memory_space<vmem>>[vector<16xi32>], vector<16xf32>,
      %add3A_1420 = arith.constant 4 : i32
      %add3A_1421 = vector.broadcast %add3A_1420 : i32 to vector<16xi32>
      %add3A_1422 = arith.addi %mul3A_1387, %add3A_1421 : vector<16xi32>
      tpu.vector_store_idx %arg7[%add3A_1422], %gather3A_1419 : memref<3840xf32, #tpu.memory_space<vmem>>[vector<16xi32>], vector<16xf32>,
      %add3A_1423 = arith.constant 100000 : i32
      %add3A_1424 = vector.broadcast %add3A_1423 : i32 to vector<16xi32>
      %add3A_1425 = arith.addi %get3A_1380, %add3A_1424 : vector<16xi32>
      %gather3A_1426 = tpu.vector_load_idx %arg5[%add3A_1425] : memref<120000xf32, #tpu.memory_space<vmem>>[vector<16xi32>], vector<16xf32>,
      %add3A_1427 = arith.constant 5 : i32
      %add3A_1428 = vector.broadcast %add3A_1427 : i32 to vector<16xi32>
      %add3A_1429 = arith.addi %mul3A_1387, %add3A_1428 : vector<16xi32>
      tpu.vector_store_idx %arg7[%add3A_1429], %gather3A_1426 : memref<3840xf32, #tpu.memory_space<vmem>>[vector<16xi32>], vector<16xf32>,
      %get3A_1430 = arith.constant 448 : index
      %get3A_1431 = tpu.vector_load %arg6[%get3A_1430] {strides = array<i32>} : memref<640xi32, #tpu.memory_space<vmem>>, vector<16xi32>,
      %iota3A_1432 = tpu.iota {dimensions = array<i32: 0>} : vector<16xi32>
      %add3A_1433 = arith.constant 448 : i32
      %add3A_1434 = vector.broadcast %add3A_1433 : i32 to vector<16xi32>
      %add3A_1435 = arith.addi %iota3A_1432, %add3A_1434 : vector<16xi32>
      %mul3A_1436 = arith.constant 6 : i32
      %mul3A_1437 = vector.broadcast %mul3A_1436 : i32 to vector<16xi32>
      %mul3A_1438 = arith.muli %add3A_1435, %mul3A_1437 : vector<16xi32>
      %add3A_1439 = arith.constant 0 : i32
      %add3A_1440 = vector.broadcast %add3A_1439 : i32 to vector<16xi32>
      %add3A_1441 = arith.addi %get3A_1431, %add3A_1440 : vector<16xi32>
      %gather3A_1442 = tpu.vector_load_idx %arg5[%add3A_1441] : memref<120000xf32, #tpu.memory_space<vmem>>[vector<16xi32>], vector<16xf32>,
      %add3A_1443 = arith.constant 0 : i32
      %add3A_1444 = vector.broadcast %add3A_1443 : i32 to vector<16xi32>
      %add3A_1445 = arith.addi %mul3A_1438, %add3A_1444 : vector<16xi32>
      tpu.vector_store_idx %arg7[%add3A_1445], %gather3A_1442 : memref<3840xf32, #tpu.memory_space<vmem>>[vector<16xi32>], vector<16xf32>,
      %add3A_1446 = arith.constant 20000 : i32
      %add3A_1447 = vector.broadcast %add3A_1446 : i32 to vector<16xi32>
      %add3A_1448 = arith.addi %get3A_1431, %add3A_1447 : vector<16xi32>
      %gather3A_1449 = tpu.vector_load_idx %arg5[%add3A_1448] : memref<120000xf32, #tpu.memory_space<vmem>>[vector<16xi32>], vector<16xf32>,
      %add3A_1450 = arith.constant 1 : i32
      %add3A_1451 = vector.broadcast %add3A_1450 : i32 to vector<16xi32>
      %add3A_1452 = arith.addi %mul3A_1438, %add3A_1451 : vector<16xi32>
      tpu.vector_store_idx %arg7[%add3A_1452], %gather3A_1449 : memref<3840xf32, #tpu.memory_space<vmem>>[vector<16xi32>], vector<16xf32>,
      %add3A_1453 = arith.constant 40000 : i32
      %add3A_1454 = vector.broadcast %add3A_1453 : i32 to vector<16xi32>
      %add3A_1455 = arith.addi %get3A_1431, %add3A_1454 : vector<16xi32>
      %gather3A_1456 = tpu.vector_load_idx %arg5[%add3A_1455] : memref<120000xf32, #tpu.memory_space<vmem>>[vector<16xi32>], vector<16xf32>,
      %add3A_1457 = arith.constant 2 : i32
      %add3A_1458 = vector.broadcast %add3A_1457 : i32 to vector<16xi32>
      %add3A_1459 = arith.addi %mul3A_1438, %add3A_1458 : vector<16xi32>
      tpu.vector_store_idx %arg7[%add3A_1459], %gather3A_1456 : memref<3840xf32, #tpu.memory_space<vmem>>[vector<16xi32>], vector<16xf32>,
      %add3A_1460 = arith.constant 60000 : i32
      %add3A_1461 = vector.broadcast %add3A_1460 : i32 to vector<16xi32>
      %add3A_1462 = arith.addi %get3A_1431, %add3A_1461 : vector<16xi32>
      %gather3A_1463 = tpu.vector_load_idx %arg5[%add3A_1462] : memref<120000xf32, #tpu.memory_space<vmem>>[vector<16xi32>], vector<16xf32>,
      %add3A_1464 = arith.constant 3 : i32
      %add3A_1465 = vector.broadcast %add3A_1464 : i32 to vector<16xi32>
      %add3A_1466 = arith.addi %mul3A_1438, %add3A_1465 : vector<16xi32>
      tpu.vector_store_idx %arg7[%add3A_1466], %gather3A_1463 : memref<3840xf32, #tpu.memory_space<vmem>>[vector<16xi32>], vector<16xf32>,
      %add3A_1467 = arith.constant 80000 : i32
      %add3A_1468 = vector.broadcast %add3A_1467 : i32 to vector<16xi32>
      %add3A_1469 = arith.addi %get3A_1431, %add3A_1468 : vector<16xi32>
      %gather3A_1470 = tpu.vector_load_idx %arg5[%add3A_1469] : memref<120000xf32, #tpu.memory_space<vmem>>[vector<16xi32>], vector<16xf32>,
      %add3A_1471 = arith.constant 4 : i32
      %add3A_1472 = vector.broadcast %add3A_1471 : i32 to vector<16xi32>
      %add3A_1473 = arith.addi %mul3A_1438, %add3A_1472 : vector<16xi32>
      tpu.vector_store_idx %arg7[%add3A_1473], %gather3A_1470 : memref<3840xf32, #tpu.memory_space<vmem>>[vector<16xi32>], vector<16xf32>,
      %add3A_1474 = arith.constant 100000 : i32
      %add3A_1475 = vector.broadcast %add3A_1474 : i32 to vector<16xi32>
      %add3A_1476 = arith.addi %get3A_1431, %add3A_1475 : vector<16xi32>
      %gather3A_1477 = tpu.vector_load_idx %arg5[%add3A_1476] : memref<120000xf32, #tpu.memory_space<vmem>>[vector<16xi32>], vector<16xf32>,
      %add3A_1478 = arith.constant 5 : i32
      %add3A_1479 = vector.broadcast %add3A_1478 : i32 to vector<16xi32>
      %add3A_1480 = arith.addi %mul3A_1438, %add3A_1479 : vector<16xi32>
      tpu.vector_store_idx %arg7[%add3A_1480], %gather3A_1477 : memref<3840xf32, #tpu.memory_space<vmem>>[vector<16xi32>], vector<16xf32>,
      %get3A_1481 = arith.constant 464 : index
      %get3A_1482 = tpu.vector_load %arg6[%get3A_1481] {strides = array<i32>} : memref<640xi32, #tpu.memory_space<vmem>>, vector<16xi32>,
      %iota3A_1483 = tpu.iota {dimensions = array<i32: 0>} : vector<16xi32>
      %add3A_1484 = arith.constant 464 : i32
      %add3A_1485 = vector.broadcast %add3A_1484 : i32 to vector<16xi32>
      %add3A_1486 = arith.addi %iota3A_1483, %add3A_1485 : vector<16xi32>
      %mul3A_1487 = arith.constant 6 : i32
      %mul3A_1488 = vector.broadcast %mul3A_1487 : i32 to vector<16xi32>
      %mul3A_1489 = arith.muli %add3A_1486, %mul3A_1488 : vector<16xi32>
      %add3A_1490 = arith.constant 0 : i32
      %add3A_1491 = vector.broadcast %add3A_1490 : i32 to vector<16xi32>
      %add3A_1492 = arith.addi %get3A_1482, %add3A_1491 : vector<16xi32>
      %gather3A_1493 = tpu.vector_load_idx %arg5[%add3A_1492] : memref<120000xf32, #tpu.memory_space<vmem>>[vector<16xi32>], vector<16xf32>,
      %add3A_1494 = arith.constant 0 : i32
      %add3A_1495 = vector.broadcast %add3A_1494 : i32 to vector<16xi32>
      %add3A_1496 = arith.addi %mul3A_1489, %add3A_1495 : vector<16xi32>
      tpu.vector_store_idx %arg7[%add3A_1496], %gather3A_1493 : memref<3840xf32, #tpu.memory_space<vmem>>[vector<16xi32>], vector<16xf32>,
      %add3A_1497 = arith.constant 20000 : i32
      %add3A_1498 = vector.broadcast %add3A_1497 : i32 to vector<16xi32>
      %add3A_1499 = arith.addi %get3A_1482, %add3A_1498 : vector<16xi32>
      %gather3A_1500 = tpu.vector_load_idx %arg5[%add3A_1499] : memref<120000xf32, #tpu.memory_space<vmem>>[vector<16xi32>], vector<16xf32>,
      %add3A_1501 = arith.constant 1 : i32
      %add3A_1502 = vector.broadcast %add3A_1501 : i32 to vector<16xi32>
      %add3A_1503 = arith.addi %mul3A_1489, %add3A_1502 : vector<16xi32>
      tpu.vector_store_idx %arg7[%add3A_1503], %gather3A_1500 : memref<3840xf32, #tpu.memory_space<vmem>>[vector<16xi32>], vector<16xf32>,
      %add3A_1504 = arith.constant 40000 : i32
      %add3A_1505 = vector.broadcast %add3A_1504 : i32 to vector<16xi32>
      %add3A_1506 = arith.addi %get3A_1482, %add3A_1505 : vector<16xi32>
      %gather3A_1507 = tpu.vector_load_idx %arg5[%add3A_1506] : memref<120000xf32, #tpu.memory_space<vmem>>[vector<16xi32>], vector<16xf32>,
      %add3A_1508 = arith.constant 2 : i32
      %add3A_1509 = vector.broadcast %add3A_1508 : i32 to vector<16xi32>
      %add3A_1510 = arith.addi %mul3A_1489, %add3A_1509 : vector<16xi32>
      tpu.vector_store_idx %arg7[%add3A_1510], %gather3A_1507 : memref<3840xf32, #tpu.memory_space<vmem>>[vector<16xi32>], vector<16xf32>,
      %add3A_1511 = arith.constant 60000 : i32
      %add3A_1512 = vector.broadcast %add3A_1511 : i32 to vector<16xi32>
      %add3A_1513 = arith.addi %get3A_1482, %add3A_1512 : vector<16xi32>
      %gather3A_1514 = tpu.vector_load_idx %arg5[%add3A_1513] : memref<120000xf32, #tpu.memory_space<vmem>>[vector<16xi32>], vector<16xf32>,
      %add3A_1515 = arith.constant 3 : i32
      %add3A_1516 = vector.broadcast %add3A_1515 : i32 to vector<16xi32>
      %add3A_1517 = arith.addi %mul3A_1489, %add3A_1516 : vector<16xi32>
      tpu.vector_store_idx %arg7[%add3A_1517], %gather3A_1514 : memref<3840xf32, #tpu.memory_space<vmem>>[vector<16xi32>], vector<16xf32>,
      %add3A_1518 = arith.constant 80000 : i32
      %add3A_1519 = vector.broadcast %add3A_1518 : i32 to vector<16xi32>
      %add3A_1520 = arith.addi %get3A_1482, %add3A_1519 : vector<16xi32>
      %gather3A_1521 = tpu.vector_load_idx %arg5[%add3A_1520] : memref<120000xf32, #tpu.memory_space<vmem>>[vector<16xi32>], vector<16xf32>,
      %add3A_1522 = arith.constant 4 : i32
      %add3A_1523 = vector.broadcast %add3A_1522 : i32 to vector<16xi32>
      %add3A_1524 = arith.addi %mul3A_1489, %add3A_1523 : vector<16xi32>
      tpu.vector_store_idx %arg7[%add3A_1524], %gather3A_1521 : memref<3840xf32, #tpu.memory_space<vmem>>[vector<16xi32>], vector<16xf32>,
      %add3A_1525 = arith.constant 100000 : i32
      %add3A_1526 = vector.broadcast %add3A_1525 : i32 to vector<16xi32>
      %add3A_1527 = arith.addi %get3A_1482, %add3A_1526 : vector<16xi32>
      %gather3A_1528 = tpu.vector_load_idx %arg5[%add3A_1527] : memref<120000xf32, #tpu.memory_space<vmem>>[vector<16xi32>], vector<16xf32>,
      %add3A_1529 = arith.constant 5 : i32
      %add3A_1530 = vector.broadcast %add3A_1529 : i32 to vector<16xi32>
      %add3A_1531 = arith.addi %mul3A_1489, %add3A_1530 : vector<16xi32>
      tpu.vector_store_idx %arg7[%add3A_1531], %gather3A_1528 : memref<3840xf32, #tpu.memory_space<vmem>>[vector<16xi32>], vector<16xf32>,
      %get3A_1532 = arith.constant 480 : index
      %get3A_1533 = tpu.vector_load %arg6[%get3A_1532] {strides = array<i32>} : memref<640xi32, #tpu.memory_space<vmem>>, vector<16xi32>,
      %iota3A_1534 = tpu.iota {dimensions = array<i32: 0>} : vector<16xi32>
      %add3A_1535 = arith.constant 480 : i32
      %add3A_1536 = vector.broadcast %add3A_1535 : i32 to vector<16xi32>
      %add3A_1537 = arith.addi %iota3A_1534, %add3A_1536 : vector<16xi32>
      %mul3A_1538 = arith.constant 6 : i32
      %mul3A_1539 = vector.broadcast %mul3A_1538 : i32 to vector<16xi32>
      %mul3A_1540 = arith.muli %add3A_1537, %mul3A_1539 : vector<16xi32>
      %add3A_1541 = arith.constant 0 : i32
      %add3A_1542 = vector.broadcast %add3A_1541 : i32 to vector<16xi32>
      %add3A_1543 = arith.addi %get3A_1533, %add3A_1542 : vector<16xi32>
      %gather3A_1544 = tpu.vector_load_idx %arg5[%add3A_1543] : memref<120000xf32, #tpu.memory_space<vmem>>[vector<16xi32>], vector<16xf32>,
      %add3A_1545 = arith.constant 0 : i32
      %add3A_1546 = vector.broadcast %add3A_1545 : i32 to vector<16xi32>
      %add3A_1547 = arith.addi %mul3A_1540, %add3A_1546 : vector<16xi32>
      tpu.vector_store_idx %arg7[%add3A_1547], %gather3A_1544 : memref<3840xf32, #tpu.memory_space<vmem>>[vector<16xi32>], vector<16xf32>,
      %add3A_1548 = arith.constant 20000 : i32
      %add3A_1549 = vector.broadcast %add3A_1548 : i32 to vector<16xi32>
      %add3A_1550 = arith.addi %get3A_1533, %add3A_1549 : vector<16xi32>
      %gather3A_1551 = tpu.vector_load_idx %arg5[%add3A_1550] : memref<120000xf32, #tpu.memory_space<vmem>>[vector<16xi32>], vector<16xf32>,
      %add3A_1552 = arith.constant 1 : i32
      %add3A_1553 = vector.broadcast %add3A_1552 : i32 to vector<16xi32>
      %add3A_1554 = arith.addi %mul3A_1540, %add3A_1553 : vector<16xi32>
      tpu.vector_store_idx %arg7[%add3A_1554], %gather3A_1551 : memref<3840xf32, #tpu.memory_space<vmem>>[vector<16xi32>], vector<16xf32>,
      %add3A_1555 = arith.constant 40000 : i32
      %add3A_1556 = vector.broadcast %add3A_1555 : i32 to vector<16xi32>
      %add3A_1557 = arith.addi %get3A_1533, %add3A_1556 : vector<16xi32>
      %gather3A_1558 = tpu.vector_load_idx %arg5[%add3A_1557] : memref<120000xf32, #tpu.memory_space<vmem>>[vector<16xi32>], vector<16xf32>,
      %add3A_1559 = arith.constant 2 : i32
      %add3A_1560 = vector.broadcast %add3A_1559 : i32 to vector<16xi32>
      %add3A_1561 = arith.addi %mul3A_1540, %add3A_1560 : vector<16xi32>
      tpu.vector_store_idx %arg7[%add3A_1561], %gather3A_1558 : memref<3840xf32, #tpu.memory_space<vmem>>[vector<16xi32>], vector<16xf32>,
      %add3A_1562 = arith.constant 60000 : i32
      %add3A_1563 = vector.broadcast %add3A_1562 : i32 to vector<16xi32>
      %add3A_1564 = arith.addi %get3A_1533, %add3A_1563 : vector<16xi32>
      %gather3A_1565 = tpu.vector_load_idx %arg5[%add3A_1564] : memref<120000xf32, #tpu.memory_space<vmem>>[vector<16xi32>], vector<16xf32>,
      %add3A_1566 = arith.constant 3 : i32
      %add3A_1567 = vector.broadcast %add3A_1566 : i32 to vector<16xi32>
      %add3A_1568 = arith.addi %mul3A_1540, %add3A_1567 : vector<16xi32>
      tpu.vector_store_idx %arg7[%add3A_1568], %gather3A_1565 : memref<3840xf32, #tpu.memory_space<vmem>>[vector<16xi32>], vector<16xf32>,
      %add3A_1569 = arith.constant 80000 : i32
      %add3A_1570 = vector.broadcast %add3A_1569 : i32 to vector<16xi32>
      %add3A_1571 = arith.addi %get3A_1533, %add3A_1570 : vector<16xi32>
      %gather3A_1572 = tpu.vector_load_idx %arg5[%add3A_1571] : memref<120000xf32, #tpu.memory_space<vmem>>[vector<16xi32>], vector<16xf32>,
      %add3A_1573 = arith.constant 4 : i32
      %add3A_1574 = vector.broadcast %add3A_1573 : i32 to vector<16xi32>
      %add3A_1575 = arith.addi %mul3A_1540, %add3A_1574 : vector<16xi32>
      tpu.vector_store_idx %arg7[%add3A_1575], %gather3A_1572 : memref<3840xf32, #tpu.memory_space<vmem>>[vector<16xi32>], vector<16xf32>,
      %add3A_1576 = arith.constant 100000 : i32
      %add3A_1577 = vector.broadcast %add3A_1576 : i32 to vector<16xi32>
      %add3A_1578 = arith.addi %get3A_1533, %add3A_1577 : vector<16xi32>
      %gather3A_1579 = tpu.vector_load_idx %arg5[%add3A_1578] : memref<120000xf32, #tpu.memory_space<vmem>>[vector<16xi32>], vector<16xf32>,
      %add3A_1580 = arith.constant 5 : i32
      %add3A_1581 = vector.broadcast %add3A_1580 : i32 to vector<16xi32>
      %add3A_1582 = arith.addi %mul3A_1540, %add3A_1581 : vector<16xi32>
      tpu.vector_store_idx %arg7[%add3A_1582], %gather3A_1579 : memref<3840xf32, #tpu.memory_space<vmem>>[vector<16xi32>], vector<16xf32>,
      %get3A_1583 = arith.constant 496 : index
      %get3A_1584 = tpu.vector_load %arg6[%get3A_1583] {strides = array<i32>} : memref<640xi32, #tpu.memory_space<vmem>>, vector<16xi32>,
      %iota3A_1585 = tpu.iota {dimensions = array<i32: 0>} : vector<16xi32>
      %add3A_1586 = arith.constant 496 : i32
      %add3A_1587 = vector.broadcast %add3A_1586 : i32 to vector<16xi32>
      %add3A_1588 = arith.addi %iota3A_1585, %add3A_1587 : vector<16xi32>
      %mul3A_1589 = arith.constant 6 : i32
      %mul3A_1590 = vector.broadcast %mul3A_1589 : i32 to vector<16xi32>
      %mul3A_1591 = arith.muli %add3A_1588, %mul3A_1590 : vector<16xi32>
      %add3A_1592 = arith.constant 0 : i32
      %add3A_1593 = vector.broadcast %add3A_1592 : i32 to vector<16xi32>
      %add3A_1594 = arith.addi %get3A_1584, %add3A_1593 : vector<16xi32>
      %gather3A_1595 = tpu.vector_load_idx %arg5[%add3A_1594] : memref<120000xf32, #tpu.memory_space<vmem>>[vector<16xi32>], vector<16xf32>,
      %add3A_1596 = arith.constant 0 : i32
      %add3A_1597 = vector.broadcast %add3A_1596 : i32 to vector<16xi32>
      %add3A_1598 = arith.addi %mul3A_1591, %add3A_1597 : vector<16xi32>
      tpu.vector_store_idx %arg7[%add3A_1598], %gather3A_1595 : memref<3840xf32, #tpu.memory_space<vmem>>[vector<16xi32>], vector<16xf32>,
      %add3A_1599 = arith.constant 20000 : i32
      %add3A_1600 = vector.broadcast %add3A_1599 : i32 to vector<16xi32>
      %add3A_1601 = arith.addi %get3A_1584, %add3A_1600 : vector<16xi32>
      %gather3A_1602 = tpu.vector_load_idx %arg5[%add3A_1601] : memref<120000xf32, #tpu.memory_space<vmem>>[vector<16xi32>], vector<16xf32>,
      %add3A_1603 = arith.constant 1 : i32
      %add3A_1604 = vector.broadcast %add3A_1603 : i32 to vector<16xi32>
      %add3A_1605 = arith.addi %mul3A_1591, %add3A_1604 : vector<16xi32>
      tpu.vector_store_idx %arg7[%add3A_1605], %gather3A_1602 : memref<3840xf32, #tpu.memory_space<vmem>>[vector<16xi32>], vector<16xf32>,
      %add3A_1606 = arith.constant 40000 : i32
      %add3A_1607 = vector.broadcast %add3A_1606 : i32 to vector<16xi32>
      %add3A_1608 = arith.addi %get3A_1584, %add3A_1607 : vector<16xi32>
      %gather3A_1609 = tpu.vector_load_idx %arg5[%add3A_1608] : memref<120000xf32, #tpu.memory_space<vmem>>[vector<16xi32>], vector<16xf32>,
      %add3A_1610 = arith.constant 2 : i32
      %add3A_1611 = vector.broadcast %add3A_1610 : i32 to vector<16xi32>
      %add3A_1612 = arith.addi %mul3A_1591, %add3A_1611 : vector<16xi32>
      tpu.vector_store_idx %arg7[%add3A_1612], %gather3A_1609 : memref<3840xf32, #tpu.memory_space<vmem>>[vector<16xi32>], vector<16xf32>,
      %add3A_1613 = arith.constant 60000 : i32
      %add3A_1614 = vector.broadcast %add3A_1613 : i32 to vector<16xi32>
      %add3A_1615 = arith.addi %get3A_1584, %add3A_1614 : vector<16xi32>
      %gather3A_1616 = tpu.vector_load_idx %arg5[%add3A_1615] : memref<120000xf32, #tpu.memory_space<vmem>>[vector<16xi32>], vector<16xf32>,
      %add3A_1617 = arith.constant 3 : i32
      %add3A_1618 = vector.broadcast %add3A_1617 : i32 to vector<16xi32>
      %add3A_1619 = arith.addi %mul3A_1591, %add3A_1618 : vector<16xi32>
      tpu.vector_store_idx %arg7[%add3A_1619], %gather3A_1616 : memref<3840xf32, #tpu.memory_space<vmem>>[vector<16xi32>], vector<16xf32>,
      %add3A_1620 = arith.constant 80000 : i32
      %add3A_1621 = vector.broadcast %add3A_1620 : i32 to vector<16xi32>
      %add3A_1622 = arith.addi %get3A_1584, %add3A_1621 : vector<16xi32>
      %gather3A_1623 = tpu.vector_load_idx %arg5[%add3A_1622] : memref<120000xf32, #tpu.memory_space<vmem>>[vector<16xi32>], vector<16xf32>,
      %add3A_1624 = arith.constant 4 : i32
      %add3A_1625 = vector.broadcast %add3A_1624 : i32 to vector<16xi32>
      %add3A_1626 = arith.addi %mul3A_1591, %add3A_1625 : vector<16xi32>
      tpu.vector_store_idx %arg7[%add3A_1626], %gather3A_1623 : memref<3840xf32, #tpu.memory_space<vmem>>[vector<16xi32>], vector<16xf32>,
      %add3A_1627 = arith.constant 100000 : i32
      %add3A_1628 = vector.broadcast %add3A_1627 : i32 to vector<16xi32>
      %add3A_1629 = arith.addi %get3A_1584, %add3A_1628 : vector<16xi32>
      %gather3A_1630 = tpu.vector_load_idx %arg5[%add3A_1629] : memref<120000xf32, #tpu.memory_space<vmem>>[vector<16xi32>], vector<16xf32>,
      %add3A_1631 = arith.constant 5 : i32
      %add3A_1632 = vector.broadcast %add3A_1631 : i32 to vector<16xi32>
      %add3A_1633 = arith.addi %mul3A_1591, %add3A_1632 : vector<16xi32>
      tpu.vector_store_idx %arg7[%add3A_1633], %gather3A_1630 : memref<3840xf32, #tpu.memory_space<vmem>>[vector<16xi32>], vector<16xf32>,
      %get3A_1634 = arith.constant 512 : index
      %get3A_1635 = tpu.vector_load %arg6[%get3A_1634] {strides = array<i32>} : memref<640xi32, #tpu.memory_space<vmem>>, vector<16xi32>,
      %iota3A_1636 = tpu.iota {dimensions = array<i32: 0>} : vector<16xi32>
      %add3A_1637 = arith.constant 512 : i32
      %add3A_1638 = vector.broadcast %add3A_1637 : i32 to vector<16xi32>
      %add3A_1639 = arith.addi %iota3A_1636, %add3A_1638 : vector<16xi32>
      %mul3A_1640 = arith.constant 6 : i32
      %mul3A_1641 = vector.broadcast %mul3A_1640 : i32 to vector<16xi32>
      %mul3A_1642 = arith.muli %add3A_1639, %mul3A_1641 : vector<16xi32>
      %add3A_1643 = arith.constant 0 : i32
      %add3A_1644 = vector.broadcast %add3A_1643 : i32 to vector<16xi32>
      %add3A_1645 = arith.addi %get3A_1635, %add3A_1644 : vector<16xi32>
      %gather3A_1646 = tpu.vector_load_idx %arg5[%add3A_1645] : memref<120000xf32, #tpu.memory_space<vmem>>[vector<16xi32>], vector<16xf32>,
      %add3A_1647 = arith.constant 0 : i32
      %add3A_1648 = vector.broadcast %add3A_1647 : i32 to vector<16xi32>
      %add3A_1649 = arith.addi %mul3A_1642, %add3A_1648 : vector<16xi32>
      tpu.vector_store_idx %arg7[%add3A_1649], %gather3A_1646 : memref<3840xf32, #tpu.memory_space<vmem>>[vector<16xi32>], vector<16xf32>,
      %add3A_1650 = arith.constant 20000 : i32
      %add3A_1651 = vector.broadcast %add3A_1650 : i32 to vector<16xi32>
      %add3A_1652 = arith.addi %get3A_1635, %add3A_1651 : vector<16xi32>
      %gather3A_1653 = tpu.vector_load_idx %arg5[%add3A_1652] : memref<120000xf32, #tpu.memory_space<vmem>>[vector<16xi32>], vector<16xf32>,
      %add3A_1654 = arith.constant 1 : i32
      %add3A_1655 = vector.broadcast %add3A_1654 : i32 to vector<16xi32>
      %add3A_1656 = arith.addi %mul3A_1642, %add3A_1655 : vector<16xi32>
      tpu.vector_store_idx %arg7[%add3A_1656], %gather3A_1653 : memref<3840xf32, #tpu.memory_space<vmem>>[vector<16xi32>], vector<16xf32>,
      %add3A_1657 = arith.constant 40000 : i32
      %add3A_1658 = vector.broadcast %add3A_1657 : i32 to vector<16xi32>
      %add3A_1659 = arith.addi %get3A_1635, %add3A_1658 : vector<16xi32>
      %gather3A_1660 = tpu.vector_load_idx %arg5[%add3A_1659] : memref<120000xf32, #tpu.memory_space<vmem>>[vector<16xi32>], vector<16xf32>,
      %add3A_1661 = arith.constant 2 : i32
      %add3A_1662 = vector.broadcast %add3A_1661 : i32 to vector<16xi32>
      %add3A_1663 = arith.addi %mul3A_1642, %add3A_1662 : vector<16xi32>
      tpu.vector_store_idx %arg7[%add3A_1663], %gather3A_1660 : memref<3840xf32, #tpu.memory_space<vmem>>[vector<16xi32>], vector<16xf32>,
      %add3A_1664 = arith.constant 60000 : i32
      %add3A_1665 = vector.broadcast %add3A_1664 : i32 to vector<16xi32>
      %add3A_1666 = arith.addi %get3A_1635, %add3A_1665 : vector<16xi32>
      %gather3A_1667 = tpu.vector_load_idx %arg5[%add3A_1666] : memref<120000xf32, #tpu.memory_space<vmem>>[vector<16xi32>], vector<16xf32>,
      %add3A_1668 = arith.constant 3 : i32
      %add3A_1669 = vector.broadcast %add3A_1668 : i32 to vector<16xi32>
      %add3A_1670 = arith.addi %mul3A_1642, %add3A_1669 : vector<16xi32>
      tpu.vector_store_idx %arg7[%add3A_1670], %gather3A_1667 : memref<3840xf32, #tpu.memory_space<vmem>>[vector<16xi32>], vector<16xf32>,
      %add3A_1671 = arith.constant 80000 : i32
      %add3A_1672 = vector.broadcast %add3A_1671 : i32 to vector<16xi32>
      %add3A_1673 = arith.addi %get3A_1635, %add3A_1672 : vector<16xi32>
      %gather3A_1674 = tpu.vector_load_idx %arg5[%add3A_1673] : memref<120000xf32, #tpu.memory_space<vmem>>[vector<16xi32>], vector<16xf32>,
      %add3A_1675 = arith.constant 4 : i32
      %add3A_1676 = vector.broadcast %add3A_1675 : i32 to vector<16xi32>
      %add3A_1677 = arith.addi %mul3A_1642, %add3A_1676 : vector<16xi32>
      tpu.vector_store_idx %arg7[%add3A_1677], %gather3A_1674 : memref<3840xf32, #tpu.memory_space<vmem>>[vector<16xi32>], vector<16xf32>,
      %add3A_1678 = arith.constant 100000 : i32
      %add3A_1679 = vector.broadcast %add3A_1678 : i32 to vector<16xi32>
      %add3A_1680 = arith.addi %get3A_1635, %add3A_1679 : vector<16xi32>
      %gather3A_1681 = tpu.vector_load_idx %arg5[%add3A_1680] : memref<120000xf32, #tpu.memory_space<vmem>>[vector<16xi32>], vector<16xf32>,
      %add3A_1682 = arith.constant 5 : i32
      %add3A_1683 = vector.broadcast %add3A_1682 : i32 to vector<16xi32>
      %add3A_1684 = arith.addi %mul3A_1642, %add3A_1683 : vector<16xi32>
      tpu.vector_store_idx %arg7[%add3A_1684], %gather3A_1681 : memref<3840xf32, #tpu.memory_space<vmem>>[vector<16xi32>], vector<16xf32>,
      %get3A_1685 = arith.constant 528 : index
      %get3A_1686 = tpu.vector_load %arg6[%get3A_1685] {strides = array<i32>} : memref<640xi32, #tpu.memory_space<vmem>>, vector<16xi32>,
      %iota3A_1687 = tpu.iota {dimensions = array<i32: 0>} : vector<16xi32>
      %add3A_1688 = arith.constant 528 : i32
      %add3A_1689 = vector.broadcast %add3A_1688 : i32 to vector<16xi32>
      %add3A_1690 = arith.addi %iota3A_1687, %add3A_1689 : vector<16xi32>
      %mul3A_1691 = arith.constant 6 : i32
      %mul3A_1692 = vector.broadcast %mul3A_1691 : i32 to vector<16xi32>
      %mul3A_1693 = arith.muli %add3A_1690, %mul3A_1692 : vector<16xi32>
      %add3A_1694 = arith.constant 0 : i32
      %add3A_1695 = vector.broadcast %add3A_1694 : i32 to vector<16xi32>
      %add3A_1696 = arith.addi %get3A_1686, %add3A_1695 : vector<16xi32>
      %gather3A_1697 = tpu.vector_load_idx %arg5[%add3A_1696] : memref<120000xf32, #tpu.memory_space<vmem>>[vector<16xi32>], vector<16xf32>,
      %add3A_1698 = arith.constant 0 : i32
      %add3A_1699 = vector.broadcast %add3A_1698 : i32 to vector<16xi32>
      %add3A_1700 = arith.addi %mul3A_1693, %add3A_1699 : vector<16xi32>
      tpu.vector_store_idx %arg7[%add3A_1700], %gather3A_1697 : memref<3840xf32, #tpu.memory_space<vmem>>[vector<16xi32>], vector<16xf32>,
      %add3A_1701 = arith.constant 20000 : i32
      %add3A_1702 = vector.broadcast %add3A_1701 : i32 to vector<16xi32>
      %add3A_1703 = arith.addi %get3A_1686, %add3A_1702 : vector<16xi32>
      %gather3A_1704 = tpu.vector_load_idx %arg5[%add3A_1703] : memref<120000xf32, #tpu.memory_space<vmem>>[vector<16xi32>], vector<16xf32>,
      %add3A_1705 = arith.constant 1 : i32
      %add3A_1706 = vector.broadcast %add3A_1705 : i32 to vector<16xi32>
      %add3A_1707 = arith.addi %mul3A_1693, %add3A_1706 : vector<16xi32>
      tpu.vector_store_idx %arg7[%add3A_1707], %gather3A_1704 : memref<3840xf32, #tpu.memory_space<vmem>>[vector<16xi32>], vector<16xf32>,
      %add3A_1708 = arith.constant 40000 : i32
      %add3A_1709 = vector.broadcast %add3A_1708 : i32 to vector<16xi32>
      %add3A_1710 = arith.addi %get3A_1686, %add3A_1709 : vector<16xi32>
      %gather3A_1711 = tpu.vector_load_idx %arg5[%add3A_1710] : memref<120000xf32, #tpu.memory_space<vmem>>[vector<16xi32>], vector<16xf32>,
      %add3A_1712 = arith.constant 2 : i32
      %add3A_1713 = vector.broadcast %add3A_1712 : i32 to vector<16xi32>
      %add3A_1714 = arith.addi %mul3A_1693, %add3A_1713 : vector<16xi32>
      tpu.vector_store_idx %arg7[%add3A_1714], %gather3A_1711 : memref<3840xf32, #tpu.memory_space<vmem>>[vector<16xi32>], vector<16xf32>,
      %add3A_1715 = arith.constant 60000 : i32
      %add3A_1716 = vector.broadcast %add3A_1715 : i32 to vector<16xi32>
      %add3A_1717 = arith.addi %get3A_1686, %add3A_1716 : vector<16xi32>
      %gather3A_1718 = tpu.vector_load_idx %arg5[%add3A_1717] : memref<120000xf32, #tpu.memory_space<vmem>>[vector<16xi32>], vector<16xf32>,
      %add3A_1719 = arith.constant 3 : i32
      %add3A_1720 = vector.broadcast %add3A_1719 : i32 to vector<16xi32>
      %add3A_1721 = arith.addi %mul3A_1693, %add3A_1720 : vector<16xi32>
      tpu.vector_store_idx %arg7[%add3A_1721], %gather3A_1718 : memref<3840xf32, #tpu.memory_space<vmem>>[vector<16xi32>], vector<16xf32>,
      %add3A_1722 = arith.constant 80000 : i32
      %add3A_1723 = vector.broadcast %add3A_1722 : i32 to vector<16xi32>
      %add3A_1724 = arith.addi %get3A_1686, %add3A_1723 : vector<16xi32>
      %gather3A_1725 = tpu.vector_load_idx %arg5[%add3A_1724] : memref<120000xf32, #tpu.memory_space<vmem>>[vector<16xi32>], vector<16xf32>,
      %add3A_1726 = arith.constant 4 : i32
      %add3A_1727 = vector.broadcast %add3A_1726 : i32 to vector<16xi32>
      %add3A_1728 = arith.addi %mul3A_1693, %add3A_1727 : vector<16xi32>
      tpu.vector_store_idx %arg7[%add3A_1728], %gather3A_1725 : memref<3840xf32, #tpu.memory_space<vmem>>[vector<16xi32>], vector<16xf32>,
      %add3A_1729 = arith.constant 100000 : i32
      %add3A_1730 = vector.broadcast %add3A_1729 : i32 to vector<16xi32>
      %add3A_1731 = arith.addi %get3A_1686, %add3A_1730 : vector<16xi32>
      %gather3A_1732 = tpu.vector_load_idx %arg5[%add3A_1731] : memref<120000xf32, #tpu.memory_space<vmem>>[vector<16xi32>], vector<16xf32>,
      %add3A_1733 = arith.constant 5 : i32
      %add3A_1734 = vector.broadcast %add3A_1733 : i32 to vector<16xi32>
      %add3A_1735 = arith.addi %mul3A_1693, %add3A_1734 : vector<16xi32>
      tpu.vector_store_idx %arg7[%add3A_1735], %gather3A_1732 : memref<3840xf32, #tpu.memory_space<vmem>>[vector<16xi32>], vector<16xf32>,
      %get3A_1736 = arith.constant 544 : index
      %get3A_1737 = tpu.vector_load %arg6[%get3A_1736] {strides = array<i32>} : memref<640xi32, #tpu.memory_space<vmem>>, vector<16xi32>,
      %iota3A_1738 = tpu.iota {dimensions = array<i32: 0>} : vector<16xi32>
      %add3A_1739 = arith.constant 544 : i32
      %add3A_1740 = vector.broadcast %add3A_1739 : i32 to vector<16xi32>
      %add3A_1741 = arith.addi %iota3A_1738, %add3A_1740 : vector<16xi32>
      %mul3A_1742 = arith.constant 6 : i32
      %mul3A_1743 = vector.broadcast %mul3A_1742 : i32 to vector<16xi32>
      %mul3A_1744 = arith.muli %add3A_1741, %mul3A_1743 : vector<16xi32>
      %add3A_1745 = arith.constant 0 : i32
      %add3A_1746 = vector.broadcast %add3A_1745 : i32 to vector<16xi32>
      %add3A_1747 = arith.addi %get3A_1737, %add3A_1746 : vector<16xi32>
      %gather3A_1748 = tpu.vector_load_idx %arg5[%add3A_1747] : memref<120000xf32, #tpu.memory_space<vmem>>[vector<16xi32>], vector<16xf32>,
      %add3A_1749 = arith.constant 0 : i32
      %add3A_1750 = vector.broadcast %add3A_1749 : i32 to vector<16xi32>
      %add3A_1751 = arith.addi %mul3A_1744, %add3A_1750 : vector<16xi32>
      tpu.vector_store_idx %arg7[%add3A_1751], %gather3A_1748 : memref<3840xf32, #tpu.memory_space<vmem>>[vector<16xi32>], vector<16xf32>,
      %add3A_1752 = arith.constant 20000 : i32
      %add3A_1753 = vector.broadcast %add3A_1752 : i32 to vector<16xi32>
      %add3A_1754 = arith.addi %get3A_1737, %add3A_1753 : vector<16xi32>
      %gather3A_1755 = tpu.vector_load_idx %arg5[%add3A_1754] : memref<120000xf32, #tpu.memory_space<vmem>>[vector<16xi32>], vector<16xf32>,
      %add3A_1756 = arith.constant 1 : i32
      %add3A_1757 = vector.broadcast %add3A_1756 : i32 to vector<16xi32>
      %add3A_1758 = arith.addi %mul3A_1744, %add3A_1757 : vector<16xi32>
      tpu.vector_store_idx %arg7[%add3A_1758], %gather3A_1755 : memref<3840xf32, #tpu.memory_space<vmem>>[vector<16xi32>], vector<16xf32>,
      %add3A_1759 = arith.constant 40000 : i32
      %add3A_1760 = vector.broadcast %add3A_1759 : i32 to vector<16xi32>
      %add3A_1761 = arith.addi %get3A_1737, %add3A_1760 : vector<16xi32>
      %gather3A_1762 = tpu.vector_load_idx %arg5[%add3A_1761] : memref<120000xf32, #tpu.memory_space<vmem>>[vector<16xi32>], vector<16xf32>,
      %add3A_1763 = arith.constant 2 : i32
      %add3A_1764 = vector.broadcast %add3A_1763 : i32 to vector<16xi32>
      %add3A_1765 = arith.addi %mul3A_1744, %add3A_1764 : vector<16xi32>
      tpu.vector_store_idx %arg7[%add3A_1765], %gather3A_1762 : memref<3840xf32, #tpu.memory_space<vmem>>[vector<16xi32>], vector<16xf32>,
      %add3A_1766 = arith.constant 60000 : i32
      %add3A_1767 = vector.broadcast %add3A_1766 : i32 to vector<16xi32>
      %add3A_1768 = arith.addi %get3A_1737, %add3A_1767 : vector<16xi32>
      %gather3A_1769 = tpu.vector_load_idx %arg5[%add3A_1768] : memref<120000xf32, #tpu.memory_space<vmem>>[vector<16xi32>], vector<16xf32>,
      %add3A_1770 = arith.constant 3 : i32
      %add3A_1771 = vector.broadcast %add3A_1770 : i32 to vector<16xi32>
      %add3A_1772 = arith.addi %mul3A_1744, %add3A_1771 : vector<16xi32>
      tpu.vector_store_idx %arg7[%add3A_1772], %gather3A_1769 : memref<3840xf32, #tpu.memory_space<vmem>>[vector<16xi32>], vector<16xf32>,
      %add3A_1773 = arith.constant 80000 : i32
      %add3A_1774 = vector.broadcast %add3A_1773 : i32 to vector<16xi32>
      %add3A_1775 = arith.addi %get3A_1737, %add3A_1774 : vector<16xi32>
      %gather3A_1776 = tpu.vector_load_idx %arg5[%add3A_1775] : memref<120000xf32, #tpu.memory_space<vmem>>[vector<16xi32>], vector<16xf32>,
      %add3A_1777 = arith.constant 4 : i32
      %add3A_1778 = vector.broadcast %add3A_1777 : i32 to vector<16xi32>
      %add3A_1779 = arith.addi %mul3A_1744, %add3A_1778 : vector<16xi32>
      tpu.vector_store_idx %arg7[%add3A_1779], %gather3A_1776 : memref<3840xf32, #tpu.memory_space<vmem>>[vector<16xi32>], vector<16xf32>,
      %add3A_1780 = arith.constant 100000 : i32
      %add3A_1781 = vector.broadcast %add3A_1780 : i32 to vector<16xi32>
      %add3A_1782 = arith.addi %get3A_1737, %add3A_1781 : vector<16xi32>
      %gather3A_1783 = tpu.vector_load_idx %arg5[%add3A_1782] : memref<120000xf32, #tpu.memory_space<vmem>>[vector<16xi32>], vector<16xf32>,
      %add3A_1784 = arith.constant 5 : i32
      %add3A_1785 = vector.broadcast %add3A_1784 : i32 to vector<16xi32>
      %add3A_1786 = arith.addi %mul3A_1744, %add3A_1785 : vector<16xi32>
      tpu.vector_store_idx %arg7[%add3A_1786], %gather3A_1783 : memref<3840xf32, #tpu.memory_space<vmem>>[vector<16xi32>], vector<16xf32>,
      %get3A_1787 = arith.constant 560 : index
      %get3A_1788 = tpu.vector_load %arg6[%get3A_1787] {strides = array<i32>} : memref<640xi32, #tpu.memory_space<vmem>>, vector<16xi32>,
      %iota3A_1789 = tpu.iota {dimensions = array<i32: 0>} : vector<16xi32>
      %add3A_1790 = arith.constant 560 : i32
      %add3A_1791 = vector.broadcast %add3A_1790 : i32 to vector<16xi32>
      %add3A_1792 = arith.addi %iota3A_1789, %add3A_1791 : vector<16xi32>
      %mul3A_1793 = arith.constant 6 : i32
      %mul3A_1794 = vector.broadcast %mul3A_1793 : i32 to vector<16xi32>
      %mul3A_1795 = arith.muli %add3A_1792, %mul3A_1794 : vector<16xi32>
      %add3A_1796 = arith.constant 0 : i32
      %add3A_1797 = vector.broadcast %add3A_1796 : i32 to vector<16xi32>
      %add3A_1798 = arith.addi %get3A_1788, %add3A_1797 : vector<16xi32>
      %gather3A_1799 = tpu.vector_load_idx %arg5[%add3A_1798] : memref<120000xf32, #tpu.memory_space<vmem>>[vector<16xi32>], vector<16xf32>,
      %add3A_1800 = arith.constant 0 : i32
      %add3A_1801 = vector.broadcast %add3A_1800 : i32 to vector<16xi32>
      %add3A_1802 = arith.addi %mul3A_1795, %add3A_1801 : vector<16xi32>
      tpu.vector_store_idx %arg7[%add3A_1802], %gather3A_1799 : memref<3840xf32, #tpu.memory_space<vmem>>[vector<16xi32>], vector<16xf32>,
      %add3A_1803 = arith.constant 20000 : i32
      %add3A_1804 = vector.broadcast %add3A_1803 : i32 to vector<16xi32>
      %add3A_1805 = arith.addi %get3A_1788, %add3A_1804 : vector<16xi32>
      %gather3A_1806 = tpu.vector_load_idx %arg5[%add3A_1805] : memref<120000xf32, #tpu.memory_space<vmem>>[vector<16xi32>], vector<16xf32>,
      %add3A_1807 = arith.constant 1 : i32
      %add3A_1808 = vector.broadcast %add3A_1807 : i32 to vector<16xi32>
      %add3A_1809 = arith.addi %mul3A_1795, %add3A_1808 : vector<16xi32>
      tpu.vector_store_idx %arg7[%add3A_1809], %gather3A_1806 : memref<3840xf32, #tpu.memory_space<vmem>>[vector<16xi32>], vector<16xf32>,
      %add3A_1810 = arith.constant 40000 : i32
      %add3A_1811 = vector.broadcast %add3A_1810 : i32 to vector<16xi32>
      %add3A_1812 = arith.addi %get3A_1788, %add3A_1811 : vector<16xi32>
      %gather3A_1813 = tpu.vector_load_idx %arg5[%add3A_1812] : memref<120000xf32, #tpu.memory_space<vmem>>[vector<16xi32>], vector<16xf32>,
      %add3A_1814 = arith.constant 2 : i32
      %add3A_1815 = vector.broadcast %add3A_1814 : i32 to vector<16xi32>
      %add3A_1816 = arith.addi %mul3A_1795, %add3A_1815 : vector<16xi32>
      tpu.vector_store_idx %arg7[%add3A_1816], %gather3A_1813 : memref<3840xf32, #tpu.memory_space<vmem>>[vector<16xi32>], vector<16xf32>,
      %add3A_1817 = arith.constant 60000 : i32
      %add3A_1818 = vector.broadcast %add3A_1817 : i32 to vector<16xi32>
      %add3A_1819 = arith.addi %get3A_1788, %add3A_1818 : vector<16xi32>
      %gather3A_1820 = tpu.vector_load_idx %arg5[%add3A_1819] : memref<120000xf32, #tpu.memory_space<vmem>>[vector<16xi32>], vector<16xf32>,
      %add3A_1821 = arith.constant 3 : i32
      %add3A_1822 = vector.broadcast %add3A_1821 : i32 to vector<16xi32>
      %add3A_1823 = arith.addi %mul3A_1795, %add3A_1822 : vector<16xi32>
      tpu.vector_store_idx %arg7[%add3A_1823], %gather3A_1820 : memref<3840xf32, #tpu.memory_space<vmem>>[vector<16xi32>], vector<16xf32>,
      %add3A_1824 = arith.constant 80000 : i32
      %add3A_1825 = vector.broadcast %add3A_1824 : i32 to vector<16xi32>
      %add3A_1826 = arith.addi %get3A_1788, %add3A_1825 : vector<16xi32>
      %gather3A_1827 = tpu.vector_load_idx %arg5[%add3A_1826] : memref<120000xf32, #tpu.memory_space<vmem>>[vector<16xi32>], vector<16xf32>,
      %add3A_1828 = arith.constant 4 : i32
      %add3A_1829 = vector.broadcast %add3A_1828 : i32 to vector<16xi32>
      %add3A_1830 = arith.addi %mul3A_1795, %add3A_1829 : vector<16xi32>
      tpu.vector_store_idx %arg7[%add3A_1830], %gather3A_1827 : memref<3840xf32, #tpu.memory_space<vmem>>[vector<16xi32>], vector<16xf32>,
      %add3A_1831 = arith.constant 100000 : i32
      %add3A_1832 = vector.broadcast %add3A_1831 : i32 to vector<16xi32>
      %add3A_1833 = arith.addi %get3A_1788, %add3A_1832 : vector<16xi32>
      %gather3A_1834 = tpu.vector_load_idx %arg5[%add3A_1833] : memref<120000xf32, #tpu.memory_space<vmem>>[vector<16xi32>], vector<16xf32>,
      %add3A_1835 = arith.constant 5 : i32
      %add3A_1836 = vector.broadcast %add3A_1835 : i32 to vector<16xi32>
      %add3A_1837 = arith.addi %mul3A_1795, %add3A_1836 : vector<16xi32>
      tpu.vector_store_idx %arg7[%add3A_1837], %gather3A_1834 : memref<3840xf32, #tpu.memory_space<vmem>>[vector<16xi32>], vector<16xf32>,
      %get3A_1838 = arith.constant 576 : index
      %get3A_1839 = tpu.vector_load %arg6[%get3A_1838] {strides = array<i32>} : memref<640xi32, #tpu.memory_space<vmem>>, vector<16xi32>,
      %iota3A_1840 = tpu.iota {dimensions = array<i32: 0>} : vector<16xi32>
      %add3A_1841 = arith.constant 576 : i32
      %add3A_1842 = vector.broadcast %add3A_1841 : i32 to vector<16xi32>
      %add3A_1843 = arith.addi %iota3A_1840, %add3A_1842 : vector<16xi32>
      %mul3A_1844 = arith.constant 6 : i32
      %mul3A_1845 = vector.broadcast %mul3A_1844 : i32 to vector<16xi32>
      %mul3A_1846 = arith.muli %add3A_1843, %mul3A_1845 : vector<16xi32>
      %add3A_1847 = arith.constant 0 : i32
      %add3A_1848 = vector.broadcast %add3A_1847 : i32 to vector<16xi32>
      %add3A_1849 = arith.addi %get3A_1839, %add3A_1848 : vector<16xi32>
      %gather3A_1850 = tpu.vector_load_idx %arg5[%add3A_1849] : memref<120000xf32, #tpu.memory_space<vmem>>[vector<16xi32>], vector<16xf32>,
      %add3A_1851 = arith.constant 0 : i32
      %add3A_1852 = vector.broadcast %add3A_1851 : i32 to vector<16xi32>
      %add3A_1853 = arith.addi %mul3A_1846, %add3A_1852 : vector<16xi32>
      tpu.vector_store_idx %arg7[%add3A_1853], %gather3A_1850 : memref<3840xf32, #tpu.memory_space<vmem>>[vector<16xi32>], vector<16xf32>,
      %add3A_1854 = arith.constant 20000 : i32
      %add3A_1855 = vector.broadcast %add3A_1854 : i32 to vector<16xi32>
      %add3A_1856 = arith.addi %get3A_1839, %add3A_1855 : vector<16xi32>
      %gather3A_1857 = tpu.vector_load_idx %arg5[%add3A_1856] : memref<120000xf32, #tpu.memory_space<vmem>>[vector<16xi32>], vector<16xf32>,
      %add3A_1858 = arith.constant 1 : i32
      %add3A_1859 = vector.broadcast %add3A_1858 : i32 to vector<16xi32>
      %add3A_1860 = arith.addi %mul3A_1846, %add3A_1859 : vector<16xi32>
      tpu.vector_store_idx %arg7[%add3A_1860], %gather3A_1857 : memref<3840xf32, #tpu.memory_space<vmem>>[vector<16xi32>], vector<16xf32>,
      %add3A_1861 = arith.constant 40000 : i32
      %add3A_1862 = vector.broadcast %add3A_1861 : i32 to vector<16xi32>
      %add3A_1863 = arith.addi %get3A_1839, %add3A_1862 : vector<16xi32>
      %gather3A_1864 = tpu.vector_load_idx %arg5[%add3A_1863] : memref<120000xf32, #tpu.memory_space<vmem>>[vector<16xi32>], vector<16xf32>,
      %add3A_1865 = arith.constant 2 : i32
      %add3A_1866 = vector.broadcast %add3A_1865 : i32 to vector<16xi32>
      %add3A_1867 = arith.addi %mul3A_1846, %add3A_1866 : vector<16xi32>
      tpu.vector_store_idx %arg7[%add3A_1867], %gather3A_1864 : memref<3840xf32, #tpu.memory_space<vmem>>[vector<16xi32>], vector<16xf32>,
      %add3A_1868 = arith.constant 60000 : i32
      %add3A_1869 = vector.broadcast %add3A_1868 : i32 to vector<16xi32>
      %add3A_1870 = arith.addi %get3A_1839, %add3A_1869 : vector<16xi32>
      %gather3A_1871 = tpu.vector_load_idx %arg5[%add3A_1870] : memref<120000xf32, #tpu.memory_space<vmem>>[vector<16xi32>], vector<16xf32>,
      %add3A_1872 = arith.constant 3 : i32
      %add3A_1873 = vector.broadcast %add3A_1872 : i32 to vector<16xi32>
      %add3A_1874 = arith.addi %mul3A_1846, %add3A_1873 : vector<16xi32>
      tpu.vector_store_idx %arg7[%add3A_1874], %gather3A_1871 : memref<3840xf32, #tpu.memory_space<vmem>>[vector<16xi32>], vector<16xf32>,
      %add3A_1875 = arith.constant 80000 : i32
      %add3A_1876 = vector.broadcast %add3A_1875 : i32 to vector<16xi32>
      %add3A_1877 = arith.addi %get3A_1839, %add3A_1876 : vector<16xi32>
      %gather3A_1878 = tpu.vector_load_idx %arg5[%add3A_1877] : memref<120000xf32, #tpu.memory_space<vmem>>[vector<16xi32>], vector<16xf32>,
      %add3A_1879 = arith.constant 4 : i32
      %add3A_1880 = vector.broadcast %add3A_1879 : i32 to vector<16xi32>
      %add3A_1881 = arith.addi %mul3A_1846, %add3A_1880 : vector<16xi32>
      tpu.vector_store_idx %arg7[%add3A_1881], %gather3A_1878 : memref<3840xf32, #tpu.memory_space<vmem>>[vector<16xi32>], vector<16xf32>,
      %add3A_1882 = arith.constant 100000 : i32
      %add3A_1883 = vector.broadcast %add3A_1882 : i32 to vector<16xi32>
      %add3A_1884 = arith.addi %get3A_1839, %add3A_1883 : vector<16xi32>
      %gather3A_1885 = tpu.vector_load_idx %arg5[%add3A_1884] : memref<120000xf32, #tpu.memory_space<vmem>>[vector<16xi32>], vector<16xf32>,
      %add3A_1886 = arith.constant 5 : i32
      %add3A_1887 = vector.broadcast %add3A_1886 : i32 to vector<16xi32>
      %add3A_1888 = arith.addi %mul3A_1846, %add3A_1887 : vector<16xi32>
      tpu.vector_store_idx %arg7[%add3A_1888], %gather3A_1885 : memref<3840xf32, #tpu.memory_space<vmem>>[vector<16xi32>], vector<16xf32>,
      %get3A_1889 = arith.constant 592 : index
      %get3A_1890 = tpu.vector_load %arg6[%get3A_1889] {strides = array<i32>} : memref<640xi32, #tpu.memory_space<vmem>>, vector<16xi32>,
      %iota3A_1891 = tpu.iota {dimensions = array<i32: 0>} : vector<16xi32>
      %add3A_1892 = arith.constant 592 : i32
      %add3A_1893 = vector.broadcast %add3A_1892 : i32 to vector<16xi32>
      %add3A_1894 = arith.addi %iota3A_1891, %add3A_1893 : vector<16xi32>
      %mul3A_1895 = arith.constant 6 : i32
      %mul3A_1896 = vector.broadcast %mul3A_1895 : i32 to vector<16xi32>
      %mul3A_1897 = arith.muli %add3A_1894, %mul3A_1896 : vector<16xi32>
      %add3A_1898 = arith.constant 0 : i32
      %add3A_1899 = vector.broadcast %add3A_1898 : i32 to vector<16xi32>
      %add3A_1900 = arith.addi %get3A_1890, %add3A_1899 : vector<16xi32>
      %gather3A_1901 = tpu.vector_load_idx %arg5[%add3A_1900] : memref<120000xf32, #tpu.memory_space<vmem>>[vector<16xi32>], vector<16xf32>,
      %add3A_1902 = arith.constant 0 : i32
      %add3A_1903 = vector.broadcast %add3A_1902 : i32 to vector<16xi32>
      %add3A_1904 = arith.addi %mul3A_1897, %add3A_1903 : vector<16xi32>
      tpu.vector_store_idx %arg7[%add3A_1904], %gather3A_1901 : memref<3840xf32, #tpu.memory_space<vmem>>[vector<16xi32>], vector<16xf32>,
      %add3A_1905 = arith.constant 20000 : i32
      %add3A_1906 = vector.broadcast %add3A_1905 : i32 to vector<16xi32>
      %add3A_1907 = arith.addi %get3A_1890, %add3A_1906 : vector<16xi32>
      %gather3A_1908 = tpu.vector_load_idx %arg5[%add3A_1907] : memref<120000xf32, #tpu.memory_space<vmem>>[vector<16xi32>], vector<16xf32>,
      %add3A_1909 = arith.constant 1 : i32
      %add3A_1910 = vector.broadcast %add3A_1909 : i32 to vector<16xi32>
      %add3A_1911 = arith.addi %mul3A_1897, %add3A_1910 : vector<16xi32>
      tpu.vector_store_idx %arg7[%add3A_1911], %gather3A_1908 : memref<3840xf32, #tpu.memory_space<vmem>>[vector<16xi32>], vector<16xf32>,
      %add3A_1912 = arith.constant 40000 : i32
      %add3A_1913 = vector.broadcast %add3A_1912 : i32 to vector<16xi32>
      %add3A_1914 = arith.addi %get3A_1890, %add3A_1913 : vector<16xi32>
      %gather3A_1915 = tpu.vector_load_idx %arg5[%add3A_1914] : memref<120000xf32, #tpu.memory_space<vmem>>[vector<16xi32>], vector<16xf32>,
      %add3A_1916 = arith.constant 2 : i32
      %add3A_1917 = vector.broadcast %add3A_1916 : i32 to vector<16xi32>
      %add3A_1918 = arith.addi %mul3A_1897, %add3A_1917 : vector<16xi32>
      tpu.vector_store_idx %arg7[%add3A_1918], %gather3A_1915 : memref<3840xf32, #tpu.memory_space<vmem>>[vector<16xi32>], vector<16xf32>,
      %add3A_1919 = arith.constant 60000 : i32
      %add3A_1920 = vector.broadcast %add3A_1919 : i32 to vector<16xi32>
      %add3A_1921 = arith.addi %get3A_1890, %add3A_1920 : vector<16xi32>
      %gather3A_1922 = tpu.vector_load_idx %arg5[%add3A_1921] : memref<120000xf32, #tpu.memory_space<vmem>>[vector<16xi32>], vector<16xf32>,
      %add3A_1923 = arith.constant 3 : i32
      %add3A_1924 = vector.broadcast %add3A_1923 : i32 to vector<16xi32>
      %add3A_1925 = arith.addi %mul3A_1897, %add3A_1924 : vector<16xi32>
      tpu.vector_store_idx %arg7[%add3A_1925], %gather3A_1922 : memref<3840xf32, #tpu.memory_space<vmem>>[vector<16xi32>], vector<16xf32>,
      %add3A_1926 = arith.constant 80000 : i32
      %add3A_1927 = vector.broadcast %add3A_1926 : i32 to vector<16xi32>
      %add3A_1928 = arith.addi %get3A_1890, %add3A_1927 : vector<16xi32>
      %gather3A_1929 = tpu.vector_load_idx %arg5[%add3A_1928] : memref<120000xf32, #tpu.memory_space<vmem>>[vector<16xi32>], vector<16xf32>,
      %add3A_1930 = arith.constant 4 : i32
      %add3A_1931 = vector.broadcast %add3A_1930 : i32 to vector<16xi32>
      %add3A_1932 = arith.addi %mul3A_1897, %add3A_1931 : vector<16xi32>
      tpu.vector_store_idx %arg7[%add3A_1932], %gather3A_1929 : memref<3840xf32, #tpu.memory_space<vmem>>[vector<16xi32>], vector<16xf32>,
      %add3A_1933 = arith.constant 100000 : i32
      %add3A_1934 = vector.broadcast %add3A_1933 : i32 to vector<16xi32>
      %add3A_1935 = arith.addi %get3A_1890, %add3A_1934 : vector<16xi32>
      %gather3A_1936 = tpu.vector_load_idx %arg5[%add3A_1935] : memref<120000xf32, #tpu.memory_space<vmem>>[vector<16xi32>], vector<16xf32>,
      %add3A_1937 = arith.constant 5 : i32
      %add3A_1938 = vector.broadcast %add3A_1937 : i32 to vector<16xi32>
      %add3A_1939 = arith.addi %mul3A_1897, %add3A_1938 : vector<16xi32>
      tpu.vector_store_idx %arg7[%add3A_1939], %gather3A_1936 : memref<3840xf32, #tpu.memory_space<vmem>>[vector<16xi32>], vector<16xf32>,
      %get3A_1940 = arith.constant 608 : index
      %get3A_1941 = tpu.vector_load %arg6[%get3A_1940] {strides = array<i32>} : memref<640xi32, #tpu.memory_space<vmem>>, vector<16xi32>,
      %iota3A_1942 = tpu.iota {dimensions = array<i32: 0>} : vector<16xi32>
      %add3A_1943 = arith.constant 608 : i32
      %add3A_1944 = vector.broadcast %add3A_1943 : i32 to vector<16xi32>
      %add3A_1945 = arith.addi %iota3A_1942, %add3A_1944 : vector<16xi32>
      %mul3A_1946 = arith.constant 6 : i32
      %mul3A_1947 = vector.broadcast %mul3A_1946 : i32 to vector<16xi32>
      %mul3A_1948 = arith.muli %add3A_1945, %mul3A_1947 : vector<16xi32>
      %add3A_1949 = arith.constant 0 : i32
      %add3A_1950 = vector.broadcast %add3A_1949 : i32 to vector<16xi32>
      %add3A_1951 = arith.addi %get3A_1941, %add3A_1950 : vector<16xi32>
      %gather3A_1952 = tpu.vector_load_idx %arg5[%add3A_1951] : memref<120000xf32, #tpu.memory_space<vmem>>[vector<16xi32>], vector<16xf32>,
      %add3A_1953 = arith.constant 0 : i32
      %add3A_1954 = vector.broadcast %add3A_1953 : i32 to vector<16xi32>
      %add3A_1955 = arith.addi %mul3A_1948, %add3A_1954 : vector<16xi32>
      tpu.vector_store_idx %arg7[%add3A_1955], %gather3A_1952 : memref<3840xf32, #tpu.memory_space<vmem>>[vector<16xi32>], vector<16xf32>,
      %add3A_1956 = arith.constant 20000 : i32
      %add3A_1957 = vector.broadcast %add3A_1956 : i32 to vector<16xi32>
      %add3A_1958 = arith.addi %get3A_1941, %add3A_1957 : vector<16xi32>
      %gather3A_1959 = tpu.vector_load_idx %arg5[%add3A_1958] : memref<120000xf32, #tpu.memory_space<vmem>>[vector<16xi32>], vector<16xf32>,
      %add3A_1960 = arith.constant 1 : i32
      %add3A_1961 = vector.broadcast %add3A_1960 : i32 to vector<16xi32>
      %add3A_1962 = arith.addi %mul3A_1948, %add3A_1961 : vector<16xi32>
      tpu.vector_store_idx %arg7[%add3A_1962], %gather3A_1959 : memref<3840xf32, #tpu.memory_space<vmem>>[vector<16xi32>], vector<16xf32>,
      %add3A_1963 = arith.constant 40000 : i32
      %add3A_1964 = vector.broadcast %add3A_1963 : i32 to vector<16xi32>
      %add3A_1965 = arith.addi %get3A_1941, %add3A_1964 : vector<16xi32>
      %gather3A_1966 = tpu.vector_load_idx %arg5[%add3A_1965] : memref<120000xf32, #tpu.memory_space<vmem>>[vector<16xi32>], vector<16xf32>,
      %add3A_1967 = arith.constant 2 : i32
      %add3A_1968 = vector.broadcast %add3A_1967 : i32 to vector<16xi32>
      %add3A_1969 = arith.addi %mul3A_1948, %add3A_1968 : vector<16xi32>
      tpu.vector_store_idx %arg7[%add3A_1969], %gather3A_1966 : memref<3840xf32, #tpu.memory_space<vmem>>[vector<16xi32>], vector<16xf32>,
      %add3A_1970 = arith.constant 60000 : i32
      %add3A_1971 = vector.broadcast %add3A_1970 : i32 to vector<16xi32>
      %add3A_1972 = arith.addi %get3A_1941, %add3A_1971 : vector<16xi32>
      %gather3A_1973 = tpu.vector_load_idx %arg5[%add3A_1972] : memref<120000xf32, #tpu.memory_space<vmem>>[vector<16xi32>], vector<16xf32>,
      %add3A_1974 = arith.constant 3 : i32
      %add3A_1975 = vector.broadcast %add3A_1974 : i32 to vector<16xi32>
      %add3A_1976 = arith.addi %mul3A_1948, %add3A_1975 : vector<16xi32>
      tpu.vector_store_idx %arg7[%add3A_1976], %gather3A_1973 : memref<3840xf32, #tpu.memory_space<vmem>>[vector<16xi32>], vector<16xf32>,
      %add3A_1977 = arith.constant 80000 : i32
      %add3A_1978 = vector.broadcast %add3A_1977 : i32 to vector<16xi32>
      %add3A_1979 = arith.addi %get3A_1941, %add3A_1978 : vector<16xi32>
      %gather3A_1980 = tpu.vector_load_idx %arg5[%add3A_1979] : memref<120000xf32, #tpu.memory_space<vmem>>[vector<16xi32>], vector<16xf32>,
      %add3A_1981 = arith.constant 4 : i32
      %add3A_1982 = vector.broadcast %add3A_1981 : i32 to vector<16xi32>
      %add3A_1983 = arith.addi %mul3A_1948, %add3A_1982 : vector<16xi32>
      tpu.vector_store_idx %arg7[%add3A_1983], %gather3A_1980 : memref<3840xf32, #tpu.memory_space<vmem>>[vector<16xi32>], vector<16xf32>,
      %add3A_1984 = arith.constant 100000 : i32
      %add3A_1985 = vector.broadcast %add3A_1984 : i32 to vector<16xi32>
      %add3A_1986 = arith.addi %get3A_1941, %add3A_1985 : vector<16xi32>
      %gather3A_1987 = tpu.vector_load_idx %arg5[%add3A_1986] : memref<120000xf32, #tpu.memory_space<vmem>>[vector<16xi32>], vector<16xf32>,
      %add3A_1988 = arith.constant 5 : i32
      %add3A_1989 = vector.broadcast %add3A_1988 : i32 to vector<16xi32>
      %add3A_1990 = arith.addi %mul3A_1948, %add3A_1989 : vector<16xi32>
      tpu.vector_store_idx %arg7[%add3A_1990], %gather3A_1987 : memref<3840xf32, #tpu.memory_space<vmem>>[vector<16xi32>], vector<16xf32>,
      %get3A_1991 = arith.constant 624 : index
      %get3A_1992 = tpu.vector_load %arg6[%get3A_1991] {strides = array<i32>} : memref<640xi32, #tpu.memory_space<vmem>>, vector<16xi32>,
      %iota3A_1993 = tpu.iota {dimensions = array<i32: 0>} : vector<16xi32>
      %add3A_1994 = arith.constant 624 : i32
      %add3A_1995 = vector.broadcast %add3A_1994 : i32 to vector<16xi32>
      %add3A_1996 = arith.addi %iota3A_1993, %add3A_1995 : vector<16xi32>
      %mul3A_1997 = arith.constant 6 : i32
      %mul3A_1998 = vector.broadcast %mul3A_1997 : i32 to vector<16xi32>
      %mul3A_1999 = arith.muli %add3A_1996, %mul3A_1998 : vector<16xi32>
      %add3A_2000 = arith.constant 0 : i32
      %add3A_2001 = vector.broadcast %add3A_2000 : i32 to vector<16xi32>
      %add3A_2002 = arith.addi %get3A_1992, %add3A_2001 : vector<16xi32>
      %gather3A_2003 = tpu.vector_load_idx %arg5[%add3A_2002] : memref<120000xf32, #tpu.memory_space<vmem>>[vector<16xi32>], vector<16xf32>,
      %add3A_2004 = arith.constant 0 : i32
      %add3A_2005 = vector.broadcast %add3A_2004 : i32 to vector<16xi32>
      %add3A_2006 = arith.addi %mul3A_1999, %add3A_2005 : vector<16xi32>
      tpu.vector_store_idx %arg7[%add3A_2006], %gather3A_2003 : memref<3840xf32, #tpu.memory_space<vmem>>[vector<16xi32>], vector<16xf32>,
      %add3A_2007 = arith.constant 20000 : i32
      %add3A_2008 = vector.broadcast %add3A_2007 : i32 to vector<16xi32>
      %add3A_2009 = arith.addi %get3A_1992, %add3A_2008 : vector<16xi32>
      %gather3A_2010 = tpu.vector_load_idx %arg5[%add3A_2009] : memref<120000xf32, #tpu.memory_space<vmem>>[vector<16xi32>], vector<16xf32>,
      %add3A_2011 = arith.constant 1 : i32
      %add3A_2012 = vector.broadcast %add3A_2011 : i32 to vector<16xi32>
      %add3A_2013 = arith.addi %mul3A_1999, %add3A_2012 : vector<16xi32>
      tpu.vector_store_idx %arg7[%add3A_2013], %gather3A_2010 : memref<3840xf32, #tpu.memory_space<vmem>>[vector<16xi32>], vector<16xf32>,
      %add3A_2014 = arith.constant 40000 : i32
      %add3A_2015 = vector.broadcast %add3A_2014 : i32 to vector<16xi32>
      %add3A_2016 = arith.addi %get3A_1992, %add3A_2015 : vector<16xi32>
      %gather3A_2017 = tpu.vector_load_idx %arg5[%add3A_2016] : memref<120000xf32, #tpu.memory_space<vmem>>[vector<16xi32>], vector<16xf32>,
      %add3A_2018 = arith.constant 2 : i32
      %add3A_2019 = vector.broadcast %add3A_2018 : i32 to vector<16xi32>
      %add3A_2020 = arith.addi %mul3A_1999, %add3A_2019 : vector<16xi32>
      tpu.vector_store_idx %arg7[%add3A_2020], %gather3A_2017 : memref<3840xf32, #tpu.memory_space<vmem>>[vector<16xi32>], vector<16xf32>,
      %add3A_2021 = arith.constant 60000 : i32
      %add3A_2022 = vector.broadcast %add3A_2021 : i32 to vector<16xi32>
      %add3A_2023 = arith.addi %get3A_1992, %add3A_2022 : vector<16xi32>
      %gather3A_2024 = tpu.vector_load_idx %arg5[%add3A_2023] : memref<120000xf32, #tpu.memory_space<vmem>>[vector<16xi32>], vector<16xf32>,
      %add3A_2025 = arith.constant 3 : i32
      %add3A_2026 = vector.broadcast %add3A_2025 : i32 to vector<16xi32>
      %add3A_2027 = arith.addi %mul3A_1999, %add3A_2026 : vector<16xi32>
      tpu.vector_store_idx %arg7[%add3A_2027], %gather3A_2024 : memref<3840xf32, #tpu.memory_space<vmem>>[vector<16xi32>], vector<16xf32>,
      %add3A_2028 = arith.constant 80000 : i32
      %add3A_2029 = vector.broadcast %add3A_2028 : i32 to vector<16xi32>
      %add3A_2030 = arith.addi %get3A_1992, %add3A_2029 : vector<16xi32>
      %gather3A_2031 = tpu.vector_load_idx %arg5[%add3A_2030] : memref<120000xf32, #tpu.memory_space<vmem>>[vector<16xi32>], vector<16xf32>,
      %add3A_2032 = arith.constant 4 : i32
      %add3A_2033 = vector.broadcast %add3A_2032 : i32 to vector<16xi32>
      %add3A_2034 = arith.addi %mul3A_1999, %add3A_2033 : vector<16xi32>
      tpu.vector_store_idx %arg7[%add3A_2034], %gather3A_2031 : memref<3840xf32, #tpu.memory_space<vmem>>[vector<16xi32>], vector<16xf32>,
      %add3A_2035 = arith.constant 100000 : i32
      %add3A_2036 = vector.broadcast %add3A_2035 : i32 to vector<16xi32>
      %add3A_2037 = arith.addi %get3A_1992, %add3A_2036 : vector<16xi32>
      %gather3A_2038 = tpu.vector_load_idx %arg5[%add3A_2037] : memref<120000xf32, #tpu.memory_space<vmem>>[vector<16xi32>], vector<16xf32>,
      %add3A_2039 = arith.constant 5 : i32
      %add3A_2040 = vector.broadcast %add3A_2039 : i32 to vector<16xi32>
      %add3A_2041 = arith.addi %mul3A_1999, %add3A_2040 : vector<16xi32>
      tpu.vector_store_idx %arg7[%add3A_2041], %gather3A_2038 : memref<3840xf32, #tpu.memory_space<vmem>>[vector<16xi32>], vector<16xf32>,
      %mul3A_2042 = arith.constant 6 : i32
      %mul3A_2043 = arith.muli %mul3A_2, %mul3A_2042 : i32
      "tpu.region"() ({
        %run_scoped3A = tpu.sem_alloc : memref<!tpu.dma_semaphore, #tpu.memory_space<semaphore_mem>>
        %dma_start3A = tpu.memref_slice %arg4[%mul3A_2043] : memref<30720xf32, #tpu.memory_space<hbm>> -> memref<3840xf32, #tpu.memory_space<hbm>>
        %dma_start3A_2044 = tpu.memref_slice %arg4[%mul3A_2043] : memref<30720xf32, #tpu.memory_space<hbm>> -> memref<3840xf32, #tpu.memory_space<hbm>>
        tpu.enqueue_dma source(%arg7 : memref<3840xf32, #tpu.memory_space<vmem>>) target(%dma_start3A_2044 : memref<3840xf32, #tpu.memory_space<hbm>>) target_semaphore(%run_scoped3A : memref<!tpu.dma_semaphore, #tpu.memory_space<semaphore_mem>>)
        %dma_wait3A = tpu.memref_slice %arg4[%mul3A_2043] : memref<30720xf32, #tpu.memory_space<hbm>> -> memref<3840xf32, #tpu.memory_space<hbm>>
        %dma_wait3A_2045 = tpu.memref_slice %arg4[%mul3A_2043] : memref<30720xf32, #tpu.memory_space<hbm>> -> memref<3840xf32, #tpu.memory_space<hbm>>
        tpu.wait_dma2 semaphore(%run_scoped3A : memref<!tpu.dma_semaphore, #tpu.memory_space<semaphore_mem>>) src(%arg7 : memref<3840xf32, #tpu.memory_space<vmem>>) dst(%dma_wait3A_2045 : memref<3840xf32, #tpu.memory_space<hbm>>)
        tpu.yield
      }) : () -> ()
    } else {
    }
    return
  }
}

module attributes {stable_mosaic.version = 14 : i64} {
  func.func @_tc_body(%arg0: i32, %arg1: memref<5x200x1024xf32, #tpu.memory_space<vmem>>, %arg2: memref<200x6xf32, #tpu.memory_space<vmem>>, %arg3: memref<200x1024xf32, #tpu.memory_space<vmem>>) attributes {dimension_semantics = [#tpu.dimension_semantics<arbitrary>], iteration_bounds = array<i64: 25>, scalar_prefetch = 0 : i64, scratch_operands = 0 : i64, tpu.core_type = #tpu.core_type<tc>, window_params = [{transform_indices = @transform_0, window_bounds = array<i64: 5, 200, 1024>}, {transform_indices = @transform_1, window_bounds = array<i64: 200, 6>}, {transform_indices = @transform_2, window_bounds = array<i64: 200, 1024>}]} {
    %get3A = arith.constant 0 : index
    %get3A_0 = arith.constant 0 : index
    %get3A_1 = vector.load %arg2[%get3A, %get3A_0] : memref<200x6xf32, #tpu.memory_space<vmem>>, vector<200x6xf32>
    %slice3A = vector.extract_strided_slice %get3A_1 {offsets = [0, 5], sizes = [200, 1], strides = [1, 1]} : vector<200x6xf32> to vector<200x1xf32>
    %get3A_2 = arith.constant 0 : index
    %get3A_3 = arith.constant 0 : index
    %get3A_4 = arith.constant 0 : index
    %get3A_5 = vector.load %arg1[%get3A_2, %get3A_3, %get3A_4] : memref<5x200x1024xf32, #tpu.memory_space<vmem>>, vector<1x200x1024xf32>
    %get3A_6 = vector.shape_cast %get3A_5 : vector<1x200x1024xf32> to vector<200x1024xf32>
    %slice3A_7 = vector.extract_strided_slice %get3A_1 {offsets = [0, 0], sizes = [200, 1], strides = [1, 1]} : vector<200x6xf32> to vector<200x1xf32>
    %mul3A = vector.broadcast %slice3A_7 : vector<200x1xf32> to vector<200x1024xf32>
    %mul3A_8 = arith.mulf %get3A_6, %mul3A : vector<200x1024xf32>
    %add3A = vector.broadcast %slice3A : vector<200x1xf32> to vector<200x1024xf32>
    %add3A_9 = arith.addf %add3A, %mul3A_8 : vector<200x1024xf32>
    %get3A_10 = arith.constant 1 : index
    %get3A_11 = arith.constant 0 : index
    %get3A_12 = arith.constant 0 : index
    %get3A_13 = vector.load %arg1[%get3A_10, %get3A_11, %get3A_12] : memref<5x200x1024xf32, #tpu.memory_space<vmem>>, vector<1x200x1024xf32>
    %get3A_14 = vector.shape_cast %get3A_13 : vector<1x200x1024xf32> to vector<200x1024xf32>
    %slice3A_15 = vector.extract_strided_slice %get3A_1 {offsets = [0, 1], sizes = [200, 1], strides = [1, 1]} : vector<200x6xf32> to vector<200x1xf32>
    %mul3A_16 = vector.broadcast %slice3A_15 : vector<200x1xf32> to vector<200x1024xf32>
    %mul3A_17 = arith.mulf %get3A_14, %mul3A_16 : vector<200x1024xf32>
    %add3A_18 = arith.addf %add3A_9, %mul3A_17 : vector<200x1024xf32>
    %get3A_19 = arith.constant 2 : index
    %get3A_20 = arith.constant 0 : index
    %get3A_21 = arith.constant 0 : index
    %get3A_22 = vector.load %arg1[%get3A_19, %get3A_20, %get3A_21] : memref<5x200x1024xf32, #tpu.memory_space<vmem>>, vector<1x200x1024xf32>
    %get3A_23 = vector.shape_cast %get3A_22 : vector<1x200x1024xf32> to vector<200x1024xf32>
    %slice3A_24 = vector.extract_strided_slice %get3A_1 {offsets = [0, 2], sizes = [200, 1], strides = [1, 1]} : vector<200x6xf32> to vector<200x1xf32>
    %mul3A_25 = vector.broadcast %slice3A_24 : vector<200x1xf32> to vector<200x1024xf32>
    %mul3A_26 = arith.mulf %get3A_23, %mul3A_25 : vector<200x1024xf32>
    %add3A_27 = arith.addf %add3A_18, %mul3A_26 : vector<200x1024xf32>
    %get3A_28 = arith.constant 3 : index
    %get3A_29 = arith.constant 0 : index
    %get3A_30 = arith.constant 0 : index
    %get3A_31 = vector.load %arg1[%get3A_28, %get3A_29, %get3A_30] : memref<5x200x1024xf32, #tpu.memory_space<vmem>>, vector<1x200x1024xf32>
    %get3A_32 = vector.shape_cast %get3A_31 : vector<1x200x1024xf32> to vector<200x1024xf32>
    %slice3A_33 = vector.extract_strided_slice %get3A_1 {offsets = [0, 3], sizes = [200, 1], strides = [1, 1]} : vector<200x6xf32> to vector<200x1xf32>
    %mul3A_34 = vector.broadcast %slice3A_33 : vector<200x1xf32> to vector<200x1024xf32>
    %mul3A_35 = arith.mulf %get3A_32, %mul3A_34 : vector<200x1024xf32>
    %add3A_36 = arith.addf %add3A_27, %mul3A_35 : vector<200x1024xf32>
    %get3A_37 = arith.constant 4 : index
    %get3A_38 = arith.constant 0 : index
    %get3A_39 = arith.constant 0 : index
    %get3A_40 = vector.load %arg1[%get3A_37, %get3A_38, %get3A_39] : memref<5x200x1024xf32, #tpu.memory_space<vmem>>, vector<1x200x1024xf32>
    %get3A_41 = vector.shape_cast %get3A_40 : vector<1x200x1024xf32> to vector<200x1024xf32>
    %slice3A_42 = vector.extract_strided_slice %get3A_1 {offsets = [0, 4], sizes = [200, 1], strides = [1, 1]} : vector<200x6xf32> to vector<200x1xf32>
    %mul3A_43 = vector.broadcast %slice3A_42 : vector<200x1xf32> to vector<200x1024xf32>
    %mul3A_44 = arith.mulf %get3A_41, %mul3A_43 : vector<200x1024xf32>
    %add3A_45 = arith.addf %add3A_36, %mul3A_44 : vector<200x1024xf32>
    %swap3A = arith.constant 0 : index
    %swap3A_46 = arith.constant 0 : index
    %swap3A_47 = vector.load %arg3[%swap3A, %swap3A_46] : memref<200x1024xf32, #tpu.memory_space<vmem>>, vector<200x1024xf32>
    tpu.vector_store %arg3[%swap3A, %swap3A_46], %add3A_45 {strides = array<i32>} : memref<200x1024xf32, #tpu.memory_space<vmem>>, vector<200x1024xf32>,
    return
  }
  func.func @transform_0(%arg0: i32) -> (i32, i32, i32) {
    %c0_i32 = arith.constant 0 : i32
    %c0_i32_0 = arith.constant 0 : i32
    %c0_i32_1 = arith.constant 0 : i32
    return %c0_i32, %arg0, %c0_i32_0 : i32, i32, i32
  }
  func.func @transform_1(%arg0: i32) -> (i32, i32) {
    %c0_i32 = arith.constant 0 : i32
    %c0_i32_0 = arith.constant 0 : i32
    return %arg0, %c0_i32 : i32, i32
  }
  func.func @transform_2(%arg0: i32) -> (i32, i32) {
    %c0_i32 = arith.constant 0 : i32
    %c0_i32_0 = arith.constant 0 : i32
    return %arg0, %c0_i32 : i32, i32
  }
}

</mosaic_0001>

<sc_bundles>
// kernel: kernel.4.cloned.1.call-start
scs
__scs_entry_jumppad:
0x0: {  	(pc) =	sbr.rel $0x88, $3  }
0x1: {  	(tag) =	ssettag $0x0;
	lr =	simm.s32 $0x1  }
0x2: {  	[smem:$0x3F9D] =	sst lr;
	_ =	strace $0xD0000000  }
0x3: {  	_ = 	snop  }
0x4: {  	_ = 	snop  }
0x5: {  	_ = 	snop  }
0x6: {  	_ = 	snop  }
0x7: {  	_ = 	snop  }
__scs_overlays_trampoline_lowered:
0x8: {  	[smem:$0x3FAC] =	sst s0  }
0x9: {  	[smem:$0x3FAD] =	sst s1  }
0xa: {  	[smem:$0x3FAE] =	sst s2  }
0xb: {  	[smem:$0x3FAF] =	sst s3  }
0xc: {  	[smem:$0x3FB0] =	sst s4  }
0xd: {  	[smem:$0x3FB1] =	sst s5  }
0xe: {  	[smem:$0x3FB2] =	sst s6  }
0xf: {  	[smem:$0x3FB3] =	sst s7  }
0x10: {  	[smem:$0x3FB4] =	sst s8  }
0x11: {  	[smem:$0x3FB5] =	sst s9;
	s0 =	simm.s32 @!p0 $0x0  }
0x12: {  	s1 =	sld [smem:$0x3F9B];
	s0 =	simm.s32 @p0 $0x1  }
0x13: {  	[smem:$0x3FB6] =	sst s0;
	s0 =	simm.s32 @!p1 $0x0  }
0x14: {  	s2 =	sld [smem:$0x3F9A];
	s0 =	simm.s32 @p1 $0x1  }
0x15: {  	[smem:$0x3FB7] =	sst s0;
	s0 =	simm.s32 @!p2 $0x0  }
0x16: {  	s3 =	sld [smem:$0x3FDB];
	s0 =	simm.s32 @p2 $0x1  }
0x17: {  	s4 =	simm.s32 $0x1BF5;
	[smem:$0x3FB9] =	sst s0  }
0x18: {  	s0 =	sld [smem:$0x3F9C];
	_ =	swait.ge [sflag:s4], $0x0  }
0x19: {  	s7 =	sld [smem:$0x3F9D]  }
0x1a: {  	s8 =	sadd.s32 $0xFFFFE003, lr  }
0x1b: {  	s9 =	sadd.s32 $0xFFFFFEF7, lr;
	s5 =	simm.s32 $0xFFFFFFFF;
	p2 =	slt.u32 s8, $0xFFFFF086  }
0x1c: {  	p1 =	slt.u32 s9, $0xF7A;
	s5 =	simm.s32 @!p2 $0x0  }
0x1d: {  	s5 =	simm.s32 @p1 $0x1;
	p0 =	seq.s32 s7, s2  }
0x1e: {  	s7 =	smul.u32 @!p0 $0xF7A, s2;
	p2 =	seq.s32 @!p0 s5, $0x0  }
0x1f: {  	s9 =	smul.u32 $0xF7A, s1;
	s8 =	simm.s32 @!p0 $0x1BF5;
	p2 =	por !p2, p0  }
0x20: {  	[sflag:s8] =	ssyncset.s32 @!p0 $0xFFFFF086;
	s6 =	sadd.s32 @!p0 s3, s7;
	s7 =	simm.s32 @!p0 $0x108  }
0x21: {  	s3 =	sadd.s32 s3, s9;
	s6 =	sadd.s32 @!p0 $0x88, s6;
	s7 =	simm.s32 @p2 $0x1082  }
0x22: {  	[simem:s7], [sflag:s8] =	dma.local @!p0 [hbm:s6], $0xF7A  }
0x23: {  	s9 =	sor.u32 $0xD0000000, s2;
	s6 =	simm.s32 $0x108;
	_ =	swait.ge @!p0 [sflag:s8], $0x0  }
0x24: {  	s3 =	sadd.s32 $0x88, s3;
	s6 =	simm.s32 @!p1 $0x1082;
	[sflag:s4] =	ssyncset.s32 $0xFFFFF086  }
0x25: {  	[simem:s6], [sflag:s4] =	dma.local [hbm:s3], $0xF7A  }
0x26: {  	[smem:$0x3F9D] =	sst s1;
	(tag) =	ssettag s2;
	_ =	strace s9  }
0x27: {  	s1 =	sld [smem:$0x3FAD]  }
0x28: {  	s2 =	sld [smem:$0x3FAE]  }
0x29: {  	s4 =	sld [smem:$0x3FB0]  }
0x2a: {  	p0 =	seq.s32 s5, $0x0;
	s5 =	sld [smem:$0x3FB1]  }
0x2b: {  	s6 =	sld [smem:$0x3FB2]  }
0x2c: {  	s7 =	sld [smem:$0x3FB3]  }
0x2d: {  	s3 =	simm.s32 $0x108;
	s8 =	sld [smem:$0x3FB4]  }
0x2e: {  	s3 =	simm.s32 @!p0 $0x1082;
	s9 =	sld [smem:$0x3FB5]  }
0x2f: {  	lr =	sadd.s32 s0, s3;
	s0 =	sld [smem:$0x3FAC]  }
0x30: {  	s3 =	sld [smem:$0x3FAF]  }
0x31: {  	[smem:$0x3FB8] =	sst s10  }
0x32: {  	s10 =	sld [smem:$0x3FB6];
	_ =	sdelay $0x3  }
0x33: {  	p0 =	seq.s32 s10, $0x1;
	s10 =	sld [smem:$0x3FB8];
	_ =	sdelay $0x3  }
0x34: {  	[smem:$0x3FB8] =	sst s10  }
0x35: {  	s10 =	sld [smem:$0x3FB7];
	_ =	sdelay $0x3  }
0x36: {  	p1 =	seq.s32 s10, $0x1;
	s10 =	sld [smem:$0x3FB8];
	_ =	sdelay $0x3  }
0x37: {  	[smem:$0x3FB8] =	sst s10  }
0x38: {  	s10 =	sld [smem:$0x3FB9]  }
0x39: {  	_ = 	snop;
	(pc) =	sbr.ind lr, $3  }
0x3a: {  	_ = 	snop  }
0x3b: {  	_ = 	snop  }
0x3c: {  	p2 =	seq.s32 s10, $0x1;
	s10 =	sld [smem:$0x3FB8]  }
0x3d: {  	_ =	shalt  }
0x3e: {  	_ =	shalt  }
0x3f: {  	_ =	shalt  }
0x40: {  	_ =	shalt  }
0x41: {  	_ =	shalt  }
0x42: {  	_ =	shalt  }
0x43: {  	_ =	shalt  }
0x44: {  	_ =	shalt  }
0x45: {  	_ =	shalt  }
0x46: {  	_ =	shalt  }
0x47: {  	_ =	shalt  }
0x48: {  	_ =	shalt  }
0x49: {  	_ =	shalt  }
0x4a: {  	_ =	shalt  }
0x4b: {  	_ =	shalt  }
0x4c: {  	_ =	shalt  }
0x4d: {  	_ =	shalt  }
0x4e: {  	_ =	shalt  }
0x4f: {  	_ =	shalt  }
0x50: {  	_ =	shalt  }
0x51: {  	_ =	shalt  }
0x52: {  	_ =	shalt  }
0x53: {  	_ =	shalt  }
0x54: {  	_ =	shalt  }
0x55: {  	_ =	shalt  }
0x56: {  	_ =	shalt  }
0x57: {  	_ =	shalt  }
0x58: {  	_ =	shalt  }
0x59: {  	_ =	shalt  }
0x5a: {  	_ =	shalt  }
0x5b: {  	_ =	shalt  }
0x5c: {  	_ =	shalt  }
0x5d: {  	_ =	shalt  }
0x5e: {  	_ =	shalt  }
0x5f: {  	_ =	shalt  }
0x60: {  	_ =	shalt  }
0x61: {  	_ =	shalt  }
0x62: {  	_ =	shalt  }
0x63: {  	_ =	shalt  }
0x64: {  	_ =	shalt  }
0x65: {  	_ =	shalt  }
0x66: {  	_ =	shalt  }
0x67: {  	_ =	shalt  }
0x68: {  	_ =	shalt  }
0x69: {  	_ =	shalt  }
0x6a: {  	_ =	shalt  }
0x6b: {  	_ =	shalt  }
0x6c: {  	_ =	shalt  }
0x6d: {  	_ =	shalt  }
0x6e: {  	_ =	shalt  }
0x6f: {  	_ =	shalt  }
0x70: {  	_ =	shalt  }
0x71: {  	_ =	shalt  }
0x72: {  	_ =	shalt  }
0x73: {  	_ =	shalt  }
0x74: {  	_ =	shalt  }
0x75: {  	_ =	shalt  }
0x76: {  	_ =	shalt  }
0x77: {  	_ =	shalt  }
0x78: {  	_ =	shalt  }
0x79: {  	_ =	shalt  }
0x7a: {  	_ =	shalt  }
0x7b: {  	_ =	shalt  }
0x7c: {  	_ =	shalt  }
0x7d: {  	_ =	shalt  }
0x7e: {  	_ =	shalt  }
0x7f: {  	_ =	shalt  }
0x80: {  	_ =	shalt  }
0x81: {  	_ =	shalt  }
0x82: {  	_ =	shalt  }
0x83: {  	_ =	shalt  }
0x84: {  	_ =	shalt  }
0x85: {  	_ =	shalt  }
0x86: {  	_ =	shalt  }
0x87: {  	_ =	shalt  }
.Lfunc_end0:
.L_simem_size_0:
called_computation_lowered:
.L_overlay_start_0:
0x88: {  	s2 =	sld [smem:$0x3FD9]  }
0x89: {  	s3 =	sld [smem:$0x3FFE];
	_ =	sdelay $0x1  }
0x8a: {  	s1 =	srdreg.scid  }
0x8b: {  	s0 =	sand.u32 $0x1, s1  }
0x8c: {  	s17 =	sshll.u32 s0, $0xA;
	s2 =	sadd.s32 s3, s2  }
0x8d: {  	s2 =	sadd.s32 s2, s17  }
0x8e: {  	[smem:$0x3FC4] =	sst s2  }
0x8f: {  	_ = 	snop  }
0x90: {  	s2 =	sld [smem:$0x3FD0];
	(tm) =	ssettm $0x1  }
0x91: {  	s18 =	sld [smem:$0x3FFB];
	_ =	sdelay $0x3  }
0x92: {  	_ =	strace s18  }
0x93: {  	s3 =	sld [smem:$0x3FFC];
	_ =	sdelay $0x3  }
0x94: {  	_ =	strace s3  }
0x95: {  	s3 =	sld [smem:$0x3FFD];
	_ =	sdelay $0x3  }
0x96: {  	_ =	strace s3  }
0x97: {  	_ =	strace $0x8FFFFFFF  }
0x98: {  	s19 =	sld [smem:$0x3FDB];
	_ =	sdelay $0x1  }
0x99: {  	s4 =	simm.s32 $_scs_section_size  }
0x9a: {  	s5 =	simm.s32 $_size__tile_overlayer_lowered;
	s6 =	simm.s32 $_tile_overlayer_lowered  }
0x9b: {  	s22 =	simm.s32 $0x1BFF;
	s21 =	sshll.u32 s6, $0x1;
	s3 =	sadd.s32 s4, s19  }
0x9c: {  	s7 =	simm.s32 $0x0;
	s20 =	sshll.u32 s5, $0x1;
	s5 =	sadd.s32 s21, s3  }
0x9d: {  	[timem:s7], [sflag:s22] =	dma.local [hbm:s5], s20  }
0x9e: {  	_ =	swait.ge [sflag:s22], s20  }
0x9f: {  	s4 =	ssub.s32 $0x0, s20;
	[sflag:s22] =	ssyncset.done $0x0  }
0xa0: {  	[sflag:s22] =	ssyncadd.s32 s4;
	_ =	sdelay $0x1  }
0xa1: {  	s23 =	simm.s32 $0x1B8B  }
0xa2: {  	_ =	swait.ge [sflag:s23], $0x1  }
0xa3: {  	[sflag:s23] =	ssyncset.done $0x0  }
0xa4: {  	s25 =	simm.s32 $0x1B8E;
	s24 =	sld [smem:$0x3FFE];
	[sflag:s23] =	ssyncadd.s32 $0xFFFFFFFF  }
0xa5: {  	s26 =	simm.s32 $execute0_lowered;
	[smem:$0x3FD2] =	sst s25  }
0xa6: {  	s5 =	sshll.u32 s26, $0x1;
	_ =	strace $0x80000046;
	[dreg:$0x1] =	wrdreg $0xFFFFFFFF  }
0xa7: {  	s28 =	simm.s32 $_size_execute0_lowered;
	s3 =	sadd.s32 s3, s5;
	[dreg:$0x0] =	wrdreg $0x0  }
0xa8: {  	s5 =	sshll.u32 s28, $0x1;
	[dreg:$0x2] =	wrdreg s3  }
0xa9: {  	[dreg:$0x3] =	wrdreg s5  }
0xaa: {  	[dreg:$0x4] =	wrdreg $0xC0  }
0xab: {  	_ =	task [dreg:s7], $0x5FFFF  }
0xac: {  	[dreg:$0x1] =	wrdreg $0xFFFFFFFF  }
0xad: {  	[dreg:$0x0] =	wrdreg $0x60  }
0xae: {  	[dreg:$0x2] =	wrdreg s2  }
0xaf: {  	[dreg:$0x3] =	wrdreg s24  }
0xb0: {  	[dreg:$0x4] =	wrdreg $0x9  }
0xb1: {  	_ =	task.clear_ibuf [dreg:s7], $0x5FFFF;
	_ =	strace $0x90000046  }
0xb2: {  	s29 =	simm.s32 $0x9;
	_ =	strace $0x80000048  }
0xb3: {  	_ =	swait.ge [sflag:s29], $0x1  }
0xb4: {  	[sflag:s29] =	ssyncadd.s32 $0xFFFFFFFF  }
0xb5: {  	_ =	strace $0x90000048  }
0xb6: {  	_ =	sfence  }
0xb7: {  	s30 =	sld [smem:$0x0];
	_ =	sdelay $0x2  }
0xb8: {  	s31 =	sshll.u32 s1, $0xD;
	s1 =	sshrl.u32 s1, $0x2  }
0xb9: {  	s3 =	sand.u32 $0x4000, s31;
	s1 =	sadd.s32 s1, s30  }
0xba: {  	s0 =	sor.u32 s3, s0;
	s1 =	sshll.u32 s1, $0x11  }
0xbb: {  	s0 =	sor.u32 s1, s0  }
0xbc: {  	s0 =	sadd.s32 $0x8F2B, s0  }
0xbd: {  	[sflag:s0] =	ssyncadd.remote.s32 $0x1  }
0xbe: {  	_ =	sfence.sel $0xFFFF  }
0xbf: {  	[dreg:$0x0] =	wrdreg $0xFFFFFFFF;
	(pc) =	sbr.abs _section_cstart, $3  }
0xc0: {  	[dreg:$0x1] =	wrdreg $0xFFFFFFFF  }
0xc1: {  	_ =	task.clear_ibuf [dreg:s7], $0x2FFFF;
	_ =	strace $0x9FFFFFFF  }
0xc2: {  	(tm) =	ssettm $0x7FFFFFFF  }
0xc3: {  	_ =	shalt  }
tec
execute0_lowered:
.L_overlay_start_1:
0x0: {  	(tag) =	ssettag $0x1  }
0x1: {  	s1 =	stileid.u32  }
0x2: {  	p0 =	sgt.u32 s1, $0x3  }
.Ltmp0:
0x3: {  	_ = 	snop;
	(pc) =	sbr.rel @p0 .LBB2_3-.Ltmp0, $4  }
0x4: {  	s2 =	rddreg [dreg:$0x0]  }
0x5: {  	s4 =	rddreg [dreg:$0x1];
	s3 =	simm.s32 $0x0  }
0x6: {  	[smem:$0x7FF] =	sst s3  }
0x7: {  	s0 =	rddreg [dreg:$0x2];
	_ =	strace $0x80000047  }
0x8: {  	v0 =	vlaneseq.u32  }
0x9: {  	v0 =	vmul.u32 $0x6, v0;
	_ =	sdelay $0x1  }
0xa: {  	v1 =	vor.u32 $0x1, v0;
	v5 =	vadd.s32 $0x5, v0;
	v6 =	vadd.s32 $0x60, v0  }
0xb: {  	v7 =	vadd.s32 $0x61, v0;
	v8 =	vadd.s32 $0x62, v0;
	v9 =	vadd.s32 $0x63, v0  }
0xc: {  	v10 =	vadd.s32 $0x64, v0;
	v11 =	vadd.s32 $0x65, v0;
	v12 =	vadd.s32 $0xC0, v0  }
0xd: {  	v13 =	vadd.s32 $0xC1, v0;
	v14 =	vadd.s32 $0xC2, v0;
	v15 =	vadd.s32 $0xC3, v0  }
0xe: {  	v16 =	vadd.s32 $0xC4, v0;
	v17 =	vadd.s32 $0xC5, v0;
	v18 =	vadd.s32 $0x120, v0  }
0xf: {  	v19 =	vadd.s32 $0x121, v0;
	v20 =	vadd.s32 $0x122, v0;
	v21 =	vadd.s32 $0x123, v0  }
0x10: {  	v22 =	vadd.s32 $0x124, v0;
	v23 =	vadd.s32 $0x125, v0;
	v24 =	vor.u32 $0x180, v0  }
0x11: {  	v25 =	vor.u32 $0x181, v0;
	v26 =	vadd.s32 $0x182, v0;
	v27 =	vadd.s32 $0x183, v0  }
0x12: {  	v28 =	vadd.s32 $0x184, v0;
	v29 =	vadd.s32 $0x185, v0;
	v30 =	vadd.s32 $0x1E0, v0  }
0x13: {  	v31 =	vadd.s32 $0x1E1, v0;
	v32 =	vadd.s32 $0x1E2, v0;
	v33 =	vadd.s32 $0x1E3, v0  }
0x14: {  	v34 =	vadd.s32 $0x1E4, v0;
	v35 =	vadd.s32 $0x1E5, v0;
	v36 =	vadd.s32 $0x240, v0  }
0x15: {  	v37 =	vadd.s32 $0x241, v0;
	v38 =	vadd.s32 $0x242, v0;
	v39 =	vadd.s32 $0x243, v0  }
0x16: {  	s5 =	srdreg.scid;
	v40 =	vadd.s32 $0x244, v0;
	v41 =	vadd.s32 $0x245, v0;
	v42 =	vadd.s32 $0x2A0, v0  }
0x17: {  	s5 =	sand.u32 $0x1, s5;
	v43 =	vadd.s32 $0x2A1, v0;
	v44 =	vadd.s32 $0x2A2, v0;
	v45 =	vadd.s32 $0x2A3, v0  }
0x18: {  	s6 =	sshll.u32 s5, $0x2;
	v46 =	vadd.s32 $0x2A4, v0;
	v47 =	vadd.s32 $0x2A5, v0;
	v48 =	vor.u32 $0x300, v0  }
0x19: {  	s6 =	sadd.s32 s1, s6;
	v49 =	vor.u32 $0x301, v0;
	v50 =	vadd.s32 $0x302, v0;
	v51 =	vadd.s32 $0x303, v0  }
0x1a: {  	s5 =	ssub.s32 $0x2, s5;
	v52 =	vadd.s32 $0x304, v0;
	v53 =	vadd.s32 $0x305, v0;
	v54 =	vadd.s32 $0x360, v0;
	s7 =	smul.u32 $0x1E0, s6  }
0x1b: {  	s8 =	sshrl.u32 s5, $0x1;
	v55 =	vadd.s32 $0x361, v0;
	v56 =	vadd.s32 $0x362, v0;
	[tilespmem:$0x1FFC0] =	vst v1;
	v1 =	vadd.s32 $0x2, v0;
	s6 =	smul.u32 $0x50, s6  }
0x1c: {  	s9 =	simm.s32 $0x1D780;
	v57 =	vadd.s32 $0x363, v0;
	v58 =	vadd.s32 $0x364, v0;
	s8 =	ssub.s32 s5, s8;
	[tilespmem:$0x1FFD0] =	vst v1;
	v1 =	vadd.s32 $0x3, v0  }
0x1d: {  	v59 =	vadd.s32 $0x365, v0;
	v60 =	vadd.s32 $0x3C0, v0;
	[tilespmem:$0x1FFE0] =	vst v1;
	v1 =	vadd.s32 $0x4, v0;
	s7 =	sadd.s32 s7, s4;
	s4 =	sadd.s32 s4, s6;
	s6 =	smax.u32 s8, $0x1  }
0x1e: {  	v61 =	vadd.s32 $0x3C1, v0;
	v62 =	vadd.s32 $0x3C2, v0;
	v63 =	vadd.s32 $0x3C3, v0;
	s8 =	simm.s32 $0x1D500;
	[tilespmem:$0x1FFF0] =	vst v1;
	s5 =	sadd.s32 $0x400, s7;
	s7 =	simm.s32 $0x1  }
.LBB2_2:
0x1f: {  	[tilespmem:s3], [sflag:$0x1] =	stream.linear.gather [hbm4b:s2+s3], $0x1D500, $0x38;
	[tilespmem:$0x1E680] =	vst v63  }
0x20: {  	_ =	swait.ge [sflag:s7], $0x1D500  }
0x21: {  	[sflag:s7] =	ssyncset.done $0x0  }
0x22: {  	[sflag:s7] =	ssyncadd.s32 $0xFFFE2B00  }
0x23: {  	[tilespmem:s8], [sflag:$0x1] =	stream.linear.gather [hbm4b:s4+s3], $0x280, $0x38;
	[tilespmem:$0x1E680] =	vst v63  }
0x24: {  	_ =	swait.ge [sflag:s7], $0x280  }
0x25: {  	[sflag:s7] =	ssyncset.done $0x0  }
0x26: {  	[sflag:s7] =	ssyncadd.s32 $0xFFFFFD80  }
0x27: {  	v1 =	vld [tilespmem:$0x1D500];
	_ =	sdelay $0x7  }
0x28: {  	v2 =	vld.idx.msk [tilespmem:v1+s3+$0x0], $0xffff  }
0x29: {  	v3 =	vadd.s32 $0x4E20, v1;
	_ =	sdelay $0x1  }
0x2a: {  	v4 =	vld [tilespmem:$0x1FFC0];
	_ =	sdelay $0x1  }
0x2b: {  	[tilespmem:v0+s9+$0x0] =	vst.idx.msk $0xffff, v2  }
0x2c: {  	v2 =	vld.idx.msk [tilespmem:v3+s3+$0x0], $0xffff;
	_ =	sdelay $0x2  }
0x2d: {  	v3 =	vadd.s32 $0x9C40, v1;
	_ =	sdelay $0x1  }
0x2e: {  	[tilespmem:v4+s9+$0x0] =	vst.idx.msk $0xffff, v2;
	v4 =	vld [tilespmem:$0x1FFD0];
	_ =	sdelay $0x2  }
0x2f: {  	v2 =	vld.idx.msk [tilespmem:v3+s3+$0x0], $0xffff;
	_ =	sdelay $0x2  }
0x30: {  	v3 =	vadd.s32 $0xEA60, v1;
	_ =	sdelay $0x1  }
0x31: {  	[tilespmem:v4+s9+$0x0] =	vst.idx.msk $0xffff, v2;
	v4 =	vld [tilespmem:$0x1FFE0];
	_ =	sdelay $0x2  }
0x32: {  	v2 =	vld.idx.msk [tilespmem:v3+s3+$0x0], $0xffff  }
0x33: {  	v3 =	vadd.s32 $0x13880, v1;
	_ =	sdelay $0x3  }
0x34: {  	[tilespmem:v4+s9+$0x0] =	vst.idx.msk $0xffff, v2  }
0x35: {  	v2 =	vld.idx.msk [tilespmem:v3+s3+$0x0], $0xffff  }
0x36: {  	v3 =	vld [tilespmem:$0x1FFF0];
	_ =	sdelay $0x3  }
0x37: {  	v1 =	vadd.s32 $0x186A0, v1;
	_ =	sdelay $0x3  }
0x38: {  	[tilespmem:v3+s9+$0x0] =	vst.idx.msk $0xffff, v2  }
0x39: {  	v1 =	vld.idx.msk [tilespmem:v1+s3+$0x0], $0xffff;
	_ =	sdelay $0x4  }
0x3a: {  	[tilespmem:v5+s9+$0x0] =	vst.idx.msk $0xffff, v1  }
0x3b: {  	v1 =	vld [tilespmem:$0x1D510];
	_ =	sdelay $0x7  }
0x3c: {  	v2 =	vld.idx.msk [tilespmem:v1+s3+$0x0], $0xffff  }
0x3d: {  	v3 =	vadd.s32 $0x4E20, v1;
	_ =	sdelay $0x3  }
0x3e: {  	[tilespmem:v6+s9+$0x0] =	vst.idx.msk $0xffff, v2  }
0x3f: {  	v2 =	vld.idx.msk [tilespmem:v3+s3+$0x0], $0xffff  }
0x40: {  	v3 =	vadd.s32 $0x9C40, v1;
	_ =	sdelay $0x3  }
0x41: {  	[tilespmem:v7+s9+$0x0] =	vst.idx.msk $0xffff, v2  }
0x42: {  	v2 =	vld.idx.msk [tilespmem:v3+s3+$0x0], $0xffff  }
0x43: {  	v3 =	vadd.s32 $0xEA60, v1;
	_ =	sdelay $0x3  }
0x44: {  	[tilespmem:v8+s9+$0x0] =	vst.idx.msk $0xffff, v2  }
0x45: {  	v2 =	vld.idx.msk [tilespmem:v3+s3+$0x0], $0xffff  }
0x46: {  	v3 =	vadd.s32 $0x13880, v1;
	_ =	sdelay $0x3  }
0x47: {  	[tilespmem:v9+s9+$0x0] =	vst.idx.msk $0xffff, v2  }
0x48: {  	v2 =	vld.idx.msk [tilespmem:v3+s3+$0x0], $0xffff  }
0x49: {  	v1 =	vadd.s32 $0x186A0, v1;
	_ =	sdelay $0x3  }
0x4a: {  	[tilespmem:v10+s9+$0x0] =	vst.idx.msk $0xffff, v2  }
0x4b: {  	v1 =	vld.idx.msk [tilespmem:v1+s3+$0x0], $0xffff;
	_ =	sdelay $0x4  }
0x4c: {  	[tilespmem:v11+s9+$0x0] =	vst.idx.msk $0xffff, v1  }
0x4d: {  	v1 =	vld [tilespmem:$0x1D520];
	_ =	sdelay $0x7  }
0x4e: {  	v2 =	vld.idx.msk [tilespmem:v1+s3+$0x0], $0xffff  }
0x4f: {  	v3 =	vadd.s32 $0x4E20, v1;
	_ =	sdelay $0x3  }
0x50: {  	[tilespmem:v12+s9+$0x0] =	vst.idx.msk $0xffff, v2  }
0x51: {  	v2 =	vld.idx.msk [tilespmem:v3+s3+$0x0], $0xffff  }
0x52: {  	v3 =	vadd.s32 $0x9C40, v1;
	_ =	sdelay $0x3  }
0x53: {  	[tilespmem:v13+s9+$0x0] =	vst.idx.msk $0xffff, v2  }
0x54: {  	v2 =	vld.idx.msk [tilespmem:v3+s3+$0x0], $0xffff  }
0x55: {  	v3 =	vadd.s32 $0xEA60, v1;
	_ =	sdelay $0x3  }
0x56: {  	[tilespmem:v14+s9+$0x0] =	vst.idx.msk $0xffff, v2  }
0x57: {  	v2 =	vld.idx.msk [tilespmem:v3+s3+$0x0], $0xffff  }
0x58: {  	v3 =	vadd.s32 $0x13880, v1;
	_ =	sdelay $0x3  }
0x59: {  	[tilespmem:v15+s9+$0x0] =	vst.idx.msk $0xffff, v2  }
0x5a: {  	v2 =	vld.idx.msk [tilespmem:v3+s3+$0x0], $0xffff  }
0x5b: {  	v1 =	vadd.s32 $0x186A0, v1;
	_ =	sdelay $0x3  }
0x5c: {  	[tilespmem:v16+s9+$0x0] =	vst.idx.msk $0xffff, v2  }
0x5d: {  	v1 =	vld.idx.msk [tilespmem:v1+s3+$0x0], $0xffff;
	_ =	sdelay $0x4  }
0x5e: {  	[tilespmem:v17+s9+$0x0] =	vst.idx.msk $0xffff, v1  }
0x5f: {  	v1 =	vld [tilespmem:$0x1D530];
	_ =	sdelay $0x7  }
0x60: {  	v2 =	vld.idx.msk [tilespmem:v1+s3+$0x0], $0xffff  }
0x61: {  	v3 =	vadd.s32 $0x4E20, v1;
	_ =	sdelay $0x3  }
0x62: {  	[tilespmem:v18+s9+$0x0] =	vst.idx.msk $0xffff, v2  }
0x63: {  	v2 =	vld.idx.msk [tilespmem:v3+s3+$0x0], $0xffff  }
0x64: {  	v3 =	vadd.s32 $0x9C40, v1;
	_ =	sdelay $0x3  }
0x65: {  	[tilespmem:v19+s9+$0x0] =	vst.idx.msk $0xffff, v2  }
0x66: {  	v2 =	vld.idx.msk [tilespmem:v3+s3+$0x0], $0xffff  }
0x67: {  	v3 =	vadd.s32 $0xEA60, v1;
	_ =	sdelay $0x3  }
0x68: {  	[tilespmem:v20+s9+$0x0] =	vst.idx.msk $0xffff, v2  }
0x69: {  	v2 =	vld.idx.msk [tilespmem:v3+s3+$0x0], $0xffff  }
0x6a: {  	v3 =	vadd.s32 $0x13880, v1;
	_ =	sdelay $0x3  }
0x6b: {  	[tilespmem:v21+s9+$0x0] =	vst.idx.msk $0xffff, v2  }
0x6c: {  	v2 =	vld.idx.msk [tilespmem:v3+s3+$0x0], $0xffff  }
0x6d: {  	v1 =	vadd.s32 $0x186A0, v1;
	_ =	sdelay $0x3  }
0x6e: {  	[tilespmem:v22+s9+$0x0] =	vst.idx.msk $0xffff, v2  }
0x6f: {  	v1 =	vld.idx.msk [tilespmem:v1+s3+$0x0], $0xffff;
	_ =	sdelay $0x4  }
0x70: {  	[tilespmem:v23+s9+$0x0] =	vst.idx.msk $0xffff, v1  }
0x71: {  	v1 =	vld [tilespmem:$0x1D540];
	_ =	sdelay $0x7  }
0x72: {  	v2 =	vld.idx.msk [tilespmem:v1+s3+$0x0], $0xffff  }
0x73: {  	v3 =	vadd.s32 $0x4E20, v1;
	_ =	sdelay $0x3  }
0x74: {  	[tilespmem:v24+s9+$0x0] =	vst.idx.msk $0xffff, v2  }
0x75: {  	v2 =	vld.idx.msk [tilespmem:v3+s3+$0x0], $0xffff  }
0x76: {  	v3 =	vadd.s32 $0x9C40, v1;
	_ =	sdelay $0x3  }
0x77: {  	[tilespmem:v25+s9+$0x0] =	vst.idx.msk $0xffff, v2  }
0x78: {  	v2 =	vld.idx.msk [tilespmem:v3+s3+$0x0], $0xffff  }
0x79: {  	v3 =	vadd.s32 $0xEA60, v1;
	_ =	sdelay $0x3  }
0x7a: {  	[tilespmem:v26+s9+$0x0] =	vst.idx.msk $0xffff, v2  }
0x7b: {  	v2 =	vld.idx.msk [tilespmem:v3+s3+$0x0], $0xffff  }
0x7c: {  	v3 =	vadd.s32 $0x13880, v1;
	_ =	sdelay $0x3  }
0x7d: {  	[tilespmem:v27+s9+$0x0] =	vst.idx.msk $0xffff, v2  }
0x7e: {  	v2 =	vld.idx.msk [tilespmem:v3+s3+$0x0], $0xffff  }
0x7f: {  	v1 =	vadd.s32 $0x186A0, v1;
	_ =	sdelay $0x3  }
0x80: {  	[tilespmem:v28+s9+$0x0] =	vst.idx.msk $0xffff, v2  }
0x81: {  	v1 =	vld.idx.msk [tilespmem:v1+s3+$0x0], $0xffff;
	_ =	sdelay $0x4  }
0x82: {  	[tilespmem:v29+s9+$0x0] =	vst.idx.msk $0xffff, v1  }
0x83: {  	v1 =	vld [tilespmem:$0x1D550];
	_ =	sdelay $0x7  }
0x84: {  	v2 =	vld.idx.msk [tilespmem:v1+s3+$0x0], $0xffff  }
0x85: {  	v3 =	vadd.s32 $0x4E20, v1;
	_ =	sdelay $0x3  }
0x86: {  	[tilespmem:v30+s9+$0x0] =	vst.idx.msk $0xffff, v2  }
0x87: {  	v2 =	vld.idx.msk [tilespmem:v3+s3+$0x0], $0xffff  }
0x88: {  	v3 =	vadd.s32 $0x9C40, v1;
	_ =	sdelay $0x3  }
0x89: {  	[tilespmem:v31+s9+$0x0] =	vst.idx.msk $0xffff, v2  }
0x8a: {  	v2 =	vld.idx.msk [tilespmem:v3+s3+$0x0], $0xffff  }
0x8b: {  	v3 =	vadd.s32 $0xEA60, v1;
	_ =	sdelay $0x3  }
0x8c: {  	[tilespmem:v32+s9+$0x0] =	vst.idx.msk $0xffff, v2  }
0x8d: {  	v2 =	vld.idx.msk [tilespmem:v3+s3+$0x0], $0xffff  }
0x8e: {  	v3 =	vadd.s32 $0x13880, v1;
	_ =	sdelay $0x3  }
0x8f: {  	[tilespmem:v33+s9+$0x0] =	vst.idx.msk $0xffff, v2  }
0x90: {  	v2 =	vld.idx.msk [tilespmem:v3+s3+$0x0], $0xffff  }
0x91: {  	v1 =	vadd.s32 $0x186A0, v1;
	_ =	sdelay $0x3  }
0x92: {  	[tilespmem:v34+s9+$0x0] =	vst.idx.msk $0xffff, v2  }
0x93: {  	v1 =	vld.idx.msk [tilespmem:v1+s3+$0x0], $0xffff;
	_ =	sdelay $0x4  }
0x94: {  	[tilespmem:v35+s9+$0x0] =	vst.idx.msk $0xffff, v1  }
0x95: {  	v1 =	vld [tilespmem:$0x1D560];
	_ =	sdelay $0x7  }
0x96: {  	v2 =	vld.idx.msk [tilespmem:v1+s3+$0x0], $0xffff  }
0x97: {  	v3 =	vadd.s32 $0x4E20, v1;
	_ =	sdelay $0x3  }
0x98: {  	[tilespmem:v36+s9+$0x0] =	vst.idx.msk $0xffff, v2  }
0x99: {  	v2 =	vld.idx.msk [tilespmem:v3+s3+$0x0], $0xffff  }
0x9a: {  	v3 =	vadd.s32 $0x9C40, v1;
	_ =	sdelay $0x3  }
0x9b: {  	[tilespmem:v37+s9+$0x0] =	vst.idx.msk $0xffff, v2  }
0x9c: {  	v2 =	vld.idx.msk [tilespmem:v3+s3+$0x0], $0xffff  }
0x9d: {  	v3 =	vadd.s32 $0xEA60, v1;
	_ =	sdelay $0x3  }
0x9e: {  	[tilespmem:v38+s9+$0x0] =	vst.idx.msk $0xffff, v2  }
0x9f: {  	v2 =	vld.idx.msk [tilespmem:v3+s3+$0x0], $0xffff  }
0xa0: {  	v3 =	vadd.s32 $0x13880, v1;
	_ =	sdelay $0x3  }
0xa1: {  	[tilespmem:v39+s9+$0x0] =	vst.idx.msk $0xffff, v2  }
0xa2: {  	v2 =	vld.idx.msk [tilespmem:v3+s3+$0x0], $0xffff  }
0xa3: {  	v1 =	vadd.s32 $0x186A0, v1;
	_ =	sdelay $0x3  }
0xa4: {  	[tilespmem:v40+s9+$0x0] =	vst.idx.msk $0xffff, v2  }
0xa5: {  	v1 =	vld.idx.msk [tilespmem:v1+s3+$0x0], $0xffff;
	_ =	sdelay $0x4  }
0xa6: {  	[tilespmem:v41+s9+$0x0] =	vst.idx.msk $0xffff, v1  }
0xa7: {  	v1 =	vld [tilespmem:$0x1D570];
	_ =	sdelay $0x7  }
0xa8: {  	v2 =	vld.idx.msk [tilespmem:v1+s3+$0x0], $0xffff  }
0xa9: {  	v3 =	vadd.s32 $0x4E20, v1;
	_ =	sdelay $0x3  }
0xaa: {  	[tilespmem:v42+s9+$0x0] =	vst.idx.msk $0xffff, v2  }
0xab: {  	v2 =	vld.idx.msk [tilespmem:v3+s3+$0x0], $0xffff  }
0xac: {  	v3 =	vadd.s32 $0x9C40, v1;
	_ =	sdelay $0x3  }
0xad: {  	[tilespmem:v43+s9+$0x0] =	vst.idx.msk $0xffff, v2  }
0xae: {  	v2 =	vld.idx.msk [tilespmem:v3+s3+$0x0], $0xffff  }
0xaf: {  	v3 =	vadd.s32 $0xEA60, v1;
	_ =	sdelay $0x3  }
0xb0: {  	[tilespmem:v44+s9+$0x0] =	vst.idx.msk $0xffff, v2  }
0xb1: {  	v2 =	vld.idx.msk [tilespmem:v3+s3+$0x0], $0xffff  }
0xb2: {  	v3 =	vadd.s32 $0x13880, v1;
	_ =	sdelay $0x3  }
0xb3: {  	[tilespmem:v45+s9+$0x0] =	vst.idx.msk $0xffff, v2  }
0xb4: {  	v2 =	vld.idx.msk [tilespmem:v3+s3+$0x0], $0xffff  }
0xb5: {  	v1 =	vadd.s32 $0x186A0, v1;
	_ =	sdelay $0x3  }
0xb6: {  	[tilespmem:v46+s9+$0x0] =	vst.idx.msk $0xffff, v2  }
0xb7: {  	v1 =	vld.idx.msk [tilespmem:v1+s3+$0x0], $0xffff;
	_ =	sdelay $0x4  }
0xb8: {  	[tilespmem:v47+s9+$0x0] =	vst.idx.msk $0xffff, v1  }
0xb9: {  	v1 =	vld [tilespmem:$0x1D580];
	_ =	sdelay $0x7  }
0xba: {  	v2 =	vld.idx.msk [tilespmem:v1+s3+$0x0], $0xffff  }
0xbb: {  	v3 =	vadd.s32 $0x4E20, v1;
	_ =	sdelay $0x3  }
0xbc: {  	[tilespmem:v48+s9+$0x0] =	vst.idx.msk $0xffff, v2  }
0xbd: {  	v2 =	vld.idx.msk [tilespmem:v3+s3+$0x0], $0xffff  }
0xbe: {  	v3 =	vadd.s32 $0x9C40, v1;
	_ =	sdelay $0x3  }
0xbf: {  	[tilespmem:v49+s9+$0x0] =	vst.idx.msk $0xffff, v2  }
0xc0: {  	v2 =	vld.idx.msk [tilespmem:v3+s3+$0x0], $0xffff  }
0xc1: {  	v3 =	vadd.s32 $0xEA60, v1;
	_ =	sdelay $0x3  }
0xc2: {  	[tilespmem:v50+s9+$0x0] =	vst.idx.msk $0xffff, v2  }
0xc3: {  	v2 =	vld.idx.msk [tilespmem:v3+s3+$0x0], $0xffff  }
0xc4: {  	v3 =	vadd.s32 $0x13880, v1;
	_ =	sdelay $0x3  }
0xc5: {  	[tilespmem:v51+s9+$0x0] =	vst.idx.msk $0xffff, v2  }
0xc6: {  	v2 =	vld.idx.msk [tilespmem:v3+s3+$0x0], $0xffff  }
0xc7: {  	v1 =	vadd.s32 $0x186A0, v1;
	_ =	sdelay $0x3  }
0xc8: {  	[tilespmem:v52+s9+$0x0] =	vst.idx.msk $0xffff, v2  }
0xc9: {  	v1 =	vld.idx.msk [tilespmem:v1+s3+$0x0], $0xffff;
	_ =	sdelay $0x4  }
0xca: {  	[tilespmem:v53+s9+$0x0] =	vst.idx.msk $0xffff, v1  }
0xcb: {  	v1 =	vld [tilespmem:$0x1D590];
	_ =	sdelay $0x7  }
0xcc: {  	v2 =	vld.idx.msk [tilespmem:v1+s3+$0x0], $0xffff  }
0xcd: {  	v3 =	vadd.s32 $0x4E20, v1;
	_ =	sdelay $0x3  }
0xce: {  	[tilespmem:v54+s9+$0x0] =	vst.idx.msk $0xffff, v2  }
0xcf: {  	v2 =	vld.idx.msk [tilespmem:v3+s3+$0x0], $0xffff  }
0xd0: {  	v3 =	vadd.s32 $0x9C40, v1;
	_ =	sdelay $0x3  }
0xd1: {  	[tilespmem:v55+s9+$0x0] =	vst.idx.msk $0xffff, v2  }
0xd2: {  	v2 =	vld.idx.msk [tilespmem:v3+s3+$0x0], $0xffff  }
0xd3: {  	v3 =	vadd.s32 $0xEA60, v1;
	_ =	sdelay $0x3  }
0xd4: {  	[tilespmem:v56+s9+$0x0] =	vst.idx.msk $0xffff, v2  }
0xd5: {  	v2 =	vld.idx.msk [tilespmem:v3+s3+$0x0], $0xffff  }
0xd6: {  	v3 =	vadd.s32 $0x13880, v1;
	_ =	sdelay $0x3  }
0xd7: {  	[tilespmem:v57+s9+$0x0] =	vst.idx.msk $0xffff, v2  }
0xd8: {  	v2 =	vld.idx.msk [tilespmem:v3+s3+$0x0], $0xffff  }
0xd9: {  	v1 =	vadd.s32 $0x186A0, v1;
	_ =	sdelay $0x3  }
0xda: {  	[tilespmem:v58+s9+$0x0] =	vst.idx.msk $0xffff, v2  }
0xdb: {  	v1 =	vld.idx.msk [tilespmem:v1+s3+$0x0], $0xffff;
	_ =	sdelay $0x4  }
0xdc: {  	[tilespmem:v59+s9+$0x0] =	vst.idx.msk $0xffff, v1  }
0xdd: {  	v1 =	vld [tilespmem:$0x1D5A0];
	_ =	sdelay $0x7  }
0xde: {  	v2 =	vld.idx.msk [tilespmem:v1+s3+$0x0], $0xffff  }
0xdf: {  	v3 =	vadd.s32 $0x4E20, v1;
	_ =	sdelay $0x3  }
0xe0: {  	[tilespmem:v60+s9+$0x0] =	vst.idx.msk $0xffff, v2  }
0xe1: {  	v2 =	vld.idx.msk [tilespmem:v3+s3+$0x0], $0xffff  }
0xe2: {  	v3 =	vadd.s32 $0x9C40, v1;
	_ =	sdelay $0x3  }
0xe3: {  	[tilespmem:v61+s9+$0x0] =	vst.idx.msk $0xffff, v2  }
0xe4: {  	v2 =	vld.idx.msk [tilespmem:v3+s3+$0x0], $0xffff  }
0xe5: {  	v3 =	vadd.s32 $0xEA60, v1;
	_ =	sdelay $0x3  }
0xe6: {  	[tilespmem:v62+s9+$0x0] =	vst.idx.msk $0xffff, v2  }
0xe7: {  	v2 =	vld.idx.msk [tilespmem:v3+s3+$0x0], $0xffff  }
0xe8: {  	v3 =	vadd.s32 $0x13880, v1;
	_ =	sdelay $0x3  }
0xe9: {  	[tilespmem:v63+s9+$0x0] =	vst.idx.msk $0xffff, v2  }
0xea: {  	v2 =	vld.idx.msk [tilespmem:v3+s3+$0x0], $0xffff;
	v3 =	vadd.s32 $0x3C4, v0  }
0xeb: {  	v1 =	vadd.s32 $0x186A0, v1;
	_ =	sdelay $0x3  }
0xec: {  	[tilespmem:v3+s9+$0x0] =	vst.idx.msk $0xffff, v2  }
0xed: {  	v2 =	vadd.s32 $0x3C5, v0;
	v1 =	vld.idx.msk [tilespmem:v1+s3+$0x0], $0xffff;
	_ =	sdelay $0x4  }
0xee: {  	[tilespmem:v2+s9+$0x0] =	vst.idx.msk $0xffff, v1  }
0xef: {  	v1 =	vld [tilespmem:$0x1D5B0];
	_ =	sdelay $0x7  }
0xf0: {  	v3 =	vadd.s32 $0x420, v0;
	v2 =	vld.idx.msk [tilespmem:v1+s3+$0x0], $0xffff  }
0xf1: {  	v4 =	vadd.s32 $0x4E20, v1;
	_ =	sdelay $0x3  }
0xf2: {  	[tilespmem:v3+s9+$0x0] =	vst.idx.msk $0xffff, v2  }
0xf3: {  	v3 =	vadd.s32 $0x421, v0;
	v2 =	vld.idx.msk [tilespmem:v4+s3+$0x0], $0xffff  }
0xf4: {  	v4 =	vadd.s32 $0x9C40, v1;
	_ =	sdelay $0x3  }
0xf5: {  	[tilespmem:v3+s9+$0x0] =	vst.idx.msk $0xffff, v2  }
0xf6: {  	v3 =	vadd.s32 $0x422, v0;
	v2 =	vld.idx.msk [tilespmem:v4+s3+$0x0], $0xffff  }
0xf7: {  	v4 =	vadd.s32 $0xEA60, v1;
	_ =	sdelay $0x3  }
0xf8: {  	[tilespmem:v3+s9+$0x0] =	vst.idx.msk $0xffff, v2  }
0xf9: {  	v3 =	vadd.s32 $0x423, v0;
	v2 =	vld.idx.msk [tilespmem:v4+s3+$0x0], $0xffff  }
0xfa: {  	v4 =	vadd.s32 $0x13880, v1;
	_ =	sdelay $0x3  }
0xfb: {  	[tilespmem:v3+s9+$0x0] =	vst.idx.msk $0xffff, v2  }
0xfc: {  	v3 =	vadd.s32 $0x424, v0;
	v2 =	vld.idx.msk [tilespmem:v4+s3+$0x0], $0xffff  }
0xfd: {  	v1 =	vadd.s32 $0x186A0, v1;
	_ =	sdelay $0x3  }
0xfe: {  	[tilespmem:v3+s9+$0x0] =	vst.idx.msk $0xffff, v2  }
0xff: {  	v2 =	vadd.s32 $0x425, v0;
	v1 =	vld.idx.msk [tilespmem:v1+s3+$0x0], $0xffff;
	_ =	sdelay $0x4  }
0x100: {  	[tilespmem:v2+s9+$0x0] =	vst.idx.msk $0xffff, v1  }
0x101: {  	v1 =	vld [tilespmem:$0x1D5C0];
	_ =	sdelay $0x7  }
0x102: {  	v3 =	vor.u32 $0x480, v0;
	v2 =	vld.idx.msk [tilespmem:v1+s3+$0x0], $0xffff  }
0x103: {  	v4 =	vadd.s32 $0x4E20, v1;
	_ =	sdelay $0x3  }
0x104: {  	[tilespmem:v3+s9+$0x0] =	vst.idx.msk $0xffff, v2  }
0x105: {  	v3 =	vor.u32 $0x481, v0;
	v2 =	vld.idx.msk [tilespmem:v4+s3+$0x0], $0xffff  }
0x106: {  	v4 =	vadd.s32 $0x9C40, v1;
	_ =	sdelay $0x3  }
0x107: {  	[tilespmem:v3+s9+$0x0] =	vst.idx.msk $0xffff, v2  }
0x108: {  	v3 =	vadd.s32 $0x482, v0;
	v2 =	vld.idx.msk [tilespmem:v4+s3+$0x0], $0xffff  }
0x109: {  	v4 =	vadd.s32 $0xEA60, v1;
	_ =	sdelay $0x3  }
0x10a: {  	[tilespmem:v3+s9+$0x0] =	vst.idx.msk $0xffff, v2  }
0x10b: {  	v3 =	vadd.s32 $0x483, v0;
	v2 =	vld.idx.msk [tilespmem:v4+s3+$0x0], $0xffff  }
0x10c: {  	v4 =	vadd.s32 $0x13880, v1;
	_ =	sdelay $0x3  }
0x10d: {  	[tilespmem:v3+s9+$0x0] =	vst.idx.msk $0xffff, v2  }
0x10e: {  	v3 =	vadd.s32 $0x484, v0;
	v2 =	vld.idx.msk [tilespmem:v4+s3+$0x0], $0xffff  }
0x10f: {  	v1 =	vadd.s32 $0x186A0, v1;
	_ =	sdelay $0x3  }
0x110: {  	[tilespmem:v3+s9+$0x0] =	vst.idx.msk $0xffff, v2  }
0x111: {  	v2 =	vadd.s32 $0x485, v0;
	v1 =	vld.idx.msk [tilespmem:v1+s3+$0x0], $0xffff;
	_ =	sdelay $0x4  }
0x112: {  	[tilespmem:v2+s9+$0x0] =	vst.idx.msk $0xffff, v1  }
0x113: {  	v1 =	vld [tilespmem:$0x1D5D0];
	_ =	sdelay $0x7  }
0x114: {  	v3 =	vadd.s32 $0x4E0, v0;
	v2 =	vld.idx.msk [tilespmem:v1+s3+$0x0], $0xffff  }
0x115: {  	v4 =	vadd.s32 $0x4E20, v1;
	_ =	sdelay $0x3  }
0x116: {  	[tilespmem:v3+s9+$0x0] =	vst.idx.msk $0xffff, v2  }
0x117: {  	v3 =	vadd.s32 $0x4E1, v0;
	v2 =	vld.idx.msk [tilespmem:v4+s3+$0x0], $0xffff  }
0x118: {  	v4 =	vadd.s32 $0x9C40, v1;
	_ =	sdelay $0x3  }
0x119: {  	[tilespmem:v3+s9+$0x0] =	vst.idx.msk $0xffff, v2  }
0x11a: {  	v3 =	vadd.s32 $0x4E2, v0;
	v2 =	vld.idx.msk [tilespmem:v4+s3+$0x0], $0xffff  }
0x11b: {  	v4 =	vadd.s32 $0xEA60, v1;
	_ =	sdelay $0x3  }
0x11c: {  	[tilespmem:v3+s9+$0x0] =	vst.idx.msk $0xffff, v2  }
0x11d: {  	v3 =	vadd.s32 $0x4E3, v0;
	v2 =	vld.idx.msk [tilespmem:v4+s3+$0x0], $0xffff  }
0x11e: {  	v4 =	vadd.s32 $0x13880, v1;
	_ =	sdelay $0x3  }
0x11f: {  	[tilespmem:v3+s9+$0x0] =	vst.idx.msk $0xffff, v2  }
0x120: {  	v3 =	vadd.s32 $0x4E4, v0;
	v2 =	vld.idx.msk [tilespmem:v4+s3+$0x0], $0xffff  }
0x121: {  	v1 =	vadd.s32 $0x186A0, v1;
	_ =	sdelay $0x3  }
0x122: {  	[tilespmem:v3+s9+$0x0] =	vst.idx.msk $0xffff, v2  }
0x123: {  	v2 =	vadd.s32 $0x4E5, v0;
	v1 =	vld.idx.msk [tilespmem:v1+s3+$0x0], $0xffff;
	_ =	sdelay $0x4  }
0x124: {  	[tilespmem:v2+s9+$0x0] =	vst.idx.msk $0xffff, v1  }
0x125: {  	v1 =	vld [tilespmem:$0x1D5E0];
	_ =	sdelay $0x7  }
0x126: {  	v3 =	vadd.s32 $0x540, v0;
	v2 =	vld.idx.msk [tilespmem:v1+s3+$0x0], $0xffff  }
0x127: {  	v4 =	vadd.s32 $0x4E20, v1;
	_ =	sdelay $0x3  }
0x128: {  	[tilespmem:v3+s9+$0x0] =	vst.idx.msk $0xffff, v2  }
0x129: {  	v3 =	vadd.s32 $0x541, v0;
	v2 =	vld.idx.msk [tilespmem:v4+s3+$0x0], $0xffff  }
0x12a: {  	v4 =	vadd.s32 $0x9C40, v1;
	_ =	sdelay $0x3  }
0x12b: {  	[tilespmem:v3+s9+$0x0] =	vst.idx.msk $0xffff, v2  }
0x12c: {  	v3 =	vadd.s32 $0x542, v0;
	v2 =	vld.idx.msk [tilespmem:v4+s3+$0x0], $0xffff  }
0x12d: {  	v4 =	vadd.s32 $0xEA60, v1;
	_ =	sdelay $0x3  }
0x12e: {  	[tilespmem:v3+s9+$0x0] =	vst.idx.msk $0xffff, v2  }
0x12f: {  	v3 =	vadd.s32 $0x543, v0;
	v2 =	vld.idx.msk [tilespmem:v4+s3+$0x0], $0xffff  }
0x130: {  	v4 =	vadd.s32 $0x13880, v1;
	_ =	sdelay $0x3  }
0x131: {  	[tilespmem:v3+s9+$0x0] =	vst.idx.msk $0xffff, v2  }
0x132: {  	v3 =	vadd.s32 $0x544, v0;
	v2 =	vld.idx.msk [tilespmem:v4+s3+$0x0], $0xffff  }
0x133: {  	v1 =	vadd.s32 $0x186A0, v1;
	_ =	sdelay $0x3  }
0x134: {  	[tilespmem:v3+s9+$0x0] =	vst.idx.msk $0xffff, v2  }
0x135: {  	v2 =	vadd.s32 $0x545, v0;
	v1 =	vld.idx.msk [tilespmem:v1+s3+$0x0], $0xffff;
	_ =	sdelay $0x4  }
0x136: {  	[tilespmem:v2+s9+$0x0] =	vst.idx.msk $0xffff, v1  }
0x137: {  	v1 =	vld [tilespmem:$0x1D5F0];
	_ =	sdelay $0x7  }
0x138: {  	v3 =	vadd.s32 $0x5A0, v0;
	v2 =	vld.idx.msk [tilespmem:v1+s3+$0x0], $0xffff  }
0x139: {  	v4 =	vadd.s32 $0x4E20, v1;
	_ =	sdelay $0x3  }
0x13a: {  	[tilespmem:v3+s9+$0x0] =	vst.idx.msk $0xffff, v2  }
0x13b: {  	v3 =	vadd.s32 $0x5A1, v0;
	v2 =	vld.idx.msk [tilespmem:v4+s3+$0x0], $0xffff  }
0x13c: {  	v4 =	vadd.s32 $0x9C40, v1;
	_ =	sdelay $0x3  }
0x13d: {  	[tilespmem:v3+s9+$0x0] =	vst.idx.msk $0xffff, v2  }
0x13e: {  	v3 =	vadd.s32 $0x5A2, v0;
	v2 =	vld.idx.msk [tilespmem:v4+s3+$0x0], $0xffff  }
0x13f: {  	v4 =	vadd.s32 $0xEA60, v1;
	_ =	sdelay $0x3  }
0x140: {  	[tilespmem:v3+s9+$0x0] =	vst.idx.msk $0xffff, v2  }
0x141: {  	v3 =	vadd.s32 $0x5A3, v0;
	v2 =	vld.idx.msk [tilespmem:v4+s3+$0x0], $0xffff  }
0x142: {  	v4 =	vadd.s32 $0x13880, v1;
	_ =	sdelay $0x3  }
0x143: {  	[tilespmem:v3+s9+$0x0] =	vst.idx.msk $0xffff, v2  }
0x144: {  	v3 =	vadd.s32 $0x5A4, v0;
	v2 =	vld.idx.msk [tilespmem:v4+s3+$0x0], $0xffff  }
0x145: {  	v1 =	vadd.s32 $0x186A0, v1;
	_ =	sdelay $0x3  }
0x146: {  	[tilespmem:v3+s9+$0x0] =	vst.idx.msk $0xffff, v2  }
0x147: {  	v2 =	vadd.s32 $0x5A5, v0;
	v1 =	vld.idx.msk [tilespmem:v1+s3+$0x0], $0xffff;
	_ =	sdelay $0x4  }
0x148: {  	[tilespmem:v2+s9+$0x0] =	vst.idx.msk $0xffff, v1  }
0x149: {  	v1 =	vld [tilespmem:$0x1D600];
	_ =	sdelay $0x7  }
0x14a: {  	v3 =	vor.u32 $0x600, v0;
	v2 =	vld.idx.msk [tilespmem:v1+s3+$0x0], $0xffff  }
0x14b: {  	v4 =	vadd.s32 $0x4E20, v1;
	_ =	sdelay $0x3  }
0x14c: {  	[tilespmem:v3+s9+$0x0] =	vst.idx.msk $0xffff, v2  }
0x14d: {  	v3 =	vor.u32 $0x601, v0;
	v2 =	vld.idx.msk [tilespmem:v4+s3+$0x0], $0xffff  }
0x14e: {  	v4 =	vadd.s32 $0x9C40, v1;
	_ =	sdelay $0x3  }
0x14f: {  	[tilespmem:v3+s9+$0x0] =	vst.idx.msk $0xffff, v2  }
0x150: {  	v3 =	vadd.s32 $0x602, v0;
	v2 =	vld.idx.msk [tilespmem:v4+s3+$0x0], $0xffff  }
0x151: {  	v4 =	vadd.s32 $0xEA60, v1;
	_ =	sdelay $0x3  }
0x152: {  	[tilespmem:v3+s9+$0x0] =	vst.idx.msk $0xffff, v2  }
0x153: {  	v3 =	vadd.s32 $0x603, v0;
	v2 =	vld.idx.msk [tilespmem:v4+s3+$0x0], $0xffff  }
0x154: {  	v4 =	vadd.s32 $0x13880, v1;
	_ =	sdelay $0x3  }
0x155: {  	[tilespmem:v3+s9+$0x0] =	vst.idx.msk $0xffff, v2  }
0x156: {  	v3 =	vadd.s32 $0x604, v0;
	v2 =	vld.idx.msk [tilespmem:v4+s3+$0x0], $0xffff  }
0x157: {  	v1 =	vadd.s32 $0x186A0, v1;
	_ =	sdelay $0x3  }
0x158: {  	[tilespmem:v3+s9+$0x0] =	vst.idx.msk $0xffff, v2  }
0x159: {  	v2 =	vadd.s32 $0x605, v0;
	v1 =	vld.idx.msk [tilespmem:v1+s3+$0x0], $0xffff;
	_ =	sdelay $0x4  }
0x15a: {  	[tilespmem:v2+s9+$0x0] =	vst.idx.msk $0xffff, v1  }
0x15b: {  	v1 =	vld [tilespmem:$0x1D610];
	_ =	sdelay $0x7  }
0x15c: {  	v3 =	vadd.s32 $0x660, v0;
	v2 =	vld.idx.msk [tilespmem:v1+s3+$0x0], $0xffff  }
0x15d: {  	v4 =	vadd.s32 $0x4E20, v1;
	_ =	sdelay $0x3  }
0x15e: {  	[tilespmem:v3+s9+$0x0] =	vst.idx.msk $0xffff, v2  }
0x15f: {  	v3 =	vadd.s32 $0x661, v0;
	v2 =	vld.idx.msk [tilespmem:v4+s3+$0x0], $0xffff  }
0x160: {  	v4 =	vadd.s32 $0x9C40, v1;
	_ =	sdelay $0x3  }
0x161: {  	[tilespmem:v3+s9+$0x0] =	vst.idx.msk $0xffff, v2  }
0x162: {  	v3 =	vadd.s32 $0x662, v0;
	v2 =	vld.idx.msk [tilespmem:v4+s3+$0x0], $0xffff  }
0x163: {  	v4 =	vadd.s32 $0xEA60, v1;
	_ =	sdelay $0x3  }
0x164: {  	[tilespmem:v3+s9+$0x0] =	vst.idx.msk $0xffff, v2  }
0x165: {  	v3 =	vadd.s32 $0x663, v0;
	v2 =	vld.idx.msk [tilespmem:v4+s3+$0x0], $0xffff  }
0x166: {  	v4 =	vadd.s32 $0x13880, v1;
	_ =	sdelay $0x3  }
0x167: {  	[tilespmem:v3+s9+$0x0] =	vst.idx.msk $0xffff, v2  }
0x168: {  	v3 =	vadd.s32 $0x664, v0;
	v2 =	vld.idx.msk [tilespmem:v4+s3+$0x0], $0xffff  }
0x169: {  	v1 =	vadd.s32 $0x186A0, v1;
	_ =	sdelay $0x3  }
0x16a: {  	[tilespmem:v3+s9+$0x0] =	vst.idx.msk $0xffff, v2  }
0x16b: {  	v2 =	vadd.s32 $0x665, v0;
	v1 =	vld.idx.msk [tilespmem:v1+s3+$0x0], $0xffff;
	_ =	sdelay $0x4  }
0x16c: {  	[tilespmem:v2+s9+$0x0] =	vst.idx.msk $0xffff, v1  }
0x16d: {  	v1 =	vld [tilespmem:$0x1D620];
	_ =	sdelay $0x7  }
0x16e: {  	v3 =	vadd.s32 $0x6C0, v0;
	v2 =	vld.idx.msk [tilespmem:v1+s3+$0x0], $0xffff  }
0x16f: {  	v4 =	vadd.s32 $0x4E20, v1;
	_ =	sdelay $0x3  }
0x170: {  	[tilespmem:v3+s9+$0x0] =	vst.idx.msk $0xffff, v2  }
0x171: {  	v3 =	vadd.s32 $0x6C1, v0;
	v2 =	vld.idx.msk [tilespmem:v4+s3+$0x0], $0xffff  }
0x172: {  	v4 =	vadd.s32 $0x9C40, v1;
	_ =	sdelay $0x3  }
0x173: {  	[tilespmem:v3+s9+$0x0] =	vst.idx.msk $0xffff, v2  }
0x174: {  	v3 =	vadd.s32 $0x6C2, v0;
	v2 =	vld.idx.msk [tilespmem:v4+s3+$0x0], $0xffff  }
0x175: {  	v4 =	vadd.s32 $0xEA60, v1;
	_ =	sdelay $0x3  }
0x176: {  	[tilespmem:v3+s9+$0x0] =	vst.idx.msk $0xffff, v2  }
0x177: {  	v3 =	vadd.s32 $0x6C3, v0;
	v2 =	vld.idx.msk [tilespmem:v4+s3+$0x0], $0xffff  }
0x178: {  	v4 =	vadd.s32 $0x13880, v1;
	_ =	sdelay $0x3  }
0x179: {  	[tilespmem:v3+s9+$0x0] =	vst.idx.msk $0xffff, v2  }
0x17a: {  	v3 =	vadd.s32 $0x6C4, v0;
	v2 =	vld.idx.msk [tilespmem:v4+s3+$0x0], $0xffff  }
0x17b: {  	v1 =	vadd.s32 $0x186A0, v1;
	_ =	sdelay $0x3  }
0x17c: {  	[tilespmem:v3+s9+$0x0] =	vst.idx.msk $0xffff, v2  }
0x17d: {  	v2 =	vadd.s32 $0x6C5, v0;
	v1 =	vld.idx.msk [tilespmem:v1+s3+$0x0], $0xffff;
	_ =	sdelay $0x4  }
0x17e: {  	[tilespmem:v2+s9+$0x0] =	vst.idx.msk $0xffff, v1  }
0x17f: {  	v1 =	vld [tilespmem:$0x1D630];
	_ =	sdelay $0x7  }
0x180: {  	v3 =	vadd.s32 $0x720, v0;
	v2 =	vld.idx.msk [tilespmem:v1+s3+$0x0], $0xffff  }
0x181: {  	v4 =	vadd.s32 $0x4E20, v1;
	_ =	sdelay $0x3  }
0x182: {  	[tilespmem:v3+s9+$0x0] =	vst.idx.msk $0xffff, v2  }
0x183: {  	v3 =	vadd.s32 $0x721, v0;
	v2 =	vld.idx.msk [tilespmem:v4+s3+$0x0], $0xffff  }
0x184: {  	v4 =	vadd.s32 $0x9C40, v1;
	_ =	sdelay $0x3  }
0x185: {  	[tilespmem:v3+s9+$0x0] =	vst.idx.msk $0xffff, v2  }
0x186: {  	v3 =	vadd.s32 $0x722, v0;
	v2 =	vld.idx.msk [tilespmem:v4+s3+$0x0], $0xffff  }
0x187: {  	v4 =	vadd.s32 $0xEA60, v1;
	_ =	sdelay $0x3  }
0x188: {  	[tilespmem:v3+s9+$0x0] =	vst.idx.msk $0xffff, v2  }
0x189: {  	v3 =	vadd.s32 $0x723, v0;
	v2 =	vld.idx.msk [tilespmem:v4+s3+$0x0], $0xffff  }
0x18a: {  	v4 =	vadd.s32 $0x13880, v1;
	_ =	sdelay $0x3  }
0x18b: {  	[tilespmem:v3+s9+$0x0] =	vst.idx.msk $0xffff, v2  }
0x18c: {  	v3 =	vadd.s32 $0x724, v0;
	v2 =	vld.idx.msk [tilespmem:v4+s3+$0x0], $0xffff  }
0x18d: {  	v1 =	vadd.s32 $0x186A0, v1;
	_ =	sdelay $0x3  }
0x18e: {  	[tilespmem:v3+s9+$0x0] =	vst.idx.msk $0xffff, v2  }
0x18f: {  	v2 =	vadd.s32 $0x725, v0;
	v1 =	vld.idx.msk [tilespmem:v1+s3+$0x0], $0xffff;
	_ =	sdelay $0x4  }
0x190: {  	[tilespmem:v2+s9+$0x0] =	vst.idx.msk $0xffff, v1  }
0x191: {  	v1 =	vld [tilespmem:$0x1D640];
	_ =	sdelay $0x7  }
0x192: {  	v3 =	vor.u32 $0x780, v0;
	v2 =	vld.idx.msk [tilespmem:v1+s3+$0x0], $0xffff  }
0x193: {  	v4 =	vadd.s32 $0x4E20, v1;
	_ =	sdelay $0x3  }
0x194: {  	[tilespmem:v3+s9+$0x0] =	vst.idx.msk $0xffff, v2  }
0x195: {  	v3 =	vor.u32 $0x781, v0;
	v2 =	vld.idx.msk [tilespmem:v4+s3+$0x0], $0xffff  }
0x196: {  	v4 =	vadd.s32 $0x9C40, v1;
	_ =	sdelay $0x3  }
0x197: {  	[tilespmem:v3+s9+$0x0] =	vst.idx.msk $0xffff, v2  }
0x198: {  	v3 =	vadd.s32 $0x782, v0;
	v2 =	vld.idx.msk [tilespmem:v4+s3+$0x0], $0xffff  }
0x199: {  	v4 =	vadd.s32 $0xEA60, v1;
	_ =	sdelay $0x3  }
0x19a: {  	[tilespmem:v3+s9+$0x0] =	vst.idx.msk $0xffff, v2  }
0x19b: {  	v3 =	vadd.s32 $0x783, v0;
	v2 =	vld.idx.msk [tilespmem:v4+s3+$0x0], $0xffff  }
0x19c: {  	v4 =	vadd.s32 $0x13880, v1;
	_ =	sdelay $0x3  }
0x19d: {  	[tilespmem:v3+s9+$0x0] =	vst.idx.msk $0xffff, v2  }
0x19e: {  	v3 =	vadd.s32 $0x784, v0;
	v2 =	vld.idx.msk [tilespmem:v4+s3+$0x0], $0xffff  }
0x19f: {  	v1 =	vadd.s32 $0x186A0, v1;
	_ =	sdelay $0x3  }
0x1a0: {  	[tilespmem:v3+s9+$0x0] =	vst.idx.msk $0xffff, v2  }
0x1a1: {  	v2 =	vadd.s32 $0x785, v0;
	v1 =	vld.idx.msk [tilespmem:v1+s3+$0x0], $0xffff;
	_ =	sdelay $0x4  }
0x1a2: {  	[tilespmem:v2+s9+$0x0] =	vst.idx.msk $0xffff, v1  }
0x1a3: {  	v1 =	vld [tilespmem:$0x1D650];
	_ =	sdelay $0x7  }
0x1a4: {  	v3 =	vadd.s32 $0x7E0, v0;
	v2 =	vld.idx.msk [tilespmem:v1+s3+$0x0], $0xffff  }
0x1a5: {  	v4 =	vadd.s32 $0x4E20, v1;
	_ =	sdelay $0x3  }
0x1a6: {  	[tilespmem:v3+s9+$0x0] =	vst.idx.msk $0xffff, v2  }
0x1a7: {  	v3 =	vadd.s32 $0x7E1, v0;
	v2 =	vld.idx.msk [tilespmem:v4+s3+$0x0], $0xffff  }
0x1a8: {  	v4 =	vadd.s32 $0x9C40, v1;
	_ =	sdelay $0x3  }
0x1a9: {  	[tilespmem:v3+s9+$0x0] =	vst.idx.msk $0xffff, v2  }
0x1aa: {  	v3 =	vadd.s32 $0x7E2, v0;
	v2 =	vld.idx.msk [tilespmem:v4+s3+$0x0], $0xffff  }
0x1ab: {  	v4 =	vadd.s32 $0xEA60, v1;
	_ =	sdelay $0x3  }
0x1ac: {  	[tilespmem:v3+s9+$0x0] =	vst.idx.msk $0xffff, v2  }
0x1ad: {  	v3 =	vadd.s32 $0x7E3, v0;
	v2 =	vld.idx.msk [tilespmem:v4+s3+$0x0], $0xffff  }
0x1ae: {  	v4 =	vadd.s32 $0x13880, v1;
	_ =	sdelay $0x3  }
0x1af: {  	[tilespmem:v3+s9+$0x0] =	vst.idx.msk $0xffff, v2  }
0x1b0: {  	v3 =	vadd.s32 $0x7E4, v0;
	v2 =	vld.idx.msk [tilespmem:v4+s3+$0x0], $0xffff  }
0x1b1: {  	v1 =	vadd.s32 $0x186A0, v1;
	_ =	sdelay $0x3  }
0x1b2: {  	[tilespmem:v3+s9+$0x0] =	vst.idx.msk $0xffff, v2  }
0x1b3: {  	v2 =	vadd.s32 $0x7E5, v0;
	v1 =	vld.idx.msk [tilespmem:v1+s3+$0x0], $0xffff;
	_ =	sdelay $0x4  }
0x1b4: {  	[tilespmem:v2+s9+$0x0] =	vst.idx.msk $0xffff, v1  }
0x1b5: {  	v1 =	vld [tilespmem:$0x1D660];
	_ =	sdelay $0x7  }
0x1b6: {  	v3 =	vadd.s32 $0x840, v0;
	v2 =	vld.idx.msk [tilespmem:v1+s3+$0x0], $0xffff  }
0x1b7: {  	v4 =	vadd.s32 $0x4E20, v1;
	_ =	sdelay $0x3  }
0x1b8: {  	[tilespmem:v3+s9+$0x0] =	vst.idx.msk $0xffff, v2  }
0x1b9: {  	v3 =	vadd.s32 $0x841, v0;
	v2 =	vld.idx.msk [tilespmem:v4+s3+$0x0], $0xffff  }
0x1ba: {  	v4 =	vadd.s32 $0x9C40, v1;
	_ =	sdelay $0x3  }
0x1bb: {  	[tilespmem:v3+s9+$0x0] =	vst.idx.msk $0xffff, v2  }
0x1bc: {  	v3 =	vadd.s32 $0x842, v0;
	v2 =	vld.idx.msk [tilespmem:v4+s3+$0x0], $0xffff  }
0x1bd: {  	v4 =	vadd.s32 $0xEA60, v1;
	_ =	sdelay $0x3  }
0x1be: {  	[tilespmem:v3+s9+$0x0] =	vst.idx.msk $0xffff, v2  }
0x1bf: {  	v3 =	vadd.s32 $0x843, v0;
	v2 =	vld.idx.msk [tilespmem:v4+s3+$0x0], $0xffff  }
0x1c0: {  	v4 =	vadd.s32 $0x13880, v1;
	_ =	sdelay $0x3  }
0x1c1: {  	[tilespmem:v3+s9+$0x0] =	vst.idx.msk $0xffff, v2  }
0x1c2: {  	v3 =	vadd.s32 $0x844, v0;
	v2 =	vld.idx.msk [tilespmem:v4+s3+$0x0], $0xffff  }
0x1c3: {  	v1 =	vadd.s32 $0x186A0, v1;
	_ =	sdelay $0x3  }
0x1c4: {  	[tilespmem:v3+s9+$0x0] =	vst.idx.msk $0xffff, v2  }
0x1c5: {  	v2 =	vadd.s32 $0x845, v0;
	v1 =	vld.idx.msk [tilespmem:v1+s3+$0x0], $0xffff;
	_ =	sdelay $0x4  }
0x1c6: {  	[tilespmem:v2+s9+$0x0] =	vst.idx.msk $0xffff, v1  }
0x1c7: {  	v1 =	vld [tilespmem:$0x1D670];
	_ =	sdelay $0x7  }
0x1c8: {  	v3 =	vadd.s32 $0x8A0, v0;
	v2 =	vld.idx.msk [tilespmem:v1+s3+$0x0], $0xffff  }
0x1c9: {  	v4 =	vadd.s32 $0x4E20, v1;
	_ =	sdelay $0x3  }
0x1ca: {  	[tilespmem:v3+s9+$0x0] =	vst.idx.msk $0xffff, v2  }
0x1cb: {  	v3 =	vadd.s32 $0x8A1, v0;
	v2 =	vld.idx.msk [tilespmem:v4+s3+$0x0], $0xffff  }
0x1cc: {  	v4 =	vadd.s32 $0x9C40, v1;
	_ =	sdelay $0x3  }
0x1cd: {  	[tilespmem:v3+s9+$0x0] =	vst.idx.msk $0xffff, v2  }
0x1ce: {  	v3 =	vadd.s32 $0x8A2, v0;
	v2 =	vld.idx.msk [tilespmem:v4+s3+$0x0], $0xffff  }
0x1cf: {  	v4 =	vadd.s32 $0xEA60, v1;
	_ =	sdelay $0x3  }
0x1d0: {  	[tilespmem:v3+s9+$0x0] =	vst.idx.msk $0xffff, v2  }
0x1d1: {  	v3 =	vadd.s32 $0x8A3, v0;
	v2 =	vld.idx.msk [tilespmem:v4+s3+$0x0], $0xffff  }
0x1d2: {  	v4 =	vadd.s32 $0x13880, v1;
	_ =	sdelay $0x3  }
0x1d3: {  	[tilespmem:v3+s9+$0x0] =	vst.idx.msk $0xffff, v2  }
0x1d4: {  	v3 =	vadd.s32 $0x8A4, v0;
	v2 =	vld.idx.msk [tilespmem:v4+s3+$0x0], $0xffff  }
0x1d5: {  	v1 =	vadd.s32 $0x186A0, v1;
	_ =	sdelay $0x3  }
0x1d6: {  	[tilespmem:v3+s9+$0x0] =	vst.idx.msk $0xffff, v2  }
0x1d7: {  	v2 =	vadd.s32 $0x8A5, v0;
	v1 =	vld.idx.msk [tilespmem:v1+s3+$0x0], $0xffff;
	_ =	sdelay $0x4  }
0x1d8: {  	[tilespmem:v2+s9+$0x0] =	vst.idx.msk $0xffff, v1  }
0x1d9: {  	v1 =	vld [tilespmem:$0x1D680];
	_ =	sdelay $0x7  }
0x1da: {  	v3 =	vor.u32 $0x900, v0;
	v2 =	vld.idx.msk [tilespmem:v1+s3+$0x0], $0xffff  }
0x1db: {  	v4 =	vadd.s32 $0x4E20, v1;
	_ =	sdelay $0x3  }
0x1dc: {  	[tilespmem:v3+s9+$0x0] =	vst.idx.msk $0xffff, v2  }
0x1dd: {  	v3 =	vor.u32 $0x901, v0;
	v2 =	vld.idx.msk [tilespmem:v4+s3+$0x0], $0xffff  }
0x1de: {  	v4 =	vadd.s32 $0x9C40, v1;
	_ =	sdelay $0x3  }
0x1df: {  	[tilespmem:v3+s9+$0x0] =	vst.idx.msk $0xffff, v2  }
0x1e0: {  	v3 =	vadd.s32 $0x902, v0;
	v2 =	vld.idx.msk [tilespmem:v4+s3+$0x0], $0xffff  }
0x1e1: {  	v4 =	vadd.s32 $0xEA60, v1;
	_ =	sdelay $0x3  }
0x1e2: {  	[tilespmem:v3+s9+$0x0] =	vst.idx.msk $0xffff, v2  }
0x1e3: {  	v3 =	vadd.s32 $0x903, v0;
	v2 =	vld.idx.msk [tilespmem:v4+s3+$0x0], $0xffff  }
0x1e4: {  	v4 =	vadd.s32 $0x13880, v1;
	_ =	sdelay $0x3  }
0x1e5: {  	[tilespmem:v3+s9+$0x0] =	vst.idx.msk $0xffff, v2  }
0x1e6: {  	v3 =	vadd.s32 $0x904, v0;
	v2 =	vld.idx.msk [tilespmem:v4+s3+$0x0], $0xffff  }
0x1e7: {  	v1 =	vadd.s32 $0x186A0, v1;
	_ =	sdelay $0x3  }
0x1e8: {  	[tilespmem:v3+s9+$0x0] =	vst.idx.msk $0xffff, v2  }
0x1e9: {  	v2 =	vadd.s32 $0x905, v0;
	v1 =	vld.idx.msk [tilespmem:v1+s3+$0x0], $0xffff;
	_ =	sdelay $0x4  }
0x1ea: {  	[tilespmem:v2+s9+$0x0] =	vst.idx.msk $0xffff, v1  }
0x1eb: {  	v1 =	vld [tilespmem:$0x1D690];
	_ =	sdelay $0x7  }
0x1ec: {  	v3 =	vadd.s32 $0x960, v0;
	v2 =	vld.idx.msk [tilespmem:v1+s3+$0x0], $0xffff  }
0x1ed: {  	v4 =	vadd.s32 $0x4E20, v1;
	_ =	sdelay $0x3  }
0x1ee: {  	[tilespmem:v3+s9+$0x0] =	vst.idx.msk $0xffff, v2  }
0x1ef: {  	v3 =	vadd.s32 $0x961, v0;
	v2 =	vld.idx.msk [tilespmem:v4+s3+$0x0], $0xffff  }
0x1f0: {  	v4 =	vadd.s32 $0x9C40, v1;
	_ =	sdelay $0x3  }
0x1f1: {  	[tilespmem:v3+s9+$0x0] =	vst.idx.msk $0xffff, v2  }
0x1f2: {  	v3 =	vadd.s32 $0x962, v0;
	v2 =	vld.idx.msk [tilespmem:v4+s3+$0x0], $0xffff  }
0x1f3: {  	v4 =	vadd.s32 $0xEA60, v1;
	_ =	sdelay $0x3  }
0x1f4: {  	[tilespmem:v3+s9+$0x0] =	vst.idx.msk $0xffff, v2  }
0x1f5: {  	v3 =	vadd.s32 $0x963, v0;
	v2 =	vld.idx.msk [tilespmem:v4+s3+$0x0], $0xffff  }
0x1f6: {  	v4 =	vadd.s32 $0x13880, v1;
	_ =	sdelay $0x3  }
0x1f7: {  	[tilespmem:v3+s9+$0x0] =	vst.idx.msk $0xffff, v2  }
0x1f8: {  	v3 =	vadd.s32 $0x964, v0;
	v2 =	vld.idx.msk [tilespmem:v4+s3+$0x0], $0xffff  }
0x1f9: {  	v1 =	vadd.s32 $0x186A0, v1;
	_ =	sdelay $0x3  }
0x1fa: {  	[tilespmem:v3+s9+$0x0] =	vst.idx.msk $0xffff, v2  }
0x1fb: {  	v2 =	vadd.s32 $0x965, v0;
	v1 =	vld.idx.msk [tilespmem:v1+s3+$0x0], $0xffff;
	_ =	sdelay $0x4  }
0x1fc: {  	[tilespmem:v2+s9+$0x0] =	vst.idx.msk $0xffff, v1  }
0x1fd: {  	v1 =	vld [tilespmem:$0x1D6A0];
	_ =	sdelay $0x7  }
0x1fe: {  	v3 =	vadd.s32 $0x9C0, v0;
	v2 =	vld.idx.msk [tilespmem:v1+s3+$0x0], $0xffff  }
0x1ff: {  	v4 =	vadd.s32 $0x4E20, v1;
	_ =	sdelay $0x3  }
0x200: {  	[tilespmem:v3+s9+$0x0] =	vst.idx.msk $0xffff, v2  }
0x201: {  	v3 =	vadd.s32 $0x9C1, v0;
	v2 =	vld.idx.msk [tilespmem:v4+s3+$0x0], $0xffff  }
0x202: {  	v4 =	vadd.s32 $0x9C40, v1;
	_ =	sdelay $0x3  }
0x203: {  	[tilespmem:v3+s9+$0x0] =	vst.idx.msk $0xffff, v2  }
0x204: {  	v3 =	vadd.s32 $0x9C2, v0;
	v2 =	vld.idx.msk [tilespmem:v4+s3+$0x0], $0xffff  }
0x205: {  	v4 =	vadd.s32 $0xEA60, v1;
	_ =	sdelay $0x3  }
0x206: {  	[tilespmem:v3+s9+$0x0] =	vst.idx.msk $0xffff, v2  }
0x207: {  	v3 =	vadd.s32 $0x9C3, v0;
	v2 =	vld.idx.msk [tilespmem:v4+s3+$0x0], $0xffff  }
0x208: {  	v4 =	vadd.s32 $0x13880, v1;
	_ =	sdelay $0x3  }
0x209: {  	[tilespmem:v3+s9+$0x0] =	vst.idx.msk $0xffff, v2  }
0x20a: {  	v3 =	vadd.s32 $0x9C4, v0;
	v2 =	vld.idx.msk [tilespmem:v4+s3+$0x0], $0xffff  }
0x20b: {  	v1 =	vadd.s32 $0x186A0, v1;
	_ =	sdelay $0x3  }
0x20c: {  	[tilespmem:v3+s9+$0x0] =	vst.idx.msk $0xffff, v2  }
0x20d: {  	v2 =	vadd.s32 $0x9C5, v0;
	v1 =	vld.idx.msk [tilespmem:v1+s3+$0x0], $0xffff;
	_ =	sdelay $0x4  }
0x20e: {  	[tilespmem:v2+s9+$0x0] =	vst.idx.msk $0xffff, v1  }
0x20f: {  	v1 =	vld [tilespmem:$0x1D6B0];
	_ =	sdelay $0x7  }
0x210: {  	v3 =	vadd.s32 $0xA20, v0;
	v2 =	vld.idx.msk [tilespmem:v1+s3+$0x0], $0xffff  }
0x211: {  	v4 =	vadd.s32 $0x4E20, v1;
	_ =	sdelay $0x3  }
0x212: {  	[tilespmem:v3+s9+$0x0] =	vst.idx.msk $0xffff, v2  }
0x213: {  	v3 =	vadd.s32 $0xA21, v0;
	v2 =	vld.idx.msk [tilespmem:v4+s3+$0x0], $0xffff  }
0x214: {  	v4 =	vadd.s32 $0x9C40, v1;
	_ =	sdelay $0x3  }
0x215: {  	[tilespmem:v3+s9+$0x0] =	vst.idx.msk $0xffff, v2  }
0x216: {  	v3 =	vadd.s32 $0xA22, v0;
	v2 =	vld.idx.msk [tilespmem:v4+s3+$0x0], $0xffff  }
0x217: {  	v4 =	vadd.s32 $0xEA60, v1;
	_ =	sdelay $0x3  }
0x218: {  	[tilespmem:v3+s9+$0x0] =	vst.idx.msk $0xffff, v2  }
0x219: {  	v3 =	vadd.s32 $0xA23, v0;
	v2 =	vld.idx.msk [tilespmem:v4+s3+$0x0], $0xffff  }
0x21a: {  	v4 =	vadd.s32 $0x13880, v1;
	_ =	sdelay $0x3  }
0x21b: {  	[tilespmem:v3+s9+$0x0] =	vst.idx.msk $0xffff, v2  }
0x21c: {  	v3 =	vadd.s32 $0xA24, v0;
	v2 =	vld.idx.msk [tilespmem:v4+s3+$0x0], $0xffff  }
0x21d: {  	v1 =	vadd.s32 $0x186A0, v1;
	_ =	sdelay $0x3  }
0x21e: {  	[tilespmem:v3+s9+$0x0] =	vst.idx.msk $0xffff, v2  }
0x21f: {  	v2 =	vadd.s32 $0xA25, v0;
	v1 =	vld.idx.msk [tilespmem:v1+s3+$0x0], $0xffff;
	_ =	sdelay $0x4  }
0x220: {  	[tilespmem:v2+s9+$0x0] =	vst.idx.msk $0xffff, v1  }
0x221: {  	v1 =	vld [tilespmem:$0x1D6C0];
	_ =	sdelay $0x7  }
0x222: {  	v3 =	vor.u32 $0xA80, v0;
	v2 =	vld.idx.msk [tilespmem:v1+s3+$0x0], $0xffff  }
0x223: {  	v4 =	vadd.s32 $0x4E20, v1;
	_ =	sdelay $0x3  }
0x224: {  	[tilespmem:v3+s9+$0x0] =	vst.idx.msk $0xffff, v2  }
0x225: {  	v3 =	vor.u32 $0xA81, v0;
	v2 =	vld.idx.msk [tilespmem:v4+s3+$0x0], $0xffff  }
0x226: {  	v4 =	vadd.s32 $0x9C40, v1;
	_ =	sdelay $0x3  }
0x227: {  	[tilespmem:v3+s9+$0x0] =	vst.idx.msk $0xffff, v2  }
0x228: {  	v3 =	vadd.s32 $0xA82, v0;
	v2 =	vld.idx.msk [tilespmem:v4+s3+$0x0], $0xffff  }
0x229: {  	v4 =	vadd.s32 $0xEA60, v1;
	_ =	sdelay $0x3  }
0x22a: {  	[tilespmem:v3+s9+$0x0] =	vst.idx.msk $0xffff, v2  }
0x22b: {  	v3 =	vadd.s32 $0xA83, v0;
	v2 =	vld.idx.msk [tilespmem:v4+s3+$0x0], $0xffff  }
0x22c: {  	v4 =	vadd.s32 $0x13880, v1;
	_ =	sdelay $0x3  }
0x22d: {  	[tilespmem:v3+s9+$0x0] =	vst.idx.msk $0xffff, v2  }
0x22e: {  	v3 =	vadd.s32 $0xA84, v0;
	v2 =	vld.idx.msk [tilespmem:v4+s3+$0x0], $0xffff  }
0x22f: {  	v1 =	vadd.s32 $0x186A0, v1;
	_ =	sdelay $0x3  }
0x230: {  	[tilespmem:v3+s9+$0x0] =	vst.idx.msk $0xffff, v2  }
0x231: {  	v2 =	vadd.s32 $0xA85, v0;
	v1 =	vld.idx.msk [tilespmem:v1+s3+$0x0], $0xffff;
	_ =	sdelay $0x4  }
0x232: {  	[tilespmem:v2+s9+$0x0] =	vst.idx.msk $0xffff, v1  }
0x233: {  	v1 =	vld [tilespmem:$0x1D6D0];
	_ =	sdelay $0x7  }
0x234: {  	v3 =	vadd.s32 $0xAE0, v0;
	v2 =	vld.idx.msk [tilespmem:v1+s3+$0x0], $0xffff  }
0x235: {  	v4 =	vadd.s32 $0x4E20, v1;
	_ =	sdelay $0x3  }
0x236: {  	[tilespmem:v3+s9+$0x0] =	vst.idx.msk $0xffff, v2  }
0x237: {  	v3 =	vadd.s32 $0xAE1, v0;
	v2 =	vld.idx.msk [tilespmem:v4+s3+$0x0], $0xffff  }
0x238: {  	v4 =	vadd.s32 $0x9C40, v1;
	_ =	sdelay $0x3  }
0x239: {  	[tilespmem:v3+s9+$0x0] =	vst.idx.msk $0xffff, v2  }
0x23a: {  	v3 =	vadd.s32 $0xAE2, v0;
	v2 =	vld.idx.msk [tilespmem:v4+s3+$0x0], $0xffff  }
0x23b: {  	v4 =	vadd.s32 $0xEA60, v1;
	_ =	sdelay $0x3  }
0x23c: {  	[tilespmem:v3+s9+$0x0] =	vst.idx.msk $0xffff, v2  }
0x23d: {  	v3 =	vadd.s32 $0xAE3, v0;
	v2 =	vld.idx.msk [tilespmem:v4+s3+$0x0], $0xffff  }
0x23e: {  	v4 =	vadd.s32 $0x13880, v1;
	_ =	sdelay $0x3  }
0x23f: {  	[tilespmem:v3+s9+$0x0] =	vst.idx.msk $0xffff, v2  }
0x240: {  	v3 =	vadd.s32 $0xAE4, v0;
	v2 =	vld.idx.msk [tilespmem:v4+s3+$0x0], $0xffff  }
0x241: {  	v1 =	vadd.s32 $0x186A0, v1;
	_ =	sdelay $0x3  }
0x242: {  	[tilespmem:v3+s9+$0x0] =	vst.idx.msk $0xffff, v2  }
0x243: {  	v2 =	vadd.s32 $0xAE5, v0;
	v1 =	vld.idx.msk [tilespmem:v1+s3+$0x0], $0xffff;
	_ =	sdelay $0x4  }
0x244: {  	[tilespmem:v2+s9+$0x0] =	vst.idx.msk $0xffff, v1  }
0x245: {  	v1 =	vld [tilespmem:$0x1D6E0];
	_ =	sdelay $0x7  }
0x246: {  	v3 =	vadd.s32 $0xB40, v0;
	v2 =	vld.idx.msk [tilespmem:v1+s3+$0x0], $0xffff  }
0x247: {  	v4 =	vadd.s32 $0x4E20, v1;
	_ =	sdelay $0x3  }
0x248: {  	[tilespmem:v3+s9+$0x0] =	vst.idx.msk $0xffff, v2  }
0x249: {  	v3 =	vadd.s32 $0xB41, v0;
	v2 =	vld.idx.msk [tilespmem:v4+s3+$0x0], $0xffff  }
0x24a: {  	v4 =	vadd.s32 $0x9C40, v1;
	_ =	sdelay $0x3  }
0x24b: {  	[tilespmem:v3+s9+$0x0] =	vst.idx.msk $0xffff, v2  }
0x24c: {  	v3 =	vadd.s32 $0xB42, v0;
	v2 =	vld.idx.msk [tilespmem:v4+s3+$0x0], $0xffff  }
0x24d: {  	v4 =	vadd.s32 $0xEA60, v1;
	_ =	sdelay $0x3  }
0x24e: {  	[tilespmem:v3+s9+$0x0] =	vst.idx.msk $0xffff, v2  }
0x24f: {  	v3 =	vadd.s32 $0xB43, v0;
	v2 =	vld.idx.msk [tilespmem:v4+s3+$0x0], $0xffff  }
0x250: {  	v4 =	vadd.s32 $0x13880, v1;
	_ =	sdelay $0x3  }
0x251: {  	[tilespmem:v3+s9+$0x0] =	vst.idx.msk $0xffff, v2  }
0x252: {  	v3 =	vadd.s32 $0xB44, v0;
	v2 =	vld.idx.msk [tilespmem:v4+s3+$0x0], $0xffff  }
0x253: {  	v1 =	vadd.s32 $0x186A0, v1;
	_ =	sdelay $0x3  }
0x254: {  	[tilespmem:v3+s9+$0x0] =	vst.idx.msk $0xffff, v2  }
0x255: {  	v2 =	vadd.s32 $0xB45, v0;
	v1 =	vld.idx.msk [tilespmem:v1+s3+$0x0], $0xffff;
	_ =	sdelay $0x4  }
0x256: {  	[tilespmem:v2+s9+$0x0] =	vst.idx.msk $0xffff, v1  }
0x257: {  	v1 =	vld [tilespmem:$0x1D6F0];
	_ =	sdelay $0x7  }
0x258: {  	v3 =	vadd.s32 $0xBA0, v0;
	v2 =	vld.idx.msk [tilespmem:v1+s3+$0x0], $0xffff  }
0x259: {  	v4 =	vadd.s32 $0x4E20, v1;
	_ =	sdelay $0x3  }
0x25a: {  	[tilespmem:v3+s9+$0x0] =	vst.idx.msk $0xffff, v2  }
0x25b: {  	v3 =	vadd.s32 $0xBA1, v0;
	v2 =	vld.idx.msk [tilespmem:v4+s3+$0x0], $0xffff  }
0x25c: {  	v4 =	vadd.s32 $0x9C40, v1;
	_ =	sdelay $0x3  }
0x25d: {  	[tilespmem:v3+s9+$0x0] =	vst.idx.msk $0xffff, v2  }
0x25e: {  	v3 =	vadd.s32 $0xBA2, v0;
	v2 =	vld.idx.msk [tilespmem:v4+s3+$0x0], $0xffff  }
0x25f: {  	v4 =	vadd.s32 $0xEA60, v1;
	_ =	sdelay $0x3  }
0x260: {  	[tilespmem:v3+s9+$0x0] =	vst.idx.msk $0xffff, v2  }
0x261: {  	v3 =	vadd.s32 $0xBA3, v0;
	v2 =	vld.idx.msk [tilespmem:v4+s3+$0x0], $0xffff  }
0x262: {  	v4 =	vadd.s32 $0x13880, v1;
	_ =	sdelay $0x3  }
0x263: {  	[tilespmem:v3+s9+$0x0] =	vst.idx.msk $0xffff, v2  }
0x264: {  	v3 =	vadd.s32 $0xBA4, v0;
	v2 =	vld.idx.msk [tilespmem:v4+s3+$0x0], $0xffff  }
0x265: {  	v1 =	vadd.s32 $0x186A0, v1;
	_ =	sdelay $0x3  }
0x266: {  	[tilespmem:v3+s9+$0x0] =	vst.idx.msk $0xffff, v2  }
0x267: {  	v2 =	vadd.s32 $0xBA5, v0;
	v1 =	vld.idx.msk [tilespmem:v1+s3+$0x0], $0xffff;
	_ =	sdelay $0x4  }
0x268: {  	[tilespmem:v2+s9+$0x0] =	vst.idx.msk $0xffff, v1  }
0x269: {  	v1 =	vld [tilespmem:$0x1D700];
	_ =	sdelay $0x7  }
0x26a: {  	v3 =	vor.u32 $0xC00, v0;
	v2 =	vld.idx.msk [tilespmem:v1+s3+$0x0], $0xffff  }
0x26b: {  	v4 =	vadd.s32 $0x4E20, v1;
	_ =	sdelay $0x3  }
0x26c: {  	[tilespmem:v3+s9+$0x0] =	vst.idx.msk $0xffff, v2  }
0x26d: {  	v3 =	vor.u32 $0xC01, v0;
	v2 =	vld.idx.msk [tilespmem:v4+s3+$0x0], $0xffff  }
0x26e: {  	v4 =	vadd.s32 $0x9C40, v1;
	_ =	sdelay $0x3  }
0x26f: {  	[tilespmem:v3+s9+$0x0] =	vst.idx.msk $0xffff, v2  }
0x270: {  	v3 =	vadd.s32 $0xC02, v0;
	v2 =	vld.idx.msk [tilespmem:v4+s3+$0x0], $0xffff  }
0x271: {  	v4 =	vadd.s32 $0xEA60, v1;
	_ =	sdelay $0x3  }
0x272: {  	[tilespmem:v3+s9+$0x0] =	vst.idx.msk $0xffff, v2  }
0x273: {  	v3 =	vadd.s32 $0xC03, v0;
	v2 =	vld.idx.msk [tilespmem:v4+s3+$0x0], $0xffff  }
0x274: {  	v4 =	vadd.s32 $0x13880, v1;
	_ =	sdelay $0x3  }
0x275: {  	[tilespmem:v3+s9+$0x0] =	vst.idx.msk $0xffff, v2  }
0x276: {  	v3 =	vadd.s32 $0xC04, v0;
	v2 =	vld.idx.msk [tilespmem:v4+s3+$0x0], $0xffff  }
0x277: {  	v1 =	vadd.s32 $0x186A0, v1;
	_ =	sdelay $0x3  }
0x278: {  	[tilespmem:v3+s9+$0x0] =	vst.idx.msk $0xffff, v2  }
0x279: {  	v2 =	vadd.s32 $0xC05, v0;
	v1 =	vld.idx.msk [tilespmem:v1+s3+$0x0], $0xffff;
	_ =	sdelay $0x4  }
0x27a: {  	[tilespmem:v2+s9+$0x0] =	vst.idx.msk $0xffff, v1  }
0x27b: {  	v1 =	vld [tilespmem:$0x1D710];
	_ =	sdelay $0x7  }
0x27c: {  	v3 =	vadd.s32 $0xC60, v0;
	v2 =	vld.idx.msk [tilespmem:v1+s3+$0x0], $0xffff  }
0x27d: {  	v4 =	vadd.s32 $0x4E20, v1;
	_ =	sdelay $0x3  }
0x27e: {  	[tilespmem:v3+s9+$0x0] =	vst.idx.msk $0xffff, v2  }
0x27f: {  	v3 =	vadd.s32 $0xC61, v0;
	v2 =	vld.idx.msk [tilespmem:v4+s3+$0x0], $0xffff  }
0x280: {  	v4 =	vadd.s32 $0x9C40, v1;
	_ =	sdelay $0x3  }
0x281: {  	[tilespmem:v3+s9+$0x0] =	vst.idx.msk $0xffff, v2  }
0x282: {  	v3 =	vadd.s32 $0xC62, v0;
	v2 =	vld.idx.msk [tilespmem:v4+s3+$0x0], $0xffff  }
0x283: {  	v4 =	vadd.s32 $0xEA60, v1;
	_ =	sdelay $0x3  }
0x284: {  	[tilespmem:v3+s9+$0x0] =	vst.idx.msk $0xffff, v2  }
0x285: {  	v3 =	vadd.s32 $0xC63, v0;
	v2 =	vld.idx.msk [tilespmem:v4+s3+$0x0], $0xffff  }
0x286: {  	v4 =	vadd.s32 $0x13880, v1;
	_ =	sdelay $0x3  }
0x287: {  	[tilespmem:v3+s9+$0x0] =	vst.idx.msk $0xffff, v2  }
0x288: {  	v3 =	vadd.s32 $0xC64, v0;
	v2 =	vld.idx.msk [tilespmem:v4+s3+$0x0], $0xffff  }
0x289: {  	v1 =	vadd.s32 $0x186A0, v1;
	_ =	sdelay $0x3  }
0x28a: {  	[tilespmem:v3+s9+$0x0] =	vst.idx.msk $0xffff, v2  }
0x28b: {  	v2 =	vadd.s32 $0xC65, v0;
	v1 =	vld.idx.msk [tilespmem:v1+s3+$0x0], $0xffff;
	_ =	sdelay $0x4  }
0x28c: {  	[tilespmem:v2+s9+$0x0] =	vst.idx.msk $0xffff, v1  }
0x28d: {  	v1 =	vld [tilespmem:$0x1D720];
	_ =	sdelay $0x7  }
0x28e: {  	v3 =	vadd.s32 $0xCC0, v0;
	v2 =	vld.idx.msk [tilespmem:v1+s3+$0x0], $0xffff  }
0x28f: {  	v4 =	vadd.s32 $0x4E20, v1;
	_ =	sdelay $0x3  }
0x290: {  	[tilespmem:v3+s9+$0x0] =	vst.idx.msk $0xffff, v2  }
0x291: {  	v3 =	vadd.s32 $0xCC1, v0;
	v2 =	vld.idx.msk [tilespmem:v4+s3+$0x0], $0xffff  }
0x292: {  	v4 =	vadd.s32 $0x9C40, v1;
	_ =	sdelay $0x3  }
0x293: {  	[tilespmem:v3+s9+$0x0] =	vst.idx.msk $0xffff, v2  }
0x294: {  	v3 =	vadd.s32 $0xCC2, v0;
	v2 =	vld.idx.msk [tilespmem:v4+s3+$0x0], $0xffff  }
0x295: {  	v4 =	vadd.s32 $0xEA60, v1;
	_ =	sdelay $0x3  }
0x296: {  	[tilespmem:v3+s9+$0x0] =	vst.idx.msk $0xffff, v2  }
0x297: {  	v3 =	vadd.s32 $0xCC3, v0;
	v2 =	vld.idx.msk [tilespmem:v4+s3+$0x0], $0xffff  }
0x298: {  	v4 =	vadd.s32 $0x13880, v1;
	_ =	sdelay $0x3  }
0x299: {  	[tilespmem:v3+s9+$0x0] =	vst.idx.msk $0xffff, v2  }
0x29a: {  	v3 =	vadd.s32 $0xCC4, v0;
	v2 =	vld.idx.msk [tilespmem:v4+s3+$0x0], $0xffff  }
0x29b: {  	v1 =	vadd.s32 $0x186A0, v1;
	_ =	sdelay $0x3  }
0x29c: {  	[tilespmem:v3+s9+$0x0] =	vst.idx.msk $0xffff, v2  }
0x29d: {  	v2 =	vadd.s32 $0xCC5, v0;
	v1 =	vld.idx.msk [tilespmem:v1+s3+$0x0], $0xffff;
	_ =	sdelay $0x4  }
0x29e: {  	[tilespmem:v2+s9+$0x0] =	vst.idx.msk $0xffff, v1  }
0x29f: {  	v1 =	vld [tilespmem:$0x1D730];
	_ =	sdelay $0x7  }
0x2a0: {  	v3 =	vadd.s32 $0xD20, v0;
	v2 =	vld.idx.msk [tilespmem:v1+s3+$0x0], $0xffff  }
0x2a1: {  	v4 =	vadd.s32 $0x4E20, v1;
	_ =	sdelay $0x3  }
0x2a2: {  	[tilespmem:v3+s9+$0x0] =	vst.idx.msk $0xffff, v2  }
0x2a3: {  	v3 =	vadd.s32 $0xD21, v0;
	v2 =	vld.idx.msk [tilespmem:v4+s3+$0x0], $0xffff  }
0x2a4: {  	v4 =	vadd.s32 $0x9C40, v1;
	_ =	sdelay $0x3  }
0x2a5: {  	[tilespmem:v3+s9+$0x0] =	vst.idx.msk $0xffff, v2  }
0x2a6: {  	v3 =	vadd.s32 $0xD22, v0;
	v2 =	vld.idx.msk [tilespmem:v4+s3+$0x0], $0xffff  }
0x2a7: {  	v4 =	vadd.s32 $0xEA60, v1;
	_ =	sdelay $0x3  }
0x2a8: {  	[tilespmem:v3+s9+$0x0] =	vst.idx.msk $0xffff, v2  }
0x2a9: {  	v3 =	vadd.s32 $0xD23, v0;
	v2 =	vld.idx.msk [tilespmem:v4+s3+$0x0], $0xffff  }
0x2aa: {  	v4 =	vadd.s32 $0x13880, v1;
	_ =	sdelay $0x3  }
0x2ab: {  	[tilespmem:v3+s9+$0x0] =	vst.idx.msk $0xffff, v2  }
0x2ac: {  	v3 =	vadd.s32 $0xD24, v0;
	v2 =	vld.idx.msk [tilespmem:v4+s3+$0x0], $0xffff  }
0x2ad: {  	v1 =	vadd.s32 $0x186A0, v1;
	_ =	sdelay $0x3  }
0x2ae: {  	[tilespmem:v3+s9+$0x0] =	vst.idx.msk $0xffff, v2  }
0x2af: {  	v2 =	vadd.s32 $0xD25, v0;
	v1 =	vld.idx.msk [tilespmem:v1+s3+$0x0], $0xffff;
	_ =	sdelay $0x4  }
0x2b0: {  	[tilespmem:v2+s9+$0x0] =	vst.idx.msk $0xffff, v1  }
0x2b1: {  	v1 =	vld [tilespmem:$0x1D740];
	_ =	sdelay $0x7  }
0x2b2: {  	v3 =	vor.u32 $0xD80, v0;
	v2 =	vld.idx.msk [tilespmem:v1+s3+$0x0], $0xffff  }
0x2b3: {  	v4 =	vadd.s32 $0x4E20, v1;
	_ =	sdelay $0x3  }
0x2b4: {  	[tilespmem:v3+s9+$0x0] =	vst.idx.msk $0xffff, v2  }
0x2b5: {  	v3 =	vor.u32 $0xD81, v0;
	v2 =	vld.idx.msk [tilespmem:v4+s3+$0x0], $0xffff  }
0x2b6: {  	v4 =	vadd.s32 $0x9C40, v1;
	_ =	sdelay $0x3  }
0x2b7: {  	[tilespmem:v3+s9+$0x0] =	vst.idx.msk $0xffff, v2  }
0x2b8: {  	v3 =	vadd.s32 $0xD82, v0;
	v2 =	vld.idx.msk [tilespmem:v4+s3+$0x0], $0xffff  }
0x2b9: {  	v4 =	vadd.s32 $0xEA60, v1;
	_ =	sdelay $0x3  }
0x2ba: {  	[tilespmem:v3+s9+$0x0] =	vst.idx.msk $0xffff, v2  }
0x2bb: {  	v3 =	vadd.s32 $0xD83, v0;
	v2 =	vld.idx.msk [tilespmem:v4+s3+$0x0], $0xffff  }
0x2bc: {  	v4 =	vadd.s32 $0x13880, v1;
	_ =	sdelay $0x3  }
0x2bd: {  	[tilespmem:v3+s9+$0x0] =	vst.idx.msk $0xffff, v2  }
0x2be: {  	v3 =	vadd.s32 $0xD84, v0;
	v2 =	vld.idx.msk [tilespmem:v4+s3+$0x0], $0xffff  }
0x2bf: {  	v1 =	vadd.s32 $0x186A0, v1;
	_ =	sdelay $0x3  }
0x2c0: {  	[tilespmem:v3+s9+$0x0] =	vst.idx.msk $0xffff, v2  }
0x2c1: {  	v2 =	vadd.s32 $0xD85, v0;
	v1 =	vld.idx.msk [tilespmem:v1+s3+$0x0], $0xffff;
	_ =	sdelay $0x4  }
0x2c2: {  	[tilespmem:v2+s9+$0x0] =	vst.idx.msk $0xffff, v1  }
0x2c3: {  	v1 =	vld [tilespmem:$0x1D750];
	_ =	sdelay $0x7  }
0x2c4: {  	v3 =	vadd.s32 $0xDE0, v0;
	v2 =	vld.idx.msk [tilespmem:v1+s3+$0x0], $0xffff  }
0x2c5: {  	v4 =	vadd.s32 $0x4E20, v1;
	_ =	sdelay $0x3  }
0x2c6: {  	[tilespmem:v3+s9+$0x0] =	vst.idx.msk $0xffff, v2  }
0x2c7: {  	v3 =	vadd.s32 $0xDE1, v0;
	v2 =	vld.idx.msk [tilespmem:v4+s3+$0x0], $0xffff  }
0x2c8: {  	v4 =	vadd.s32 $0x9C40, v1;
	_ =	sdelay $0x3  }
0x2c9: {  	[tilespmem:v3+s9+$0x0] =	vst.idx.msk $0xffff, v2  }
0x2ca: {  	v3 =	vadd.s32 $0xDE2, v0;
	v2 =	vld.idx.msk [tilespmem:v4+s3+$0x0], $0xffff  }
0x2cb: {  	v4 =	vadd.s32 $0xEA60, v1;
	_ =	sdelay $0x3  }
0x2cc: {  	[tilespmem:v3+s9+$0x0] =	vst.idx.msk $0xffff, v2  }
0x2cd: {  	v3 =	vadd.s32 $0xDE3, v0;
	v2 =	vld.idx.msk [tilespmem:v4+s3+$0x0], $0xffff  }
0x2ce: {  	v4 =	vadd.s32 $0x13880, v1;
	_ =	sdelay $0x3  }
0x2cf: {  	[tilespmem:v3+s9+$0x0] =	vst.idx.msk $0xffff, v2  }
0x2d0: {  	v3 =	vadd.s32 $0xDE4, v0;
	v2 =	vld.idx.msk [tilespmem:v4+s3+$0x0], $0xffff  }
0x2d1: {  	v1 =	vadd.s32 $0x186A0, v1;
	_ =	sdelay $0x3  }
0x2d2: {  	[tilespmem:v3+s9+$0x0] =	vst.idx.msk $0xffff, v2  }
0x2d3: {  	v2 =	vadd.s32 $0xDE5, v0;
	v1 =	vld.idx.msk [tilespmem:v1+s3+$0x0], $0xffff;
	_ =	sdelay $0x4  }
0x2d4: {  	[tilespmem:v2+s9+$0x0] =	vst.idx.msk $0xffff, v1  }
0x2d5: {  	v1 =	vld [tilespmem:$0x1D760];
	_ =	sdelay $0x7  }
0x2d6: {  	v3 =	vadd.s32 $0xE40, v0;
	v2 =	vld.idx.msk [tilespmem:v1+s3+$0x0], $0xffff  }
0x2d7: {  	v4 =	vadd.s32 $0x4E20, v1;
	_ =	sdelay $0x3  }
0x2d8: {  	[tilespmem:v3+s9+$0x0] =	vst.idx.msk $0xffff, v2  }
0x2d9: {  	v3 =	vadd.s32 $0xE41, v0;
	v2 =	vld.idx.msk [tilespmem:v4+s3+$0x0], $0xffff  }
0x2da: {  	v4 =	vadd.s32 $0x9C40, v1;
	_ =	sdelay $0x3  }
0x2db: {  	[tilespmem:v3+s9+$0x0] =	vst.idx.msk $0xffff, v2  }
0x2dc: {  	v3 =	vadd.s32 $0xE42, v0;
	v2 =	vld.idx.msk [tilespmem:v4+s3+$0x0], $0xffff  }
0x2dd: {  	v4 =	vadd.s32 $0xEA60, v1;
	_ =	sdelay $0x3  }
0x2de: {  	[tilespmem:v3+s9+$0x0] =	vst.idx.msk $0xffff, v2  }
0x2df: {  	v3 =	vadd.s32 $0xE43, v0;
	v2 =	vld.idx.msk [tilespmem:v4+s3+$0x0], $0xffff  }
0x2e0: {  	v4 =	vadd.s32 $0x13880, v1;
	_ =	sdelay $0x3  }
0x2e1: {  	[tilespmem:v3+s9+$0x0] =	vst.idx.msk $0xffff, v2  }
0x2e2: {  	v3 =	vadd.s32 $0xE44, v0;
	v2 =	vld.idx.msk [tilespmem:v4+s3+$0x0], $0xffff  }
0x2e3: {  	v1 =	vadd.s32 $0x186A0, v1;
	_ =	sdelay $0x3  }
0x2e4: {  	[tilespmem:v3+s9+$0x0] =	vst.idx.msk $0xffff, v2  }
0x2e5: {  	v2 =	vadd.s32 $0xE45, v0;
	v1 =	vld.idx.msk [tilespmem:v1+s3+$0x0], $0xffff;
	_ =	sdelay $0x4  }
0x2e6: {  	[tilespmem:v2+s9+$0x0] =	vst.idx.msk $0xffff, v1  }
0x2e7: {  	v1 =	vld [tilespmem:$0x1D770];
	_ =	sdelay $0x7  }
0x2e8: {  	v3 =	vadd.s32 $0xEA0, v0;
	v2 =	vld.idx.msk [tilespmem:v1+s3+$0x0], $0xffff  }
0x2e9: {  	v4 =	vadd.s32 $0x4E20, v1;
	_ =	sdelay $0x3  }
0x2ea: {  	[tilespmem:v3+s9+$0x0] =	vst.idx.msk $0xffff, v2  }
0x2eb: {  	v3 =	vadd.s32 $0xEA1, v0;
	v2 =	vld.idx.msk [tilespmem:v4+s3+$0x0], $0xffff  }
0x2ec: {  	v4 =	vadd.s32 $0x9C40, v1;
	_ =	sdelay $0x3  }
0x2ed: {  	[tilespmem:v3+s9+$0x0] =	vst.idx.msk $0xffff, v2  }
0x2ee: {  	v3 =	vadd.s32 $0xEA2, v0;
	v2 =	vld.idx.msk [tilespmem:v4+s3+$0x0], $0xffff  }
0x2ef: {  	v4 =	vadd.s32 $0xEA60, v1;
	_ =	sdelay $0x3  }
0x2f0: {  	[tilespmem:v3+s9+$0x0] =	vst.idx.msk $0xffff, v2  }
0x2f1: {  	v3 =	vadd.s32 $0xEA3, v0;
	v2 =	vld.idx.msk [tilespmem:v4+s3+$0x0], $0xffff  }
0x2f2: {  	v4 =	vadd.s32 $0x13880, v1;
	_ =	sdelay $0x3  }
0x2f3: {  	[tilespmem:v3+s9+$0x0] =	vst.idx.msk $0xffff, v2  }
0x2f4: {  	v3 =	vadd.s32 $0xEA4, v0;
	v2 =	vld.idx.msk [tilespmem:v4+s3+$0x0], $0xffff  }
0x2f5: {  	v1 =	vadd.s32 $0x186A0, v1;
	_ =	sdelay $0x3  }
0x2f6: {  	[tilespmem:v3+s9+$0x0] =	vst.idx.msk $0xffff, v2  }
0x2f7: {  	v2 =	vadd.s32 $0xEA5, v0;
	v1 =	vld.idx.msk [tilespmem:v1+s3+$0x0], $0xffff;
	_ =	sdelay $0x3  }
0x2f8: {  	p0 =	sne.s32 s6, $0x1  }
.Ltmp1:
0x2f9: {  	[tilespmem:v2+s9+$0x0] =	vst.idx.msk $0xffff, v1;
	(pc) =	sbr.rel @p0 .LBB2_2-.Ltmp1, $4  }
0x2fa: {  	[hbm4b:s5+s3] =	stream.linear.scatter [tilespmem:s9], [sflag:$0x1], $0xF00, $0x38;
	[tilespmem:$0x1E680] =	vst v63  }
0x2fb: {  	_ =	swait.ge [sflag:s7], $0xF00  }
0x2fc: {  	[sflag:s7] =	ssyncset.done $0x0  }
0x2fd: {  	s6 =	sadd.s32 $0xFFFFFFFF, s6;
	[sflag:s7] =	ssyncadd.s32 $0xFFFFF100  }
.LBB2_3:
0x2fe: {  	_ =	sfence.sel $0x180000  }
0x2ff: {  	[bflag:$0x0] =	sbarrier.arrive $0xFFFF  }
0x300: {  	p0 =	sne.s32 s1, $0x0;
	_ =	strace $0x90000047  }
0x301: {  	s0 =	sadd.s32 @!p0 $0x100000, s0;
	[bflag:$0x2] =	sbarrier.arrive $0xFFFF  }
0x302: {  	[sflag:s0] =	ssyncadd.tile.s32 @!p0 $0x1;
	_ =	shalt  }
.Lfunc_end2:
_tile_overlayer_lowered:
.L_overlay_start_2:
0x303: {  	(tag) =	ssettag $0x2  }
0x304: {  	s0 =	rddreg [dreg:$0x0];
	s2 =	stileid.u32  }
0x305: {  	s1 =	rddreg [dreg:$0x1];
	p0 =	sne.s32 s2, $0x0  }
0x306: {  	s3 =	rddreg [dreg:$0x2];
	[bflag:$0x3] =	sbarrier.arrive $0xFFFF;
	s2 =	simm.s32 @!p0 $0x1C01  }
0x307: {  	[timem:s3], [sflag:s2] =	dma.local @!p0 [hbm:s0], s1  }
0x308: {  	s0 =	simm.s32 @!p0 $0x1  }
0x309: {  	_ =	swait.ge @!p0 [sflag:s0], s1  }
0x30a: {  	s1 =	ssub.s32 @!p0 $0x0, s1;
	[sflag:s0] =	ssyncset.done @!p0 $0x0  }
0x30b: {  	[sflag:s0] =	ssyncadd.s32 @!p0 s1  }
0x30c: {  	[bflag:$0x3] =	sbarrier.arrive $0xFFFF  }
0x30d: {  	_ =	shalt  }

</sc_bundles>
